<compile_context>
chip_gen: v7x
topology: tpu7x:2x2x1
jax: 0.10.2.dev20260603
libtpu: 0.0.44.dev20260713+nightly
codegen_flags: <defaults>
</compile_context>

<pallas_src>
import functools

import jax
import jax.numpy as jnp
from jax import lax
from jax.experimental import pallas as pl
from jax.experimental.pallas import tpu as pltpu
from jax.experimental.pallas import tpu_sc as plsc

VOCAB = 100000
EMB_DIM = 128
UNITS = 512


_VPAD = 100352
_VBLK = 7168
_GRID = _VPAD // _VBLK


def _lut_body(tab_ref, w1_ref, b1_ref, w2_ref, b2_ref, out_ref):
    h = jnp.maximum(tab_ref[...], 0.0).astype(jnp.bfloat16)
    a = jnp.dot(h, w1_ref[...], preferred_element_type=jnp.float32) + b1_ref[...]
    a = jnp.maximum(a, 0.0)
    o = jnp.dot(a, w2_ref[...], preferred_element_type=jnp.float32) + b2_ref[...]
    out_ref[...] = o.reshape(_VBLK // 128, 128)


def _build_lut(table, W1, b1, W2, b2):
    b1r = b1.reshape(1, UNITS)
    b2r = b2.reshape(1, 1)
    out = pl.pallas_call(
        _lut_body,
        grid=(_GRID,),
        in_specs=[
            pl.BlockSpec((_VBLK, EMB_DIM), lambda i: (i, 0)),
            pl.BlockSpec((EMB_DIM, UNITS), lambda i: (0, 0)),
            pl.BlockSpec((1, UNITS), lambda i: (0, 0)),
            pl.BlockSpec((UNITS, 1), lambda i: (0, 0)),
            pl.BlockSpec((1, 1), lambda i: (0, 0)),
        ],
        out_specs=pl.BlockSpec((_VBLK // 128, 128), lambda i: (i, 0)),
        out_shape=jax.ShapeDtypeStruct((_VPAD // 128, 128), jnp.float32),
    )(table, W1.astype(jnp.bfloat16), b1r, W2, b2r)
    return out.reshape(_VPAD)



_NC = 2
_NS = 16
_NW = _NC * _NS


_CH = 256
_K = 64


def _gather_body(rows_per_w, n_fields, lut_hbm, idx_hbm, out_hbm,
                 lut_sp, idx_v, out_v, sem):
    sid = lax.axis_index("s")
    wid = sid * _NC + lax.axis_index("c")
    seg = _VPAD // _NS
    pltpu.sync_copy(lut_hbm.at[pl.ds(sid * seg, seg)],
                    lut_sp.at[pl.ds(sid * seg, seg)])
    plsc.subcore_barrier()
    rb = wid * rows_per_w

    def chunk_body(c, _):
        r0 = rb + c * _CH
        pltpu.sync_copy(idx_hbm.at[pl.ds(r0, _CH), :], idx_v)

        def grp_body(g, _):
            handles = [
                pltpu.async_copy(lut_sp.at[idx_v.at[g * _K + k]],
                                 out_v.at[g * _K + k], sem)
                for k in range(_K)
            ]
            for h in handles:
                h.wait()
            return 0

        lax.fori_loop(0, _CH // _K, grp_body, 0)
        pltpu.sync_copy(out_v, out_hbm.at[pl.ds(r0, _CH), :])
        return 0

    lax.fori_loop(0, rows_per_w // _CH, chunk_body, 0)


def _gather(lut, x):
    B, F = x.shape
    rows_per_w = B // _NW
    mesh = plsc.VectorSubcoreMesh(core_axis_name="c", subcore_axis_name="s")
    return pl.kernel(
        functools.partial(_gather_body, rows_per_w, F),
        out_type=jax.ShapeDtypeStruct((B, F), jnp.float32),
        mesh=mesh,
        scratch_types=[
            pltpu.VMEM_SHARED((_VPAD,), jnp.float32),
            pltpu.VMEM((_CH, F), jnp.int32),
            pltpu.VMEM((_CH, F), jnp.float32),
            pltpu.SemaphoreType.DMA,
        ],
    )(lut, x)


def kernel(x, table, W1, b1, W2, b2):
    lut = _build_lut(table, W1, b1, W2, b2)
    B, F = x.shape
    out2d = _gather(lut, x)
    return out2d.reshape(B, F, 1)

# --- scband reference (transcript-rebuilt; emitter-appended) ---
"""Pipeline reference for scband-embedding-network-8581344657414 (READ-ONLY COPY).

The authoritative reference and input builder live on the scoring server;
editing this copy changes nothing except your own understanding.
"""

import jax, jax.numpy as jnp
import numpy as np

VOCAB = 100000
EMB_DIM = 128
UNITS = 512
BATCH = 16384
FIELDS = 100

def setup_inputs(seed: int = 0) -> dict:
    key = jax.random.key(seed)
    k1, k2, k3, k4, k5, k6 = jax.random.split(key, 6)
    x = jax.random.randint(k1, (BATCH, FIELDS), 0, VOCAB, dtype=jnp.int64 if jax.config.jax_enable_x64 else jnp.int32)
    table = jax.random.normal(k2, (VOCAB, EMB_DIM), dtype=jnp.float32) * 0.02
    W1 = jax.random.normal(k3, (EMB_DIM, UNITS), dtype=jnp.float32) * (1.0 / np.sqrt(EMB_DIM))
    b1 = jax.random.normal(k4, (UNITS,), dtype=jnp.float32) * 0.01
    W2 = jax.random.normal(k5, (UNITS, 1), dtype=jnp.float32) * (1.0 / np.sqrt(UNITS))
    b2 = jax.random.normal(k6, (1,), dtype=jnp.float32) * 0.01
    return {"x": x, "table": table, "W1": W1, "b1": b1, "W2": W2, "b2": b2}

def reference(x, table, W1, b1, W2, b2):
    # x = F.relu(self.embedding_layer(x))
    h = jax.nn.relu(jnp.take(table, x, axis=0))           # [B, F, emb_dim]
    # x = F.relu(self.linear(x))
    h = jax.nn.relu(jnp.dot(h, W1) + b1)                  # [B, F, units]
    # x = self.out(x)
    out = jnp.dot(h, W2) + b2                             # [B, F, 1]
    return out

if __name__ == "__main__":
    import jax
    _d = setup_inputs()
    print(jax.jit(kernel)(*tuple(_d.values())))

</pallas_src>

<mosaic_0001>
#map = affine_map<(d0, d1) -> (0)>
#map1 = affine_map<(d0, d1) -> (0, 0)>
module attributes {stable_mosaic.version = 14 : i64} {
  func.func @_gather_body(%arg0: i32, %arg1: i32, %arg2: memref<100352xf32, #tpu.memory_space<hbm>>, %arg3: memref<16384x100xi32, #tpu.memory_space<hbm>>, %arg4: memref<16384x100xf32, #tpu.memory_space<hbm>>, %arg5: memref<100352xf32, #tpu.memory_space<vmem_shared>>, %arg6: memref<256x100xi32, #tpu.memory_space<vmem>>, %arg7: memref<256x100xf32, #tpu.memory_space<vmem>>, %arg8: memref<!tpu.dma_semaphore, #tpu.memory_space<semaphore_mem>>) attributes {dimension_semantics = [#tpu.dimension_semantics<core_parallel>, #tpu.dimension_semantics<subcore_parallel>], iteration_bounds = array<i64: 2, 16>, scalar_prefetch = 0 : i64, scratch_operands = 4 : i64, tpu.core_type = #tpu.core_type<sc_vector_subcore>, window_params = [{transform_indices = #map}, {transform_indices = #map1}, {transform_indices = #map1}]} {
    %mul3A = arith.constant 2 : i32
    %mul3A_0 = arith.muli %arg1, %mul3A : i32
    %add3A = arith.addi %mul3A_0, %arg0 : i32
    %mul3A_1 = arith.constant 6272 : i32
    %mul3A_2 = arith.muli %arg1, %mul3A_1 : i32
    %mul3A_3 = arith.constant 6272 : i32
    %mul3A_4 = arith.muli %arg1, %mul3A_3 : i32
    "tpu.region"() ({
      %run_scoped3A = tpu.sem_alloc : memref<!tpu.dma_semaphore, #tpu.memory_space<semaphore_mem>>
      %dma_start3A = tpu.memref_slice %arg5[%mul3A_4] : memref<100352xf32, #tpu.memory_space<vmem_shared>> -> memref<6272xf32, #tpu.memory_space<vmem_shared>>
      %dma_start3A_13 = tpu.memref_slice %arg2[%mul3A_2] : memref<100352xf32, #tpu.memory_space<hbm>> -> memref<6272xf32, #tpu.memory_space<hbm>>
      tpu.enqueue_dma source(%dma_start3A_13 : memref<6272xf32, #tpu.memory_space<hbm>>) target(%dma_start3A : memref<6272xf32, #tpu.memory_space<vmem_shared>>) target_semaphore(%run_scoped3A : memref<!tpu.dma_semaphore, #tpu.memory_space<semaphore_mem>>)
      %dma_wait3A = tpu.memref_slice %arg5[%mul3A_4] : memref<100352xf32, #tpu.memory_space<vmem_shared>> -> memref<6272xf32, #tpu.memory_space<vmem_shared>>
      %dma_wait3A_14 = tpu.memref_slice %arg2[%mul3A_2] : memref<100352xf32, #tpu.memory_space<hbm>> -> memref<6272xf32, #tpu.memory_space<hbm>>
      tpu.wait_dma2 semaphore(%run_scoped3A : memref<!tpu.dma_semaphore, #tpu.memory_space<semaphore_mem>>) src(%dma_wait3A_14 : memref<6272xf32, #tpu.memory_space<hbm>>) dst(%dma_wait3A : memref<6272xf32, #tpu.memory_space<vmem_shared>>)
      tpu.yield
    }) : () -> ()
    %barrier3A = arith.constant 0 : index
    tpu.barrier barrier_id(%barrier3A)
    %mul3A_5 = arith.constant 512 : i32
    %mul3A_6 = arith.muli %add3A, %mul3A_5 : i32
    %scan3A = arith.constant 0 : i32
    %scan3A_7 = arith.constant 0 : i32
    %scan3A_8 = arith.constant 2 : i32
    %scan3A_9 = arith.addi %scan3A_7, %scan3A_8 : i32
    %scan3A_10 = arith.constant 1 : i32
    %scan3A_11 = scf.for %scan3A_13 = %scan3A_7 to %scan3A_9 step %scan3A_10 iter_args(%scan3A_14 = %scan3A) -> (i32)  : i32 {
      %mul3A_15 = arith.constant 256 : i32
      %mul3A_16 = arith.muli %scan3A_13, %mul3A_15 : i32
      %add3A_17 = arith.addi %mul3A_6, %mul3A_16 : i32
      "tpu.region"() ({
        %run_scoped3A = tpu.sem_alloc : memref<!tpu.dma_semaphore, #tpu.memory_space<semaphore_mem>>
        %dma_start3A = arith.constant 0 : i32
        %dma_start3A_26 = tpu.memref_slice %arg3[%add3A_17, %dma_start3A] : memref<16384x100xi32, #tpu.memory_space<hbm>> -> memref<256x100xi32, #tpu.memory_space<hbm>>
        %dma_start3A_27 = arith.constant 0 : i32
        %dma_start3A_28 = tpu.memref_slice %arg3[%add3A_17, %dma_start3A_27] : memref<16384x100xi32, #tpu.memory_space<hbm>> -> memref<256x100xi32, #tpu.memory_space<hbm>>
        tpu.enqueue_dma source(%dma_start3A_28 : memref<256x100xi32, #tpu.memory_space<hbm>>) target(%arg6 : memref<256x100xi32, #tpu.memory_space<vmem>>) target_semaphore(%run_scoped3A : memref<!tpu.dma_semaphore, #tpu.memory_space<semaphore_mem>>)
        %dma_wait3A = arith.constant 0 : i32
        %dma_wait3A_29 = tpu.memref_slice %arg3[%add3A_17, %dma_wait3A] : memref<16384x100xi32, #tpu.memory_space<hbm>> -> memref<256x100xi32, #tpu.memory_space<hbm>>
        %dma_wait3A_30 = arith.constant 0 : i32
        %dma_wait3A_31 = tpu.memref_slice %arg3[%add3A_17, %dma_wait3A_30] : memref<16384x100xi32, #tpu.memory_space<hbm>> -> memref<256x100xi32, #tpu.memory_space<hbm>>
        tpu.wait_dma2 semaphore(%run_scoped3A : memref<!tpu.dma_semaphore, #tpu.memory_space<semaphore_mem>>) src(%dma_wait3A_31 : memref<256x100xi32, #tpu.memory_space<hbm>>) dst(%arg6 : memref<256x100xi32, #tpu.memory_space<vmem>>)
        tpu.yield
      }) : () -> ()
      %scan3A_18 = arith.constant 0 : i32
      %scan3A_19 = arith.constant 0 : i32
      %scan3A_20 = arith.constant 4 : i32
      %scan3A_21 = arith.addi %scan3A_19, %scan3A_20 : i32
      %scan3A_22 = arith.constant 1 : i32
      %scan3A_23 = scf.for %scan3A_26 = %scan3A_19 to %scan3A_21 step %scan3A_22 iter_args(%scan3A_27 = %scan3A_18) -> (i32)  : i32 {
        %mul3A_28 = arith.constant 64 : i32
        %mul3A_29 = arith.muli %scan3A_26, %mul3A_28 : i32
        %add3A_30 = arith.constant 0 : i32
        %add3A_31 = arith.addi %mul3A_29, %add3A_30 : i32
        %mul3A_32 = arith.constant 64 : i32
        %mul3A_33 = arith.muli %scan3A_26, %mul3A_32 : i32
        %add3A_34 = arith.constant 0 : i32
        %add3A_35 = arith.addi %mul3A_33, %add3A_34 : i32
        %dma_start3A = arith.constant 0 : i32
        %dma_start3A_36 = tpu.memref_slice %arg7[%add3A_35, %dma_start3A] : memref<256x100xf32, #tpu.memory_space<vmem>> -> memref<1x100xf32, #tpu.memory_space<vmem>>
        %dma_start3A_37 = tpu.memref_squeeze %dma_start3A_36 : memref<1x100xf32, #tpu.memory_space<vmem>> -> memref<100xf32, #tpu.memory_space<vmem>>
        %dma_start3A_38 = arith.constant 0 : i32
        %dma_start3A_39 = tpu.memref_slice %arg6[%add3A_31, %dma_start3A_38] : memref<256x100xi32, #tpu.memory_space<vmem>> -> memref<1x100xi32, #tpu.memory_space<vmem>>
        %dma_start3A_40 = tpu.memref_squeeze %dma_start3A_39 : memref<1x100xi32, #tpu.memory_space<vmem>> -> memref<100xi32, #tpu.memory_space<vmem>>
        %dma_start3A_41 = arith.constant 0 : i32
        %dma_start3A_42 = tpu.memref_slice %arg5[%dma_start3A_41] : memref<100352xf32, #tpu.memory_space<vmem_shared>> -> memref<100352xf32, #tpu.memory_space<vmem_shared>>
        tpu.enqueue_indirect_dma source(%dma_start3A_42 : memref<100352xf32, #tpu.memory_space<vmem_shared>>) target(%dma_start3A_37 : memref<100xf32, #tpu.memory_space<vmem>>) offsets(%dma_start3A_40 : memref<100xi32, #tpu.memory_space<vmem>>) semaphore(%arg8 : memref<!tpu.dma_semaphore, #tpu.memory_space<semaphore_mem>>)
        %mul3A_43 = arith.constant 64 : i32
        %mul3A_44 = arith.muli %scan3A_26, %mul3A_43 : i32
        %add3A_45 = arith.constant 1 : i32
        %add3A_46 = arith.addi %mul3A_44, %add3A_45 : i32
        %mul3A_47 = arith.constant 64 : i32
        %mul3A_48 = arith.muli %scan3A_26, %mul3A_47 : i32
        %add3A_49 = arith.constant 1 : i32
        %add3A_50 = arith.addi %mul3A_48, %add3A_49 : i32
        %dma_start3A_51 = arith.constant 0 : i32
        %dma_start3A_52 = tpu.memref_slice %arg7[%add3A_50, %dma_start3A_51] : memref<256x100xf32, #tpu.memory_space<vmem>> -> memref<1x100xf32, #tpu.memory_space<vmem>>
        %dma_start3A_53 = tpu.memref_squeeze %dma_start3A_52 : memref<1x100xf32, #tpu.memory_space<vmem>> -> memref<100xf32, #tpu.memory_space<vmem>>
        %dma_start3A_54 = arith.constant 0 : i32
        %dma_start3A_55 = tpu.memref_slice %arg6[%add3A_46, %dma_start3A_54] : memref<256x100xi32, #tpu.memory_space<vmem>> -> memref<1x100xi32, #tpu.memory_space<vmem>>
        %dma_start3A_56 = tpu.memref_squeeze %dma_start3A_55 : memref<1x100xi32, #tpu.memory_space<vmem>> -> memref<100xi32, #tpu.memory_space<vmem>>
        %dma_start3A_57 = arith.constant 0 : i32
        %dma_start3A_58 = tpu.memref_slice %arg5[%dma_start3A_57] : memref<100352xf32, #tpu.memory_space<vmem_shared>> -> memref<100352xf32, #tpu.memory_space<vmem_shared>>
        tpu.enqueue_indirect_dma source(%dma_start3A_58 : memref<100352xf32, #tpu.memory_space<vmem_shared>>) target(%dma_start3A_53 : memref<100xf32, #tpu.memory_space<vmem>>) offsets(%dma_start3A_56 : memref<100xi32, #tpu.memory_space<vmem>>) semaphore(%arg8 : memref<!tpu.dma_semaphore, #tpu.memory_space<semaphore_mem>>)
        %mul3A_59 = arith.constant 64 : i32
        %mul3A_60 = arith.muli %scan3A_26, %mul3A_59 : i32
        %add3A_61 = arith.constant 2 : i32
        %add3A_62 = arith.addi %mul3A_60, %add3A_61 : i32
        %mul3A_63 = arith.constant 64 : i32
        %mul3A_64 = arith.muli %scan3A_26, %mul3A_63 : i32
        %add3A_65 = arith.constant 2 : i32
        %add3A_66 = arith.addi %mul3A_64, %add3A_65 : i32
        %dma_start3A_67 = arith.constant 0 : i32
        %dma_start3A_68 = tpu.memref_slice %arg7[%add3A_66, %dma_start3A_67] : memref<256x100xf32, #tpu.memory_space<vmem>> -> memref<1x100xf32, #tpu.memory_space<vmem>>
        %dma_start3A_69 = tpu.memref_squeeze %dma_start3A_68 : memref<1x100xf32, #tpu.memory_space<vmem>> -> memref<100xf32, #tpu.memory_space<vmem>>
        %dma_start3A_70 = arith.constant 0 : i32
        %dma_start3A_71 = tpu.memref_slice %arg6[%add3A_62, %dma_start3A_70] : memref<256x100xi32, #tpu.memory_space<vmem>> -> memref<1x100xi32, #tpu.memory_space<vmem>>
        %dma_start3A_72 = tpu.memref_squeeze %dma_start3A_71 : memref<1x100xi32, #tpu.memory_space<vmem>> -> memref<100xi32, #tpu.memory_space<vmem>>
        %dma_start3A_73 = arith.constant 0 : i32
        %dma_start3A_74 = tpu.memref_slice %arg5[%dma_start3A_73] : memref<100352xf32, #tpu.memory_space<vmem_shared>> -> memref<100352xf32, #tpu.memory_space<vmem_shared>>
        tpu.enqueue_indirect_dma source(%dma_start3A_74 : memref<100352xf32, #tpu.memory_space<vmem_shared>>) target(%dma_start3A_69 : memref<100xf32, #tpu.memory_space<vmem>>) offsets(%dma_start3A_72 : memref<100xi32, #tpu.memory_space<vmem>>) semaphore(%arg8 : memref<!tpu.dma_semaphore, #tpu.memory_space<semaphore_mem>>)
        %mul3A_75 = arith.constant 64 : i32
        %mul3A_76 = arith.muli %scan3A_26, %mul3A_75 : i32
        %add3A_77 = arith.constant 3 : i32
        %add3A_78 = arith.addi %mul3A_76, %add3A_77 : i32
        %mul3A_79 = arith.constant 64 : i32
        %mul3A_80 = arith.muli %scan3A_26, %mul3A_79 : i32
        %add3A_81 = arith.constant 3 : i32
        %add3A_82 = arith.addi %mul3A_80, %add3A_81 : i32
        %dma_start3A_83 = arith.constant 0 : i32
        %dma_start3A_84 = tpu.memref_slice %arg7[%add3A_82, %dma_start3A_83] : memref<256x100xf32, #tpu.memory_space<vmem>> -> memref<1x100xf32, #tpu.memory_space<vmem>>
        %dma_start3A_85 = tpu.memref_squeeze %dma_start3A_84 : memref<1x100xf32, #tpu.memory_space<vmem>> -> memref<100xf32, #tpu.memory_space<vmem>>
        %dma_start3A_86 = arith.constant 0 : i32
        %dma_start3A_87 = tpu.memref_slice %arg6[%add3A_78, %dma_start3A_86] : memref<256x100xi32, #tpu.memory_space<vmem>> -> memref<1x100xi32, #tpu.memory_space<vmem>>
        %dma_start3A_88 = tpu.memref_squeeze %dma_start3A_87 : memref<1x100xi32, #tpu.memory_space<vmem>> -> memref<100xi32, #tpu.memory_space<vmem>>
        %dma_start3A_89 = arith.constant 0 : i32
        %dma_start3A_90 = tpu.memref_slice %arg5[%dma_start3A_89] : memref<100352xf32, #tpu.memory_space<vmem_shared>> -> memref<100352xf32, #tpu.memory_space<vmem_shared>>
        tpu.enqueue_indirect_dma source(%dma_start3A_90 : memref<100352xf32, #tpu.memory_space<vmem_shared>>) target(%dma_start3A_85 : memref<100xf32, #tpu.memory_space<vmem>>) offsets(%dma_start3A_88 : memref<100xi32, #tpu.memory_space<vmem>>) semaphore(%arg8 : memref<!tpu.dma_semaphore, #tpu.memory_space<semaphore_mem>>)
        %mul3A_91 = arith.constant 64 : i32
        %mul3A_92 = arith.muli %scan3A_26, %mul3A_91 : i32
        %add3A_93 = arith.constant 4 : i32
        %add3A_94 = arith.addi %mul3A_92, %add3A_93 : i32
        %mul3A_95 = arith.constant 64 : i32
        %mul3A_96 = arith.muli %scan3A_26, %mul3A_95 : i32
        %add3A_97 = arith.constant 4 : i32
        %add3A_98 = arith.addi %mul3A_96, %add3A_97 : i32
        %dma_start3A_99 = arith.constant 0 : i32
        %dma_start3A_100 = tpu.memref_slice %arg7[%add3A_98, %dma_start3A_99] : memref<256x100xf32, #tpu.memory_space<vmem>> -> memref<1x100xf32, #tpu.memory_space<vmem>>
        %dma_start3A_101 = tpu.memref_squeeze %dma_start3A_100 : memref<1x100xf32, #tpu.memory_space<vmem>> -> memref<100xf32, #tpu.memory_space<vmem>>
        %dma_start3A_102 = arith.constant 0 : i32
        %dma_start3A_103 = tpu.memref_slice %arg6[%add3A_94, %dma_start3A_102] : memref<256x100xi32, #tpu.memory_space<vmem>> -> memref<1x100xi32, #tpu.memory_space<vmem>>
        %dma_start3A_104 = tpu.memref_squeeze %dma_start3A_103 : memref<1x100xi32, #tpu.memory_space<vmem>> -> memref<100xi32, #tpu.memory_space<vmem>>
        %dma_start3A_105 = arith.constant 0 : i32
        %dma_start3A_106 = tpu.memref_slice %arg5[%dma_start3A_105] : memref<100352xf32, #tpu.memory_space<vmem_shared>> -> memref<100352xf32, #tpu.memory_space<vmem_shared>>
        tpu.enqueue_indirect_dma source(%dma_start3A_106 : memref<100352xf32, #tpu.memory_space<vmem_shared>>) target(%dma_start3A_101 : memref<100xf32, #tpu.memory_space<vmem>>) offsets(%dma_start3A_104 : memref<100xi32, #tpu.memory_space<vmem>>) semaphore(%arg8 : memref<!tpu.dma_semaphore, #tpu.memory_space<semaphore_mem>>)
        %mul3A_107 = arith.constant 64 : i32
        %mul3A_108 = arith.muli %scan3A_26, %mul3A_107 : i32
        %add3A_109 = arith.constant 5 : i32
        %add3A_110 = arith.addi %mul3A_108, %add3A_109 : i32
        %mul3A_111 = arith.constant 64 : i32
        %mul3A_112 = arith.muli %scan3A_26, %mul3A_111 : i32
        %add3A_113 = arith.constant 5 : i32
        %add3A_114 = arith.addi %mul3A_112, %add3A_113 : i32
        %dma_start3A_115 = arith.constant 0 : i32
        %dma_start3A_116 = tpu.memref_slice %arg7[%add3A_114, %dma_start3A_115] : memref<256x100xf32, #tpu.memory_space<vmem>> -> memref<1x100xf32, #tpu.memory_space<vmem>>
        %dma_start3A_117 = tpu.memref_squeeze %dma_start3A_116 : memref<1x100xf32, #tpu.memory_space<vmem>> -> memref<100xf32, #tpu.memory_space<vmem>>
        %dma_start3A_118 = arith.constant 0 : i32
        %dma_start3A_119 = tpu.memref_slice %arg6[%add3A_110, %dma_start3A_118] : memref<256x100xi32, #tpu.memory_space<vmem>> -> memref<1x100xi32, #tpu.memory_space<vmem>>
        %dma_start3A_120 = tpu.memref_squeeze %dma_start3A_119 : memref<1x100xi32, #tpu.memory_space<vmem>> -> memref<100xi32, #tpu.memory_space<vmem>>
        %dma_start3A_121 = arith.constant 0 : i32
        %dma_start3A_122 = tpu.memref_slice %arg5[%dma_start3A_121] : memref<100352xf32, #tpu.memory_space<vmem_shared>> -> memref<100352xf32, #tpu.memory_space<vmem_shared>>
        tpu.enqueue_indirect_dma source(%dma_start3A_122 : memref<100352xf32, #tpu.memory_space<vmem_shared>>) target(%dma_start3A_117 : memref<100xf32, #tpu.memory_space<vmem>>) offsets(%dma_start3A_120 : memref<100xi32, #tpu.memory_space<vmem>>) semaphore(%arg8 : memref<!tpu.dma_semaphore, #tpu.memory_space<semaphore_mem>>)
        %mul3A_123 = arith.constant 64 : i32
        %mul3A_124 = arith.muli %scan3A_26, %mul3A_123 : i32
        %add3A_125 = arith.constant 6 : i32
        %add3A_126 = arith.addi %mul3A_124, %add3A_125 : i32
        %mul3A_127 = arith.constant 64 : i32
        %mul3A_128 = arith.muli %scan3A_26, %mul3A_127 : i32
        %add3A_129 = arith.constant 6 : i32
        %add3A_130 = arith.addi %mul3A_128, %add3A_129 : i32
        %dma_start3A_131 = arith.constant 0 : i32
        %dma_start3A_132 = tpu.memref_slice %arg7[%add3A_130, %dma_start3A_131] : memref<256x100xf32, #tpu.memory_space<vmem>> -> memref<1x100xf32, #tpu.memory_space<vmem>>
        %dma_start3A_133 = tpu.memref_squeeze %dma_start3A_132 : memref<1x100xf32, #tpu.memory_space<vmem>> -> memref<100xf32, #tpu.memory_space<vmem>>
        %dma_start3A_134 = arith.constant 0 : i32
        %dma_start3A_135 = tpu.memref_slice %arg6[%add3A_126, %dma_start3A_134] : memref<256x100xi32, #tpu.memory_space<vmem>> -> memref<1x100xi32, #tpu.memory_space<vmem>>
        %dma_start3A_136 = tpu.memref_squeeze %dma_start3A_135 : memref<1x100xi32, #tpu.memory_space<vmem>> -> memref<100xi32, #tpu.memory_space<vmem>>
        %dma_start3A_137 = arith.constant 0 : i32
        %dma_start3A_138 = tpu.memref_slice %arg5[%dma_start3A_137] : memref<100352xf32, #tpu.memory_space<vmem_shared>> -> memref<100352xf32, #tpu.memory_space<vmem_shared>>
        tpu.enqueue_indirect_dma source(%dma_start3A_138 : memref<100352xf32, #tpu.memory_space<vmem_shared>>) target(%dma_start3A_133 : memref<100xf32, #tpu.memory_space<vmem>>) offsets(%dma_start3A_136 : memref<100xi32, #tpu.memory_space<vmem>>) semaphore(%arg8 : memref<!tpu.dma_semaphore, #tpu.memory_space<semaphore_mem>>)
        %mul3A_139 = arith.constant 64 : i32
        %mul3A_140 = arith.muli %scan3A_26, %mul3A_139 : i32
        %add3A_141 = arith.constant 7 : i32
        %add3A_142 = arith.addi %mul3A_140, %add3A_141 : i32
        %mul3A_143 = arith.constant 64 : i32
        %mul3A_144 = arith.muli %scan3A_26, %mul3A_143 : i32
        %add3A_145 = arith.constant 7 : i32
        %add3A_146 = arith.addi %mul3A_144, %add3A_145 : i32
        %dma_start3A_147 = arith.constant 0 : i32
        %dma_start3A_148 = tpu.memref_slice %arg7[%add3A_146, %dma_start3A_147] : memref<256x100xf32, #tpu.memory_space<vmem>> -> memref<1x100xf32, #tpu.memory_space<vmem>>
        %dma_start3A_149 = tpu.memref_squeeze %dma_start3A_148 : memref<1x100xf32, #tpu.memory_space<vmem>> -> memref<100xf32, #tpu.memory_space<vmem>>
        %dma_start3A_150 = arith.constant 0 : i32
        %dma_start3A_151 = tpu.memref_slice %arg6[%add3A_142, %dma_start3A_150] : memref<256x100xi32, #tpu.memory_space<vmem>> -> memref<1x100xi32, #tpu.memory_space<vmem>>
        %dma_start3A_152 = tpu.memref_squeeze %dma_start3A_151 : memref<1x100xi32, #tpu.memory_space<vmem>> -> memref<100xi32, #tpu.memory_space<vmem>>
        %dma_start3A_153 = arith.constant 0 : i32
        %dma_start3A_154 = tpu.memref_slice %arg5[%dma_start3A_153] : memref<100352xf32, #tpu.memory_space<vmem_shared>> -> memref<100352xf32, #tpu.memory_space<vmem_shared>>
        tpu.enqueue_indirect_dma source(%dma_start3A_154 : memref<100352xf32, #tpu.memory_space<vmem_shared>>) target(%dma_start3A_149 : memref<100xf32, #tpu.memory_space<vmem>>) offsets(%dma_start3A_152 : memref<100xi32, #tpu.memory_space<vmem>>) semaphore(%arg8 : memref<!tpu.dma_semaphore, #tpu.memory_space<semaphore_mem>>)
        %mul3A_155 = arith.constant 64 : i32
        %mul3A_156 = arith.muli %scan3A_26, %mul3A_155 : i32
        %add3A_157 = arith.constant 8 : i32
        %add3A_158 = arith.addi %mul3A_156, %add3A_157 : i32
        %mul3A_159 = arith.constant 64 : i32
        %mul3A_160 = arith.muli %scan3A_26, %mul3A_159 : i32
        %add3A_161 = arith.constant 8 : i32
        %add3A_162 = arith.addi %mul3A_160, %add3A_161 : i32
        %dma_start3A_163 = arith.constant 0 : i32
        %dma_start3A_164 = tpu.memref_slice %arg7[%add3A_162, %dma_start3A_163] : memref<256x100xf32, #tpu.memory_space<vmem>> -> memref<1x100xf32, #tpu.memory_space<vmem>>
        %dma_start3A_165 = tpu.memref_squeeze %dma_start3A_164 : memref<1x100xf32, #tpu.memory_space<vmem>> -> memref<100xf32, #tpu.memory_space<vmem>>
        %dma_start3A_166 = arith.constant 0 : i32
        %dma_start3A_167 = tpu.memref_slice %arg6[%add3A_158, %dma_start3A_166] : memref<256x100xi32, #tpu.memory_space<vmem>> -> memref<1x100xi32, #tpu.memory_space<vmem>>
        %dma_start3A_168 = tpu.memref_squeeze %dma_start3A_167 : memref<1x100xi32, #tpu.memory_space<vmem>> -> memref<100xi32, #tpu.memory_space<vmem>>
        %dma_start3A_169 = arith.constant 0 : i32
        %dma_start3A_170 = tpu.memref_slice %arg5[%dma_start3A_169] : memref<100352xf32, #tpu.memory_space<vmem_shared>> -> memref<100352xf32, #tpu.memory_space<vmem_shared>>
        tpu.enqueue_indirect_dma source(%dma_start3A_170 : memref<100352xf32, #tpu.memory_space<vmem_shared>>) target(%dma_start3A_165 : memref<100xf32, #tpu.memory_space<vmem>>) offsets(%dma_start3A_168 : memref<100xi32, #tpu.memory_space<vmem>>) semaphore(%arg8 : memref<!tpu.dma_semaphore, #tpu.memory_space<semaphore_mem>>)
        %mul3A_171 = arith.constant 64 : i32
        %mul3A_172 = arith.muli %scan3A_26, %mul3A_171 : i32
        %add3A_173 = arith.constant 9 : i32
        %add3A_174 = arith.addi %mul3A_172, %add3A_173 : i32
        %mul3A_175 = arith.constant 64 : i32
        %mul3A_176 = arith.muli %scan3A_26, %mul3A_175 : i32
        %add3A_177 = arith.constant 9 : i32
        %add3A_178 = arith.addi %mul3A_176, %add3A_177 : i32
        %dma_start3A_179 = arith.constant 0 : i32
        %dma_start3A_180 = tpu.memref_slice %arg7[%add3A_178, %dma_start3A_179] : memref<256x100xf32, #tpu.memory_space<vmem>> -> memref<1x100xf32, #tpu.memory_space<vmem>>
        %dma_start3A_181 = tpu.memref_squeeze %dma_start3A_180 : memref<1x100xf32, #tpu.memory_space<vmem>> -> memref<100xf32, #tpu.memory_space<vmem>>
        %dma_start3A_182 = arith.constant 0 : i32
        %dma_start3A_183 = tpu.memref_slice %arg6[%add3A_174, %dma_start3A_182] : memref<256x100xi32, #tpu.memory_space<vmem>> -> memref<1x100xi32, #tpu.memory_space<vmem>>
        %dma_start3A_184 = tpu.memref_squeeze %dma_start3A_183 : memref<1x100xi32, #tpu.memory_space<vmem>> -> memref<100xi32, #tpu.memory_space<vmem>>
        %dma_start3A_185 = arith.constant 0 : i32
        %dma_start3A_186 = tpu.memref_slice %arg5[%dma_start3A_185] : memref<100352xf32, #tpu.memory_space<vmem_shared>> -> memref<100352xf32, #tpu.memory_space<vmem_shared>>
        tpu.enqueue_indirect_dma source(%dma_start3A_186 : memref<100352xf32, #tpu.memory_space<vmem_shared>>) target(%dma_start3A_181 : memref<100xf32, #tpu.memory_space<vmem>>) offsets(%dma_start3A_184 : memref<100xi32, #tpu.memory_space<vmem>>) semaphore(%arg8 : memref<!tpu.dma_semaphore, #tpu.memory_space<semaphore_mem>>)
        %mul3A_187 = arith.constant 64 : i32
        %mul3A_188 = arith.muli %scan3A_26, %mul3A_187 : i32
        %add3A_189 = arith.constant 10 : i32
        %add3A_190 = arith.addi %mul3A_188, %add3A_189 : i32
        %mul3A_191 = arith.constant 64 : i32
        %mul3A_192 = arith.muli %scan3A_26, %mul3A_191 : i32
        %add3A_193 = arith.constant 10 : i32
        %add3A_194 = arith.addi %mul3A_192, %add3A_193 : i32
        %dma_start3A_195 = arith.constant 0 : i32
        %dma_start3A_196 = tpu.memref_slice %arg7[%add3A_194, %dma_start3A_195] : memref<256x100xf32, #tpu.memory_space<vmem>> -> memref<1x100xf32, #tpu.memory_space<vmem>>
        %dma_start3A_197 = tpu.memref_squeeze %dma_start3A_196 : memref<1x100xf32, #tpu.memory_space<vmem>> -> memref<100xf32, #tpu.memory_space<vmem>>
        %dma_start3A_198 = arith.constant 0 : i32
        %dma_start3A_199 = tpu.memref_slice %arg6[%add3A_190, %dma_start3A_198] : memref<256x100xi32, #tpu.memory_space<vmem>> -> memref<1x100xi32, #tpu.memory_space<vmem>>
        %dma_start3A_200 = tpu.memref_squeeze %dma_start3A_199 : memref<1x100xi32, #tpu.memory_space<vmem>> -> memref<100xi32, #tpu.memory_space<vmem>>
        %dma_start3A_201 = arith.constant 0 : i32
        %dma_start3A_202 = tpu.memref_slice %arg5[%dma_start3A_201] : memref<100352xf32, #tpu.memory_space<vmem_shared>> -> memref<100352xf32, #tpu.memory_space<vmem_shared>>
        tpu.enqueue_indirect_dma source(%dma_start3A_202 : memref<100352xf32, #tpu.memory_space<vmem_shared>>) target(%dma_start3A_197 : memref<100xf32, #tpu.memory_space<vmem>>) offsets(%dma_start3A_200 : memref<100xi32, #tpu.memory_space<vmem>>) semaphore(%arg8 : memref<!tpu.dma_semaphore, #tpu.memory_space<semaphore_mem>>)
        %mul3A_203 = arith.constant 64 : i32
        %mul3A_204 = arith.muli %scan3A_26, %mul3A_203 : i32
        %add3A_205 = arith.constant 11 : i32
        %add3A_206 = arith.addi %mul3A_204, %add3A_205 : i32
        %mul3A_207 = arith.constant 64 : i32
        %mul3A_208 = arith.muli %scan3A_26, %mul3A_207 : i32
        %add3A_209 = arith.constant 11 : i32
        %add3A_210 = arith.addi %mul3A_208, %add3A_209 : i32
        %dma_start3A_211 = arith.constant 0 : i32
        %dma_start3A_212 = tpu.memref_slice %arg7[%add3A_210, %dma_start3A_211] : memref<256x100xf32, #tpu.memory_space<vmem>> -> memref<1x100xf32, #tpu.memory_space<vmem>>
        %dma_start3A_213 = tpu.memref_squeeze %dma_start3A_212 : memref<1x100xf32, #tpu.memory_space<vmem>> -> memref<100xf32, #tpu.memory_space<vmem>>
        %dma_start3A_214 = arith.constant 0 : i32
        %dma_start3A_215 = tpu.memref_slice %arg6[%add3A_206, %dma_start3A_214] : memref<256x100xi32, #tpu.memory_space<vmem>> -> memref<1x100xi32, #tpu.memory_space<vmem>>
        %dma_start3A_216 = tpu.memref_squeeze %dma_start3A_215 : memref<1x100xi32, #tpu.memory_space<vmem>> -> memref<100xi32, #tpu.memory_space<vmem>>
        %dma_start3A_217 = arith.constant 0 : i32
        %dma_start3A_218 = tpu.memref_slice %arg5[%dma_start3A_217] : memref<100352xf32, #tpu.memory_space<vmem_shared>> -> memref<100352xf32, #tpu.memory_space<vmem_shared>>
        tpu.enqueue_indirect_dma source(%dma_start3A_218 : memref<100352xf32, #tpu.memory_space<vmem_shared>>) target(%dma_start3A_213 : memref<100xf32, #tpu.memory_space<vmem>>) offsets(%dma_start3A_216 : memref<100xi32, #tpu.memory_space<vmem>>) semaphore(%arg8 : memref<!tpu.dma_semaphore, #tpu.memory_space<semaphore_mem>>)
        %mul3A_219 = arith.constant 64 : i32
        %mul3A_220 = arith.muli %scan3A_26, %mul3A_219 : i32
        %add3A_221 = arith.constant 12 : i32
        %add3A_222 = arith.addi %mul3A_220, %add3A_221 : i32
        %mul3A_223 = arith.constant 64 : i32
        %mul3A_224 = arith.muli %scan3A_26, %mul3A_223 : i32
        %add3A_225 = arith.constant 12 : i32
        %add3A_226 = arith.addi %mul3A_224, %add3A_225 : i32
        %dma_start3A_227 = arith.constant 0 : i32
        %dma_start3A_228 = tpu.memref_slice %arg7[%add3A_226, %dma_start3A_227] : memref<256x100xf32, #tpu.memory_space<vmem>> -> memref<1x100xf32, #tpu.memory_space<vmem>>
        %dma_start3A_229 = tpu.memref_squeeze %dma_start3A_228 : memref<1x100xf32, #tpu.memory_space<vmem>> -> memref<100xf32, #tpu.memory_space<vmem>>
        %dma_start3A_230 = arith.constant 0 : i32
        %dma_start3A_231 = tpu.memref_slice %arg6[%add3A_222, %dma_start3A_230] : memref<256x100xi32, #tpu.memory_space<vmem>> -> memref<1x100xi32, #tpu.memory_space<vmem>>
        %dma_start3A_232 = tpu.memref_squeeze %dma_start3A_231 : memref<1x100xi32, #tpu.memory_space<vmem>> -> memref<100xi32, #tpu.memory_space<vmem>>
        %dma_start3A_233 = arith.constant 0 : i32
        %dma_start3A_234 = tpu.memref_slice %arg5[%dma_start3A_233] : memref<100352xf32, #tpu.memory_space<vmem_shared>> -> memref<100352xf32, #tpu.memory_space<vmem_shared>>
        tpu.enqueue_indirect_dma source(%dma_start3A_234 : memref<100352xf32, #tpu.memory_space<vmem_shared>>) target(%dma_start3A_229 : memref<100xf32, #tpu.memory_space<vmem>>) offsets(%dma_start3A_232 : memref<100xi32, #tpu.memory_space<vmem>>) semaphore(%arg8 : memref<!tpu.dma_semaphore, #tpu.memory_space<semaphore_mem>>)
        %mul3A_235 = arith.constant 64 : i32
        %mul3A_236 = arith.muli %scan3A_26, %mul3A_235 : i32
        %add3A_237 = arith.constant 13 : i32
        %add3A_238 = arith.addi %mul3A_236, %add3A_237 : i32
        %mul3A_239 = arith.constant 64 : i32
        %mul3A_240 = arith.muli %scan3A_26, %mul3A_239 : i32
        %add3A_241 = arith.constant 13 : i32
        %add3A_242 = arith.addi %mul3A_240, %add3A_241 : i32
        %dma_start3A_243 = arith.constant 0 : i32
        %dma_start3A_244 = tpu.memref_slice %arg7[%add3A_242, %dma_start3A_243] : memref<256x100xf32, #tpu.memory_space<vmem>> -> memref<1x100xf32, #tpu.memory_space<vmem>>
        %dma_start3A_245 = tpu.memref_squeeze %dma_start3A_244 : memref<1x100xf32, #tpu.memory_space<vmem>> -> memref<100xf32, #tpu.memory_space<vmem>>
        %dma_start3A_246 = arith.constant 0 : i32
        %dma_start3A_247 = tpu.memref_slice %arg6[%add3A_238, %dma_start3A_246] : memref<256x100xi32, #tpu.memory_space<vmem>> -> memref<1x100xi32, #tpu.memory_space<vmem>>
        %dma_start3A_248 = tpu.memref_squeeze %dma_start3A_247 : memref<1x100xi32, #tpu.memory_space<vmem>> -> memref<100xi32, #tpu.memory_space<vmem>>
        %dma_start3A_249 = arith.constant 0 : i32
        %dma_start3A_250 = tpu.memref_slice %arg5[%dma_start3A_249] : memref<100352xf32, #tpu.memory_space<vmem_shared>> -> memref<100352xf32, #tpu.memory_space<vmem_shared>>
        tpu.enqueue_indirect_dma source(%dma_start3A_250 : memref<100352xf32, #tpu.memory_space<vmem_shared>>) target(%dma_start3A_245 : memref<100xf32, #tpu.memory_space<vmem>>) offsets(%dma_start3A_248 : memref<100xi32, #tpu.memory_space<vmem>>) semaphore(%arg8 : memref<!tpu.dma_semaphore, #tpu.memory_space<semaphore_mem>>)
        %mul3A_251 = arith.constant 64 : i32
        %mul3A_252 = arith.muli %scan3A_26, %mul3A_251 : i32
        %add3A_253 = arith.constant 14 : i32
        %add3A_254 = arith.addi %mul3A_252, %add3A_253 : i32
        %mul3A_255 = arith.constant 64 : i32
        %mul3A_256 = arith.muli %scan3A_26, %mul3A_255 : i32
        %add3A_257 = arith.constant 14 : i32
        %add3A_258 = arith.addi %mul3A_256, %add3A_257 : i32
        %dma_start3A_259 = arith.constant 0 : i32
        %dma_start3A_260 = tpu.memref_slice %arg7[%add3A_258, %dma_start3A_259] : memref<256x100xf32, #tpu.memory_space<vmem>> -> memref<1x100xf32, #tpu.memory_space<vmem>>
        %dma_start3A_261 = tpu.memref_squeeze %dma_start3A_260 : memref<1x100xf32, #tpu.memory_space<vmem>> -> memref<100xf32, #tpu.memory_space<vmem>>
        %dma_start3A_262 = arith.constant 0 : i32
        %dma_start3A_263 = tpu.memref_slice %arg6[%add3A_254, %dma_start3A_262] : memref<256x100xi32, #tpu.memory_space<vmem>> -> memref<1x100xi32, #tpu.memory_space<vmem>>
        %dma_start3A_264 = tpu.memref_squeeze %dma_start3A_263 : memref<1x100xi32, #tpu.memory_space<vmem>> -> memref<100xi32, #tpu.memory_space<vmem>>
        %dma_start3A_265 = arith.constant 0 : i32
        %dma_start3A_266 = tpu.memref_slice %arg5[%dma_start3A_265] : memref<100352xf32, #tpu.memory_space<vmem_shared>> -> memref<100352xf32, #tpu.memory_space<vmem_shared>>
        tpu.enqueue_indirect_dma source(%dma_start3A_266 : memref<100352xf32, #tpu.memory_space<vmem_shared>>) target(%dma_start3A_261 : memref<100xf32, #tpu.memory_space<vmem>>) offsets(%dma_start3A_264 : memref<100xi32, #tpu.memory_space<vmem>>) semaphore(%arg8 : memref<!tpu.dma_semaphore, #tpu.memory_space<semaphore_mem>>)
        %mul3A_267 = arith.constant 64 : i32
        %mul3A_268 = arith.muli %scan3A_26, %mul3A_267 : i32
        %add3A_269 = arith.constant 15 : i32
        %add3A_270 = arith.addi %mul3A_268, %add3A_269 : i32
        %mul3A_271 = arith.constant 64 : i32
        %mul3A_272 = arith.muli %scan3A_26, %mul3A_271 : i32
        %add3A_273 = arith.constant 15 : i32
        %add3A_274 = arith.addi %mul3A_272, %add3A_273 : i32
        %dma_start3A_275 = arith.constant 0 : i32
        %dma_start3A_276 = tpu.memref_slice %arg7[%add3A_274, %dma_start3A_275] : memref<256x100xf32, #tpu.memory_space<vmem>> -> memref<1x100xf32, #tpu.memory_space<vmem>>
        %dma_start3A_277 = tpu.memref_squeeze %dma_start3A_276 : memref<1x100xf32, #tpu.memory_space<vmem>> -> memref<100xf32, #tpu.memory_space<vmem>>
        %dma_start3A_278 = arith.constant 0 : i32
        %dma_start3A_279 = tpu.memref_slice %arg6[%add3A_270, %dma_start3A_278] : memref<256x100xi32, #tpu.memory_space<vmem>> -> memref<1x100xi32, #tpu.memory_space<vmem>>
        %dma_start3A_280 = tpu.memref_squeeze %dma_start3A_279 : memref<1x100xi32, #tpu.memory_space<vmem>> -> memref<100xi32, #tpu.memory_space<vmem>>
        %dma_start3A_281 = arith.constant 0 : i32
        %dma_start3A_282 = tpu.memref_slice %arg5[%dma_start3A_281] : memref<100352xf32, #tpu.memory_space<vmem_shared>> -> memref<100352xf32, #tpu.memory_space<vmem_shared>>
        tpu.enqueue_indirect_dma source(%dma_start3A_282 : memref<100352xf32, #tpu.memory_space<vmem_shared>>) target(%dma_start3A_277 : memref<100xf32, #tpu.memory_space<vmem>>) offsets(%dma_start3A_280 : memref<100xi32, #tpu.memory_space<vmem>>) semaphore(%arg8 : memref<!tpu.dma_semaphore, #tpu.memory_space<semaphore_mem>>)
        %mul3A_283 = arith.constant 64 : i32
        %mul3A_284 = arith.muli %scan3A_26, %mul3A_283 : i32
        %add3A_285 = arith.constant 16 : i32
        %add3A_286 = arith.addi %mul3A_284, %add3A_285 : i32
        %mul3A_287 = arith.constant 64 : i32
        %mul3A_288 = arith.muli %scan3A_26, %mul3A_287 : i32
        %add3A_289 = arith.constant 16 : i32
        %add3A_290 = arith.addi %mul3A_288, %add3A_289 : i32
        %dma_start3A_291 = arith.constant 0 : i32
        %dma_start3A_292 = tpu.memref_slice %arg7[%add3A_290, %dma_start3A_291] : memref<256x100xf32, #tpu.memory_space<vmem>> -> memref<1x100xf32, #tpu.memory_space<vmem>>
        %dma_start3A_293 = tpu.memref_squeeze %dma_start3A_292 : memref<1x100xf32, #tpu.memory_space<vmem>> -> memref<100xf32, #tpu.memory_space<vmem>>
        %dma_start3A_294 = arith.constant 0 : i32
        %dma_start3A_295 = tpu.memref_slice %arg6[%add3A_286, %dma_start3A_294] : memref<256x100xi32, #tpu.memory_space<vmem>> -> memref<1x100xi32, #tpu.memory_space<vmem>>
        %dma_start3A_296 = tpu.memref_squeeze %dma_start3A_295 : memref<1x100xi32, #tpu.memory_space<vmem>> -> memref<100xi32, #tpu.memory_space<vmem>>
        %dma_start3A_297 = arith.constant 0 : i32
        %dma_start3A_298 = tpu.memref_slice %arg5[%dma_start3A_297] : memref<100352xf32, #tpu.memory_space<vmem_shared>> -> memref<100352xf32, #tpu.memory_space<vmem_shared>>
        tpu.enqueue_indirect_dma source(%dma_start3A_298 : memref<100352xf32, #tpu.memory_space<vmem_shared>>) target(%dma_start3A_293 : memref<100xf32, #tpu.memory_space<vmem>>) offsets(%dma_start3A_296 : memref<100xi32, #tpu.memory_space<vmem>>) semaphore(%arg8 : memref<!tpu.dma_semaphore, #tpu.memory_space<semaphore_mem>>)
        %mul3A_299 = arith.constant 64 : i32
        %mul3A_300 = arith.muli %scan3A_26, %mul3A_299 : i32
        %add3A_301 = arith.constant 17 : i32
        %add3A_302 = arith.addi %mul3A_300, %add3A_301 : i32
        %mul3A_303 = arith.constant 64 : i32
        %mul3A_304 = arith.muli %scan3A_26, %mul3A_303 : i32
        %add3A_305 = arith.constant 17 : i32
        %add3A_306 = arith.addi %mul3A_304, %add3A_305 : i32
        %dma_start3A_307 = arith.constant 0 : i32
        %dma_start3A_308 = tpu.memref_slice %arg7[%add3A_306, %dma_start3A_307] : memref<256x100xf32, #tpu.memory_space<vmem>> -> memref<1x100xf32, #tpu.memory_space<vmem>>
        %dma_start3A_309 = tpu.memref_squeeze %dma_start3A_308 : memref<1x100xf32, #tpu.memory_space<vmem>> -> memref<100xf32, #tpu.memory_space<vmem>>
        %dma_start3A_310 = arith.constant 0 : i32
        %dma_start3A_311 = tpu.memref_slice %arg6[%add3A_302, %dma_start3A_310] : memref<256x100xi32, #tpu.memory_space<vmem>> -> memref<1x100xi32, #tpu.memory_space<vmem>>
        %dma_start3A_312 = tpu.memref_squeeze %dma_start3A_311 : memref<1x100xi32, #tpu.memory_space<vmem>> -> memref<100xi32, #tpu.memory_space<vmem>>
        %dma_start3A_313 = arith.constant 0 : i32
        %dma_start3A_314 = tpu.memref_slice %arg5[%dma_start3A_313] : memref<100352xf32, #tpu.memory_space<vmem_shared>> -> memref<100352xf32, #tpu.memory_space<vmem_shared>>
        tpu.enqueue_indirect_dma source(%dma_start3A_314 : memref<100352xf32, #tpu.memory_space<vmem_shared>>) target(%dma_start3A_309 : memref<100xf32, #tpu.memory_space<vmem>>) offsets(%dma_start3A_312 : memref<100xi32, #tpu.memory_space<vmem>>) semaphore(%arg8 : memref<!tpu.dma_semaphore, #tpu.memory_space<semaphore_mem>>)
        %mul3A_315 = arith.constant 64 : i32
        %mul3A_316 = arith.muli %scan3A_26, %mul3A_315 : i32
        %add3A_317 = arith.constant 18 : i32
        %add3A_318 = arith.addi %mul3A_316, %add3A_317 : i32
        %mul3A_319 = arith.constant 64 : i32
        %mul3A_320 = arith.muli %scan3A_26, %mul3A_319 : i32
        %add3A_321 = arith.constant 18 : i32
        %add3A_322 = arith.addi %mul3A_320, %add3A_321 : i32
        %dma_start3A_323 = arith.constant 0 : i32
        %dma_start3A_324 = tpu.memref_slice %arg7[%add3A_322, %dma_start3A_323] : memref<256x100xf32, #tpu.memory_space<vmem>> -> memref<1x100xf32, #tpu.memory_space<vmem>>
        %dma_start3A_325 = tpu.memref_squeeze %dma_start3A_324 : memref<1x100xf32, #tpu.memory_space<vmem>> -> memref<100xf32, #tpu.memory_space<vmem>>
        %dma_start3A_326 = arith.constant 0 : i32
        %dma_start3A_327 = tpu.memref_slice %arg6[%add3A_318, %dma_start3A_326] : memref<256x100xi32, #tpu.memory_space<vmem>> -> memref<1x100xi32, #tpu.memory_space<vmem>>
        %dma_start3A_328 = tpu.memref_squeeze %dma_start3A_327 : memref<1x100xi32, #tpu.memory_space<vmem>> -> memref<100xi32, #tpu.memory_space<vmem>>
        %dma_start3A_329 = arith.constant 0 : i32
        %dma_start3A_330 = tpu.memref_slice %arg5[%dma_start3A_329] : memref<100352xf32, #tpu.memory_space<vmem_shared>> -> memref<100352xf32, #tpu.memory_space<vmem_shared>>
        tpu.enqueue_indirect_dma source(%dma_start3A_330 : memref<100352xf32, #tpu.memory_space<vmem_shared>>) target(%dma_start3A_325 : memref<100xf32, #tpu.memory_space<vmem>>) offsets(%dma_start3A_328 : memref<100xi32, #tpu.memory_space<vmem>>) semaphore(%arg8 : memref<!tpu.dma_semaphore, #tpu.memory_space<semaphore_mem>>)
        %mul3A_331 = arith.constant 64 : i32
        %mul3A_332 = arith.muli %scan3A_26, %mul3A_331 : i32
        %add3A_333 = arith.constant 19 : i32
        %add3A_334 = arith.addi %mul3A_332, %add3A_333 : i32
        %mul3A_335 = arith.constant 64 : i32
        %mul3A_336 = arith.muli %scan3A_26, %mul3A_335 : i32
        %add3A_337 = arith.constant 19 : i32
        %add3A_338 = arith.addi %mul3A_336, %add3A_337 : i32
        %dma_start3A_339 = arith.constant 0 : i32
        %dma_start3A_340 = tpu.memref_slice %arg7[%add3A_338, %dma_start3A_339] : memref<256x100xf32, #tpu.memory_space<vmem>> -> memref<1x100xf32, #tpu.memory_space<vmem>>
        %dma_start3A_341 = tpu.memref_squeeze %dma_start3A_340 : memref<1x100xf32, #tpu.memory_space<vmem>> -> memref<100xf32, #tpu.memory_space<vmem>>
        %dma_start3A_342 = arith.constant 0 : i32
        %dma_start3A_343 = tpu.memref_slice %arg6[%add3A_334, %dma_start3A_342] : memref<256x100xi32, #tpu.memory_space<vmem>> -> memref<1x100xi32, #tpu.memory_space<vmem>>
        %dma_start3A_344 = tpu.memref_squeeze %dma_start3A_343 : memref<1x100xi32, #tpu.memory_space<vmem>> -> memref<100xi32, #tpu.memory_space<vmem>>
        %dma_start3A_345 = arith.constant 0 : i32
        %dma_start3A_346 = tpu.memref_slice %arg5[%dma_start3A_345] : memref<100352xf32, #tpu.memory_space<vmem_shared>> -> memref<100352xf32, #tpu.memory_space<vmem_shared>>
        tpu.enqueue_indirect_dma source(%dma_start3A_346 : memref<100352xf32, #tpu.memory_space<vmem_shared>>) target(%dma_start3A_341 : memref<100xf32, #tpu.memory_space<vmem>>) offsets(%dma_start3A_344 : memref<100xi32, #tpu.memory_space<vmem>>) semaphore(%arg8 : memref<!tpu.dma_semaphore, #tpu.memory_space<semaphore_mem>>)
        %mul3A_347 = arith.constant 64 : i32
        %mul3A_348 = arith.muli %scan3A_26, %mul3A_347 : i32
        %add3A_349 = arith.constant 20 : i32
        %add3A_350 = arith.addi %mul3A_348, %add3A_349 : i32
        %mul3A_351 = arith.constant 64 : i32
        %mul3A_352 = arith.muli %scan3A_26, %mul3A_351 : i32
        %add3A_353 = arith.constant 20 : i32
        %add3A_354 = arith.addi %mul3A_352, %add3A_353 : i32
        %dma_start3A_355 = arith.constant 0 : i32
        %dma_start3A_356 = tpu.memref_slice %arg7[%add3A_354, %dma_start3A_355] : memref<256x100xf32, #tpu.memory_space<vmem>> -> memref<1x100xf32, #tpu.memory_space<vmem>>
        %dma_start3A_357 = tpu.memref_squeeze %dma_start3A_356 : memref<1x100xf32, #tpu.memory_space<vmem>> -> memref<100xf32, #tpu.memory_space<vmem>>
        %dma_start3A_358 = arith.constant 0 : i32
        %dma_start3A_359 = tpu.memref_slice %arg6[%add3A_350, %dma_start3A_358] : memref<256x100xi32, #tpu.memory_space<vmem>> -> memref<1x100xi32, #tpu.memory_space<vmem>>
        %dma_start3A_360 = tpu.memref_squeeze %dma_start3A_359 : memref<1x100xi32, #tpu.memory_space<vmem>> -> memref<100xi32, #tpu.memory_space<vmem>>
        %dma_start3A_361 = arith.constant 0 : i32
        %dma_start3A_362 = tpu.memref_slice %arg5[%dma_start3A_361] : memref<100352xf32, #tpu.memory_space<vmem_shared>> -> memref<100352xf32, #tpu.memory_space<vmem_shared>>
        tpu.enqueue_indirect_dma source(%dma_start3A_362 : memref<100352xf32, #tpu.memory_space<vmem_shared>>) target(%dma_start3A_357 : memref<100xf32, #tpu.memory_space<vmem>>) offsets(%dma_start3A_360 : memref<100xi32, #tpu.memory_space<vmem>>) semaphore(%arg8 : memref<!tpu.dma_semaphore, #tpu.memory_space<semaphore_mem>>)
        %mul3A_363 = arith.constant 64 : i32
        %mul3A_364 = arith.muli %scan3A_26, %mul3A_363 : i32
        %add3A_365 = arith.constant 21 : i32
        %add3A_366 = arith.addi %mul3A_364, %add3A_365 : i32
        %mul3A_367 = arith.constant 64 : i32
        %mul3A_368 = arith.muli %scan3A_26, %mul3A_367 : i32
        %add3A_369 = arith.constant 21 : i32
        %add3A_370 = arith.addi %mul3A_368, %add3A_369 : i32
        %dma_start3A_371 = arith.constant 0 : i32
        %dma_start3A_372 = tpu.memref_slice %arg7[%add3A_370, %dma_start3A_371] : memref<256x100xf32, #tpu.memory_space<vmem>> -> memref<1x100xf32, #tpu.memory_space<vmem>>
        %dma_start3A_373 = tpu.memref_squeeze %dma_start3A_372 : memref<1x100xf32, #tpu.memory_space<vmem>> -> memref<100xf32, #tpu.memory_space<vmem>>
        %dma_start3A_374 = arith.constant 0 : i32
        %dma_start3A_375 = tpu.memref_slice %arg6[%add3A_366, %dma_start3A_374] : memref<256x100xi32, #tpu.memory_space<vmem>> -> memref<1x100xi32, #tpu.memory_space<vmem>>
        %dma_start3A_376 = tpu.memref_squeeze %dma_start3A_375 : memref<1x100xi32, #tpu.memory_space<vmem>> -> memref<100xi32, #tpu.memory_space<vmem>>
        %dma_start3A_377 = arith.constant 0 : i32
        %dma_start3A_378 = tpu.memref_slice %arg5[%dma_start3A_377] : memref<100352xf32, #tpu.memory_space<vmem_shared>> -> memref<100352xf32, #tpu.memory_space<vmem_shared>>
        tpu.enqueue_indirect_dma source(%dma_start3A_378 : memref<100352xf32, #tpu.memory_space<vmem_shared>>) target(%dma_start3A_373 : memref<100xf32, #tpu.memory_space<vmem>>) offsets(%dma_start3A_376 : memref<100xi32, #tpu.memory_space<vmem>>) semaphore(%arg8 : memref<!tpu.dma_semaphore, #tpu.memory_space<semaphore_mem>>)
        %mul3A_379 = arith.constant 64 : i32
        %mul3A_380 = arith.muli %scan3A_26, %mul3A_379 : i32
        %add3A_381 = arith.constant 22 : i32
        %add3A_382 = arith.addi %mul3A_380, %add3A_381 : i32
        %mul3A_383 = arith.constant 64 : i32
        %mul3A_384 = arith.muli %scan3A_26, %mul3A_383 : i32
        %add3A_385 = arith.constant 22 : i32
        %add3A_386 = arith.addi %mul3A_384, %add3A_385 : i32
        %dma_start3A_387 = arith.constant 0 : i32
        %dma_start3A_388 = tpu.memref_slice %arg7[%add3A_386, %dma_start3A_387] : memref<256x100xf32, #tpu.memory_space<vmem>> -> memref<1x100xf32, #tpu.memory_space<vmem>>
        %dma_start3A_389 = tpu.memref_squeeze %dma_start3A_388 : memref<1x100xf32, #tpu.memory_space<vmem>> -> memref<100xf32, #tpu.memory_space<vmem>>
        %dma_start3A_390 = arith.constant 0 : i32
        %dma_start3A_391 = tpu.memref_slice %arg6[%add3A_382, %dma_start3A_390] : memref<256x100xi32, #tpu.memory_space<vmem>> -> memref<1x100xi32, #tpu.memory_space<vmem>>
        %dma_start3A_392 = tpu.memref_squeeze %dma_start3A_391 : memref<1x100xi32, #tpu.memory_space<vmem>> -> memref<100xi32, #tpu.memory_space<vmem>>
        %dma_start3A_393 = arith.constant 0 : i32
        %dma_start3A_394 = tpu.memref_slice %arg5[%dma_start3A_393] : memref<100352xf32, #tpu.memory_space<vmem_shared>> -> memref<100352xf32, #tpu.memory_space<vmem_shared>>
        tpu.enqueue_indirect_dma source(%dma_start3A_394 : memref<100352xf32, #tpu.memory_space<vmem_shared>>) target(%dma_start3A_389 : memref<100xf32, #tpu.memory_space<vmem>>) offsets(%dma_start3A_392 : memref<100xi32, #tpu.memory_space<vmem>>) semaphore(%arg8 : memref<!tpu.dma_semaphore, #tpu.memory_space<semaphore_mem>>)
        %mul3A_395 = arith.constant 64 : i32
        %mul3A_396 = arith.muli %scan3A_26, %mul3A_395 : i32
        %add3A_397 = arith.constant 23 : i32
        %add3A_398 = arith.addi %mul3A_396, %add3A_397 : i32
        %mul3A_399 = arith.constant 64 : i32
        %mul3A_400 = arith.muli %scan3A_26, %mul3A_399 : i32
        %add3A_401 = arith.constant 23 : i32
        %add3A_402 = arith.addi %mul3A_400, %add3A_401 : i32
        %dma_start3A_403 = arith.constant 0 : i32
        %dma_start3A_404 = tpu.memref_slice %arg7[%add3A_402, %dma_start3A_403] : memref<256x100xf32, #tpu.memory_space<vmem>> -> memref<1x100xf32, #tpu.memory_space<vmem>>
        %dma_start3A_405 = tpu.memref_squeeze %dma_start3A_404 : memref<1x100xf32, #tpu.memory_space<vmem>> -> memref<100xf32, #tpu.memory_space<vmem>>
        %dma_start3A_406 = arith.constant 0 : i32
        %dma_start3A_407 = tpu.memref_slice %arg6[%add3A_398, %dma_start3A_406] : memref<256x100xi32, #tpu.memory_space<vmem>> -> memref<1x100xi32, #tpu.memory_space<vmem>>
        %dma_start3A_408 = tpu.memref_squeeze %dma_start3A_407 : memref<1x100xi32, #tpu.memory_space<vmem>> -> memref<100xi32, #tpu.memory_space<vmem>>
        %dma_start3A_409 = arith.constant 0 : i32
        %dma_start3A_410 = tpu.memref_slice %arg5[%dma_start3A_409] : memref<100352xf32, #tpu.memory_space<vmem_shared>> -> memref<100352xf32, #tpu.memory_space<vmem_shared>>
        tpu.enqueue_indirect_dma source(%dma_start3A_410 : memref<100352xf32, #tpu.memory_space<vmem_shared>>) target(%dma_start3A_405 : memref<100xf32, #tpu.memory_space<vmem>>) offsets(%dma_start3A_408 : memref<100xi32, #tpu.memory_space<vmem>>) semaphore(%arg8 : memref<!tpu.dma_semaphore, #tpu.memory_space<semaphore_mem>>)
        %mul3A_411 = arith.constant 64 : i32
        %mul3A_412 = arith.muli %scan3A_26, %mul3A_411 : i32
        %add3A_413 = arith.constant 24 : i32
        %add3A_414 = arith.addi %mul3A_412, %add3A_413 : i32
        %mul3A_415 = arith.constant 64 : i32
        %mul3A_416 = arith.muli %scan3A_26, %mul3A_415 : i32
        %add3A_417 = arith.constant 24 : i32
        %add3A_418 = arith.addi %mul3A_416, %add3A_417 : i32
        %dma_start3A_419 = arith.constant 0 : i32
        %dma_start3A_420 = tpu.memref_slice %arg7[%add3A_418, %dma_start3A_419] : memref<256x100xf32, #tpu.memory_space<vmem>> -> memref<1x100xf32, #tpu.memory_space<vmem>>
        %dma_start3A_421 = tpu.memref_squeeze %dma_start3A_420 : memref<1x100xf32, #tpu.memory_space<vmem>> -> memref<100xf32, #tpu.memory_space<vmem>>
        %dma_start3A_422 = arith.constant 0 : i32
        %dma_start3A_423 = tpu.memref_slice %arg6[%add3A_414, %dma_start3A_422] : memref<256x100xi32, #tpu.memory_space<vmem>> -> memref<1x100xi32, #tpu.memory_space<vmem>>
        %dma_start3A_424 = tpu.memref_squeeze %dma_start3A_423 : memref<1x100xi32, #tpu.memory_space<vmem>> -> memref<100xi32, #tpu.memory_space<vmem>>
        %dma_start3A_425 = arith.constant 0 : i32
        %dma_start3A_426 = tpu.memref_slice %arg5[%dma_start3A_425] : memref<100352xf32, #tpu.memory_space<vmem_shared>> -> memref<100352xf32, #tpu.memory_space<vmem_shared>>
        tpu.enqueue_indirect_dma source(%dma_start3A_426 : memref<100352xf32, #tpu.memory_space<vmem_shared>>) target(%dma_start3A_421 : memref<100xf32, #tpu.memory_space<vmem>>) offsets(%dma_start3A_424 : memref<100xi32, #tpu.memory_space<vmem>>) semaphore(%arg8 : memref<!tpu.dma_semaphore, #tpu.memory_space<semaphore_mem>>)
        %mul3A_427 = arith.constant 64 : i32
        %mul3A_428 = arith.muli %scan3A_26, %mul3A_427 : i32
        %add3A_429 = arith.constant 25 : i32
        %add3A_430 = arith.addi %mul3A_428, %add3A_429 : i32
        %mul3A_431 = arith.constant 64 : i32
        %mul3A_432 = arith.muli %scan3A_26, %mul3A_431 : i32
        %add3A_433 = arith.constant 25 : i32
        %add3A_434 = arith.addi %mul3A_432, %add3A_433 : i32
        %dma_start3A_435 = arith.constant 0 : i32
        %dma_start3A_436 = tpu.memref_slice %arg7[%add3A_434, %dma_start3A_435] : memref<256x100xf32, #tpu.memory_space<vmem>> -> memref<1x100xf32, #tpu.memory_space<vmem>>
        %dma_start3A_437 = tpu.memref_squeeze %dma_start3A_436 : memref<1x100xf32, #tpu.memory_space<vmem>> -> memref<100xf32, #tpu.memory_space<vmem>>
        %dma_start3A_438 = arith.constant 0 : i32
        %dma_start3A_439 = tpu.memref_slice %arg6[%add3A_430, %dma_start3A_438] : memref<256x100xi32, #tpu.memory_space<vmem>> -> memref<1x100xi32, #tpu.memory_space<vmem>>
        %dma_start3A_440 = tpu.memref_squeeze %dma_start3A_439 : memref<1x100xi32, #tpu.memory_space<vmem>> -> memref<100xi32, #tpu.memory_space<vmem>>
        %dma_start3A_441 = arith.constant 0 : i32
        %dma_start3A_442 = tpu.memref_slice %arg5[%dma_start3A_441] : memref<100352xf32, #tpu.memory_space<vmem_shared>> -> memref<100352xf32, #tpu.memory_space<vmem_shared>>
        tpu.enqueue_indirect_dma source(%dma_start3A_442 : memref<100352xf32, #tpu.memory_space<vmem_shared>>) target(%dma_start3A_437 : memref<100xf32, #tpu.memory_space<vmem>>) offsets(%dma_start3A_440 : memref<100xi32, #tpu.memory_space<vmem>>) semaphore(%arg8 : memref<!tpu.dma_semaphore, #tpu.memory_space<semaphore_mem>>)
        %mul3A_443 = arith.constant 64 : i32
        %mul3A_444 = arith.muli %scan3A_26, %mul3A_443 : i32
        %add3A_445 = arith.constant 26 : i32
        %add3A_446 = arith.addi %mul3A_444, %add3A_445 : i32
        %mul3A_447 = arith.constant 64 : i32
        %mul3A_448 = arith.muli %scan3A_26, %mul3A_447 : i32
        %add3A_449 = arith.constant 26 : i32
        %add3A_450 = arith.addi %mul3A_448, %add3A_449 : i32
        %dma_start3A_451 = arith.constant 0 : i32
        %dma_start3A_452 = tpu.memref_slice %arg7[%add3A_450, %dma_start3A_451] : memref<256x100xf32, #tpu.memory_space<vmem>> -> memref<1x100xf32, #tpu.memory_space<vmem>>
        %dma_start3A_453 = tpu.memref_squeeze %dma_start3A_452 : memref<1x100xf32, #tpu.memory_space<vmem>> -> memref<100xf32, #tpu.memory_space<vmem>>
        %dma_start3A_454 = arith.constant 0 : i32
        %dma_start3A_455 = tpu.memref_slice %arg6[%add3A_446, %dma_start3A_454] : memref<256x100xi32, #tpu.memory_space<vmem>> -> memref<1x100xi32, #tpu.memory_space<vmem>>
        %dma_start3A_456 = tpu.memref_squeeze %dma_start3A_455 : memref<1x100xi32, #tpu.memory_space<vmem>> -> memref<100xi32, #tpu.memory_space<vmem>>
        %dma_start3A_457 = arith.constant 0 : i32
        %dma_start3A_458 = tpu.memref_slice %arg5[%dma_start3A_457] : memref<100352xf32, #tpu.memory_space<vmem_shared>> -> memref<100352xf32, #tpu.memory_space<vmem_shared>>
        tpu.enqueue_indirect_dma source(%dma_start3A_458 : memref<100352xf32, #tpu.memory_space<vmem_shared>>) target(%dma_start3A_453 : memref<100xf32, #tpu.memory_space<vmem>>) offsets(%dma_start3A_456 : memref<100xi32, #tpu.memory_space<vmem>>) semaphore(%arg8 : memref<!tpu.dma_semaphore, #tpu.memory_space<semaphore_mem>>)
        %mul3A_459 = arith.constant 64 : i32
        %mul3A_460 = arith.muli %scan3A_26, %mul3A_459 : i32
        %add3A_461 = arith.constant 27 : i32
        %add3A_462 = arith.addi %mul3A_460, %add3A_461 : i32
        %mul3A_463 = arith.constant 64 : i32
        %mul3A_464 = arith.muli %scan3A_26, %mul3A_463 : i32
        %add3A_465 = arith.constant 27 : i32
        %add3A_466 = arith.addi %mul3A_464, %add3A_465 : i32
        %dma_start3A_467 = arith.constant 0 : i32
        %dma_start3A_468 = tpu.memref_slice %arg7[%add3A_466, %dma_start3A_467] : memref<256x100xf32, #tpu.memory_space<vmem>> -> memref<1x100xf32, #tpu.memory_space<vmem>>
        %dma_start3A_469 = tpu.memref_squeeze %dma_start3A_468 : memref<1x100xf32, #tpu.memory_space<vmem>> -> memref<100xf32, #tpu.memory_space<vmem>>
        %dma_start3A_470 = arith.constant 0 : i32
        %dma_start3A_471 = tpu.memref_slice %arg6[%add3A_462, %dma_start3A_470] : memref<256x100xi32, #tpu.memory_space<vmem>> -> memref<1x100xi32, #tpu.memory_space<vmem>>
        %dma_start3A_472 = tpu.memref_squeeze %dma_start3A_471 : memref<1x100xi32, #tpu.memory_space<vmem>> -> memref<100xi32, #tpu.memory_space<vmem>>
        %dma_start3A_473 = arith.constant 0 : i32
        %dma_start3A_474 = tpu.memref_slice %arg5[%dma_start3A_473] : memref<100352xf32, #tpu.memory_space<vmem_shared>> -> memref<100352xf32, #tpu.memory_space<vmem_shared>>
        tpu.enqueue_indirect_dma source(%dma_start3A_474 : memref<100352xf32, #tpu.memory_space<vmem_shared>>) target(%dma_start3A_469 : memref<100xf32, #tpu.memory_space<vmem>>) offsets(%dma_start3A_472 : memref<100xi32, #tpu.memory_space<vmem>>) semaphore(%arg8 : memref<!tpu.dma_semaphore, #tpu.memory_space<semaphore_mem>>)
        %mul3A_475 = arith.constant 64 : i32
        %mul3A_476 = arith.muli %scan3A_26, %mul3A_475 : i32
        %add3A_477 = arith.constant 28 : i32
        %add3A_478 = arith.addi %mul3A_476, %add3A_477 : i32
        %mul3A_479 = arith.constant 64 : i32
        %mul3A_480 = arith.muli %scan3A_26, %mul3A_479 : i32
        %add3A_481 = arith.constant 28 : i32
        %add3A_482 = arith.addi %mul3A_480, %add3A_481 : i32
        %dma_start3A_483 = arith.constant 0 : i32
        %dma_start3A_484 = tpu.memref_slice %arg7[%add3A_482, %dma_start3A_483] : memref<256x100xf32, #tpu.memory_space<vmem>> -> memref<1x100xf32, #tpu.memory_space<vmem>>
        %dma_start3A_485 = tpu.memref_squeeze %dma_start3A_484 : memref<1x100xf32, #tpu.memory_space<vmem>> -> memref<100xf32, #tpu.memory_space<vmem>>
        %dma_start3A_486 = arith.constant 0 : i32
        %dma_start3A_487 = tpu.memref_slice %arg6[%add3A_478, %dma_start3A_486] : memref<256x100xi32, #tpu.memory_space<vmem>> -> memref<1x100xi32, #tpu.memory_space<vmem>>
        %dma_start3A_488 = tpu.memref_squeeze %dma_start3A_487 : memref<1x100xi32, #tpu.memory_space<vmem>> -> memref<100xi32, #tpu.memory_space<vmem>>
        %dma_start3A_489 = arith.constant 0 : i32
        %dma_start3A_490 = tpu.memref_slice %arg5[%dma_start3A_489] : memref<100352xf32, #tpu.memory_space<vmem_shared>> -> memref<100352xf32, #tpu.memory_space<vmem_shared>>
        tpu.enqueue_indirect_dma source(%dma_start3A_490 : memref<100352xf32, #tpu.memory_space<vmem_shared>>) target(%dma_start3A_485 : memref<100xf32, #tpu.memory_space<vmem>>) offsets(%dma_start3A_488 : memref<100xi32, #tpu.memory_space<vmem>>) semaphore(%arg8 : memref<!tpu.dma_semaphore, #tpu.memory_space<semaphore_mem>>)
        %mul3A_491 = arith.constant 64 : i32
        %mul3A_492 = arith.muli %scan3A_26, %mul3A_491 : i32
        %add3A_493 = arith.constant 29 : i32
        %add3A_494 = arith.addi %mul3A_492, %add3A_493 : i32
        %mul3A_495 = arith.constant 64 : i32
        %mul3A_496 = arith.muli %scan3A_26, %mul3A_495 : i32
        %add3A_497 = arith.constant 29 : i32
        %add3A_498 = arith.addi %mul3A_496, %add3A_497 : i32
        %dma_start3A_499 = arith.constant 0 : i32
        %dma_start3A_500 = tpu.memref_slice %arg7[%add3A_498, %dma_start3A_499] : memref<256x100xf32, #tpu.memory_space<vmem>> -> memref<1x100xf32, #tpu.memory_space<vmem>>
        %dma_start3A_501 = tpu.memref_squeeze %dma_start3A_500 : memref<1x100xf32, #tpu.memory_space<vmem>> -> memref<100xf32, #tpu.memory_space<vmem>>
        %dma_start3A_502 = arith.constant 0 : i32
        %dma_start3A_503 = tpu.memref_slice %arg6[%add3A_494, %dma_start3A_502] : memref<256x100xi32, #tpu.memory_space<vmem>> -> memref<1x100xi32, #tpu.memory_space<vmem>>
        %dma_start3A_504 = tpu.memref_squeeze %dma_start3A_503 : memref<1x100xi32, #tpu.memory_space<vmem>> -> memref<100xi32, #tpu.memory_space<vmem>>
        %dma_start3A_505 = arith.constant 0 : i32
        %dma_start3A_506 = tpu.memref_slice %arg5[%dma_start3A_505] : memref<100352xf32, #tpu.memory_space<vmem_shared>> -> memref<100352xf32, #tpu.memory_space<vmem_shared>>
        tpu.enqueue_indirect_dma source(%dma_start3A_506 : memref<100352xf32, #tpu.memory_space<vmem_shared>>) target(%dma_start3A_501 : memref<100xf32, #tpu.memory_space<vmem>>) offsets(%dma_start3A_504 : memref<100xi32, #tpu.memory_space<vmem>>) semaphore(%arg8 : memref<!tpu.dma_semaphore, #tpu.memory_space<semaphore_mem>>)
        %mul3A_507 = arith.constant 64 : i32
        %mul3A_508 = arith.muli %scan3A_26, %mul3A_507 : i32
        %add3A_509 = arith.constant 30 : i32
        %add3A_510 = arith.addi %mul3A_508, %add3A_509 : i32
        %mul3A_511 = arith.constant 64 : i32
        %mul3A_512 = arith.muli %scan3A_26, %mul3A_511 : i32
        %add3A_513 = arith.constant 30 : i32
        %add3A_514 = arith.addi %mul3A_512, %add3A_513 : i32
        %dma_start3A_515 = arith.constant 0 : i32
        %dma_start3A_516 = tpu.memref_slice %arg7[%add3A_514, %dma_start3A_515] : memref<256x100xf32, #tpu.memory_space<vmem>> -> memref<1x100xf32, #tpu.memory_space<vmem>>
        %dma_start3A_517 = tpu.memref_squeeze %dma_start3A_516 : memref<1x100xf32, #tpu.memory_space<vmem>> -> memref<100xf32, #tpu.memory_space<vmem>>
        %dma_start3A_518 = arith.constant 0 : i32
        %dma_start3A_519 = tpu.memref_slice %arg6[%add3A_510, %dma_start3A_518] : memref<256x100xi32, #tpu.memory_space<vmem>> -> memref<1x100xi32, #tpu.memory_space<vmem>>
        %dma_start3A_520 = tpu.memref_squeeze %dma_start3A_519 : memref<1x100xi32, #tpu.memory_space<vmem>> -> memref<100xi32, #tpu.memory_space<vmem>>
        %dma_start3A_521 = arith.constant 0 : i32
        %dma_start3A_522 = tpu.memref_slice %arg5[%dma_start3A_521] : memref<100352xf32, #tpu.memory_space<vmem_shared>> -> memref<100352xf32, #tpu.memory_space<vmem_shared>>
        tpu.enqueue_indirect_dma source(%dma_start3A_522 : memref<100352xf32, #tpu.memory_space<vmem_shared>>) target(%dma_start3A_517 : memref<100xf32, #tpu.memory_space<vmem>>) offsets(%dma_start3A_520 : memref<100xi32, #tpu.memory_space<vmem>>) semaphore(%arg8 : memref<!tpu.dma_semaphore, #tpu.memory_space<semaphore_mem>>)
        %mul3A_523 = arith.constant 64 : i32
        %mul3A_524 = arith.muli %scan3A_26, %mul3A_523 : i32
        %add3A_525 = arith.constant 31 : i32
        %add3A_526 = arith.addi %mul3A_524, %add3A_525 : i32
        %mul3A_527 = arith.constant 64 : i32
        %mul3A_528 = arith.muli %scan3A_26, %mul3A_527 : i32
        %add3A_529 = arith.constant 31 : i32
        %add3A_530 = arith.addi %mul3A_528, %add3A_529 : i32
        %dma_start3A_531 = arith.constant 0 : i32
        %dma_start3A_532 = tpu.memref_slice %arg7[%add3A_530, %dma_start3A_531] : memref<256x100xf32, #tpu.memory_space<vmem>> -> memref<1x100xf32, #tpu.memory_space<vmem>>
        %dma_start3A_533 = tpu.memref_squeeze %dma_start3A_532 : memref<1x100xf32, #tpu.memory_space<vmem>> -> memref<100xf32, #tpu.memory_space<vmem>>
        %dma_start3A_534 = arith.constant 0 : i32
        %dma_start3A_535 = tpu.memref_slice %arg6[%add3A_526, %dma_start3A_534] : memref<256x100xi32, #tpu.memory_space<vmem>> -> memref<1x100xi32, #tpu.memory_space<vmem>>
        %dma_start3A_536 = tpu.memref_squeeze %dma_start3A_535 : memref<1x100xi32, #tpu.memory_space<vmem>> -> memref<100xi32, #tpu.memory_space<vmem>>
        %dma_start3A_537 = arith.constant 0 : i32
        %dma_start3A_538 = tpu.memref_slice %arg5[%dma_start3A_537] : memref<100352xf32, #tpu.memory_space<vmem_shared>> -> memref<100352xf32, #tpu.memory_space<vmem_shared>>
        tpu.enqueue_indirect_dma source(%dma_start3A_538 : memref<100352xf32, #tpu.memory_space<vmem_shared>>) target(%dma_start3A_533 : memref<100xf32, #tpu.memory_space<vmem>>) offsets(%dma_start3A_536 : memref<100xi32, #tpu.memory_space<vmem>>) semaphore(%arg8 : memref<!tpu.dma_semaphore, #tpu.memory_space<semaphore_mem>>)
        %mul3A_539 = arith.constant 64 : i32
        %mul3A_540 = arith.muli %scan3A_26, %mul3A_539 : i32
        %add3A_541 = arith.constant 32 : i32
        %add3A_542 = arith.addi %mul3A_540, %add3A_541 : i32
        %mul3A_543 = arith.constant 64 : i32
        %mul3A_544 = arith.muli %scan3A_26, %mul3A_543 : i32
        %add3A_545 = arith.constant 32 : i32
        %add3A_546 = arith.addi %mul3A_544, %add3A_545 : i32
        %dma_start3A_547 = arith.constant 0 : i32
        %dma_start3A_548 = tpu.memref_slice %arg7[%add3A_546, %dma_start3A_547] : memref<256x100xf32, #tpu.memory_space<vmem>> -> memref<1x100xf32, #tpu.memory_space<vmem>>
        %dma_start3A_549 = tpu.memref_squeeze %dma_start3A_548 : memref<1x100xf32, #tpu.memory_space<vmem>> -> memref<100xf32, #tpu.memory_space<vmem>>
        %dma_start3A_550 = arith.constant 0 : i32
        %dma_start3A_551 = tpu.memref_slice %arg6[%add3A_542, %dma_start3A_550] : memref<256x100xi32, #tpu.memory_space<vmem>> -> memref<1x100xi32, #tpu.memory_space<vmem>>
        %dma_start3A_552 = tpu.memref_squeeze %dma_start3A_551 : memref<1x100xi32, #tpu.memory_space<vmem>> -> memref<100xi32, #tpu.memory_space<vmem>>
        %dma_start3A_553 = arith.constant 0 : i32
        %dma_start3A_554 = tpu.memref_slice %arg5[%dma_start3A_553] : memref<100352xf32, #tpu.memory_space<vmem_shared>> -> memref<100352xf32, #tpu.memory_space<vmem_shared>>
        tpu.enqueue_indirect_dma source(%dma_start3A_554 : memref<100352xf32, #tpu.memory_space<vmem_shared>>) target(%dma_start3A_549 : memref<100xf32, #tpu.memory_space<vmem>>) offsets(%dma_start3A_552 : memref<100xi32, #tpu.memory_space<vmem>>) semaphore(%arg8 : memref<!tpu.dma_semaphore, #tpu.memory_space<semaphore_mem>>)
        %mul3A_555 = arith.constant 64 : i32
        %mul3A_556 = arith.muli %scan3A_26, %mul3A_555 : i32
        %add3A_557 = arith.constant 33 : i32
        %add3A_558 = arith.addi %mul3A_556, %add3A_557 : i32
        %mul3A_559 = arith.constant 64 : i32
        %mul3A_560 = arith.muli %scan3A_26, %mul3A_559 : i32
        %add3A_561 = arith.constant 33 : i32
        %add3A_562 = arith.addi %mul3A_560, %add3A_561 : i32
        %dma_start3A_563 = arith.constant 0 : i32
        %dma_start3A_564 = tpu.memref_slice %arg7[%add3A_562, %dma_start3A_563] : memref<256x100xf32, #tpu.memory_space<vmem>> -> memref<1x100xf32, #tpu.memory_space<vmem>>
        %dma_start3A_565 = tpu.memref_squeeze %dma_start3A_564 : memref<1x100xf32, #tpu.memory_space<vmem>> -> memref<100xf32, #tpu.memory_space<vmem>>
        %dma_start3A_566 = arith.constant 0 : i32
        %dma_start3A_567 = tpu.memref_slice %arg6[%add3A_558, %dma_start3A_566] : memref<256x100xi32, #tpu.memory_space<vmem>> -> memref<1x100xi32, #tpu.memory_space<vmem>>
        %dma_start3A_568 = tpu.memref_squeeze %dma_start3A_567 : memref<1x100xi32, #tpu.memory_space<vmem>> -> memref<100xi32, #tpu.memory_space<vmem>>
        %dma_start3A_569 = arith.constant 0 : i32
        %dma_start3A_570 = tpu.memref_slice %arg5[%dma_start3A_569] : memref<100352xf32, #tpu.memory_space<vmem_shared>> -> memref<100352xf32, #tpu.memory_space<vmem_shared>>
        tpu.enqueue_indirect_dma source(%dma_start3A_570 : memref<100352xf32, #tpu.memory_space<vmem_shared>>) target(%dma_start3A_565 : memref<100xf32, #tpu.memory_space<vmem>>) offsets(%dma_start3A_568 : memref<100xi32, #tpu.memory_space<vmem>>) semaphore(%arg8 : memref<!tpu.dma_semaphore, #tpu.memory_space<semaphore_mem>>)
        %mul3A_571 = arith.constant 64 : i32
        %mul3A_572 = arith.muli %scan3A_26, %mul3A_571 : i32
        %add3A_573 = arith.constant 34 : i32
        %add3A_574 = arith.addi %mul3A_572, %add3A_573 : i32
        %mul3A_575 = arith.constant 64 : i32
        %mul3A_576 = arith.muli %scan3A_26, %mul3A_575 : i32
        %add3A_577 = arith.constant 34 : i32
        %add3A_578 = arith.addi %mul3A_576, %add3A_577 : i32
        %dma_start3A_579 = arith.constant 0 : i32
        %dma_start3A_580 = tpu.memref_slice %arg7[%add3A_578, %dma_start3A_579] : memref<256x100xf32, #tpu.memory_space<vmem>> -> memref<1x100xf32, #tpu.memory_space<vmem>>
        %dma_start3A_581 = tpu.memref_squeeze %dma_start3A_580 : memref<1x100xf32, #tpu.memory_space<vmem>> -> memref<100xf32, #tpu.memory_space<vmem>>
        %dma_start3A_582 = arith.constant 0 : i32
        %dma_start3A_583 = tpu.memref_slice %arg6[%add3A_574, %dma_start3A_582] : memref<256x100xi32, #tpu.memory_space<vmem>> -> memref<1x100xi32, #tpu.memory_space<vmem>>
        %dma_start3A_584 = tpu.memref_squeeze %dma_start3A_583 : memref<1x100xi32, #tpu.memory_space<vmem>> -> memref<100xi32, #tpu.memory_space<vmem>>
        %dma_start3A_585 = arith.constant 0 : i32
        %dma_start3A_586 = tpu.memref_slice %arg5[%dma_start3A_585] : memref<100352xf32, #tpu.memory_space<vmem_shared>> -> memref<100352xf32, #tpu.memory_space<vmem_shared>>
        tpu.enqueue_indirect_dma source(%dma_start3A_586 : memref<100352xf32, #tpu.memory_space<vmem_shared>>) target(%dma_start3A_581 : memref<100xf32, #tpu.memory_space<vmem>>) offsets(%dma_start3A_584 : memref<100xi32, #tpu.memory_space<vmem>>) semaphore(%arg8 : memref<!tpu.dma_semaphore, #tpu.memory_space<semaphore_mem>>)
        %mul3A_587 = arith.constant 64 : i32
        %mul3A_588 = arith.muli %scan3A_26, %mul3A_587 : i32
        %add3A_589 = arith.constant 35 : i32
        %add3A_590 = arith.addi %mul3A_588, %add3A_589 : i32
        %mul3A_591 = arith.constant 64 : i32
        %mul3A_592 = arith.muli %scan3A_26, %mul3A_591 : i32
        %add3A_593 = arith.constant 35 : i32
        %add3A_594 = arith.addi %mul3A_592, %add3A_593 : i32
        %dma_start3A_595 = arith.constant 0 : i32
        %dma_start3A_596 = tpu.memref_slice %arg7[%add3A_594, %dma_start3A_595] : memref<256x100xf32, #tpu.memory_space<vmem>> -> memref<1x100xf32, #tpu.memory_space<vmem>>
        %dma_start3A_597 = tpu.memref_squeeze %dma_start3A_596 : memref<1x100xf32, #tpu.memory_space<vmem>> -> memref<100xf32, #tpu.memory_space<vmem>>
        %dma_start3A_598 = arith.constant 0 : i32
        %dma_start3A_599 = tpu.memref_slice %arg6[%add3A_590, %dma_start3A_598] : memref<256x100xi32, #tpu.memory_space<vmem>> -> memref<1x100xi32, #tpu.memory_space<vmem>>
        %dma_start3A_600 = tpu.memref_squeeze %dma_start3A_599 : memref<1x100xi32, #tpu.memory_space<vmem>> -> memref<100xi32, #tpu.memory_space<vmem>>
        %dma_start3A_601 = arith.constant 0 : i32
        %dma_start3A_602 = tpu.memref_slice %arg5[%dma_start3A_601] : memref<100352xf32, #tpu.memory_space<vmem_shared>> -> memref<100352xf32, #tpu.memory_space<vmem_shared>>
        tpu.enqueue_indirect_dma source(%dma_start3A_602 : memref<100352xf32, #tpu.memory_space<vmem_shared>>) target(%dma_start3A_597 : memref<100xf32, #tpu.memory_space<vmem>>) offsets(%dma_start3A_600 : memref<100xi32, #tpu.memory_space<vmem>>) semaphore(%arg8 : memref<!tpu.dma_semaphore, #tpu.memory_space<semaphore_mem>>)
        %mul3A_603 = arith.constant 64 : i32
        %mul3A_604 = arith.muli %scan3A_26, %mul3A_603 : i32
        %add3A_605 = arith.constant 36 : i32
        %add3A_606 = arith.addi %mul3A_604, %add3A_605 : i32
        %mul3A_607 = arith.constant 64 : i32
        %mul3A_608 = arith.muli %scan3A_26, %mul3A_607 : i32
        %add3A_609 = arith.constant 36 : i32
        %add3A_610 = arith.addi %mul3A_608, %add3A_609 : i32
        %dma_start3A_611 = arith.constant 0 : i32
        %dma_start3A_612 = tpu.memref_slice %arg7[%add3A_610, %dma_start3A_611] : memref<256x100xf32, #tpu.memory_space<vmem>> -> memref<1x100xf32, #tpu.memory_space<vmem>>
        %dma_start3A_613 = tpu.memref_squeeze %dma_start3A_612 : memref<1x100xf32, #tpu.memory_space<vmem>> -> memref<100xf32, #tpu.memory_space<vmem>>
        %dma_start3A_614 = arith.constant 0 : i32
        %dma_start3A_615 = tpu.memref_slice %arg6[%add3A_606, %dma_start3A_614] : memref<256x100xi32, #tpu.memory_space<vmem>> -> memref<1x100xi32, #tpu.memory_space<vmem>>
        %dma_start3A_616 = tpu.memref_squeeze %dma_start3A_615 : memref<1x100xi32, #tpu.memory_space<vmem>> -> memref<100xi32, #tpu.memory_space<vmem>>
        %dma_start3A_617 = arith.constant 0 : i32
        %dma_start3A_618 = tpu.memref_slice %arg5[%dma_start3A_617] : memref<100352xf32, #tpu.memory_space<vmem_shared>> -> memref<100352xf32, #tpu.memory_space<vmem_shared>>
        tpu.enqueue_indirect_dma source(%dma_start3A_618 : memref<100352xf32, #tpu.memory_space<vmem_shared>>) target(%dma_start3A_613 : memref<100xf32, #tpu.memory_space<vmem>>) offsets(%dma_start3A_616 : memref<100xi32, #tpu.memory_space<vmem>>) semaphore(%arg8 : memref<!tpu.dma_semaphore, #tpu.memory_space<semaphore_mem>>)
        %mul3A_619 = arith.constant 64 : i32
        %mul3A_620 = arith.muli %scan3A_26, %mul3A_619 : i32
        %add3A_621 = arith.constant 37 : i32
        %add3A_622 = arith.addi %mul3A_620, %add3A_621 : i32
        %mul3A_623 = arith.constant 64 : i32
        %mul3A_624 = arith.muli %scan3A_26, %mul3A_623 : i32
        %add3A_625 = arith.constant 37 : i32
        %add3A_626 = arith.addi %mul3A_624, %add3A_625 : i32
        %dma_start3A_627 = arith.constant 0 : i32
        %dma_start3A_628 = tpu.memref_slice %arg7[%add3A_626, %dma_start3A_627] : memref<256x100xf32, #tpu.memory_space<vmem>> -> memref<1x100xf32, #tpu.memory_space<vmem>>
        %dma_start3A_629 = tpu.memref_squeeze %dma_start3A_628 : memref<1x100xf32, #tpu.memory_space<vmem>> -> memref<100xf32, #tpu.memory_space<vmem>>
        %dma_start3A_630 = arith.constant 0 : i32
        %dma_start3A_631 = tpu.memref_slice %arg6[%add3A_622, %dma_start3A_630] : memref<256x100xi32, #tpu.memory_space<vmem>> -> memref<1x100xi32, #tpu.memory_space<vmem>>
        %dma_start3A_632 = tpu.memref_squeeze %dma_start3A_631 : memref<1x100xi32, #tpu.memory_space<vmem>> -> memref<100xi32, #tpu.memory_space<vmem>>
        %dma_start3A_633 = arith.constant 0 : i32
        %dma_start3A_634 = tpu.memref_slice %arg5[%dma_start3A_633] : memref<100352xf32, #tpu.memory_space<vmem_shared>> -> memref<100352xf32, #tpu.memory_space<vmem_shared>>
        tpu.enqueue_indirect_dma source(%dma_start3A_634 : memref<100352xf32, #tpu.memory_space<vmem_shared>>) target(%dma_start3A_629 : memref<100xf32, #tpu.memory_space<vmem>>) offsets(%dma_start3A_632 : memref<100xi32, #tpu.memory_space<vmem>>) semaphore(%arg8 : memref<!tpu.dma_semaphore, #tpu.memory_space<semaphore_mem>>)
        %mul3A_635 = arith.constant 64 : i32
        %mul3A_636 = arith.muli %scan3A_26, %mul3A_635 : i32
        %add3A_637 = arith.constant 38 : i32
        %add3A_638 = arith.addi %mul3A_636, %add3A_637 : i32
        %mul3A_639 = arith.constant 64 : i32
        %mul3A_640 = arith.muli %scan3A_26, %mul3A_639 : i32
        %add3A_641 = arith.constant 38 : i32
        %add3A_642 = arith.addi %mul3A_640, %add3A_641 : i32
        %dma_start3A_643 = arith.constant 0 : i32
        %dma_start3A_644 = tpu.memref_slice %arg7[%add3A_642, %dma_start3A_643] : memref<256x100xf32, #tpu.memory_space<vmem>> -> memref<1x100xf32, #tpu.memory_space<vmem>>
        %dma_start3A_645 = tpu.memref_squeeze %dma_start3A_644 : memref<1x100xf32, #tpu.memory_space<vmem>> -> memref<100xf32, #tpu.memory_space<vmem>>
        %dma_start3A_646 = arith.constant 0 : i32
        %dma_start3A_647 = tpu.memref_slice %arg6[%add3A_638, %dma_start3A_646] : memref<256x100xi32, #tpu.memory_space<vmem>> -> memref<1x100xi32, #tpu.memory_space<vmem>>
        %dma_start3A_648 = tpu.memref_squeeze %dma_start3A_647 : memref<1x100xi32, #tpu.memory_space<vmem>> -> memref<100xi32, #tpu.memory_space<vmem>>
        %dma_start3A_649 = arith.constant 0 : i32
        %dma_start3A_650 = tpu.memref_slice %arg5[%dma_start3A_649] : memref<100352xf32, #tpu.memory_space<vmem_shared>> -> memref<100352xf32, #tpu.memory_space<vmem_shared>>
        tpu.enqueue_indirect_dma source(%dma_start3A_650 : memref<100352xf32, #tpu.memory_space<vmem_shared>>) target(%dma_start3A_645 : memref<100xf32, #tpu.memory_space<vmem>>) offsets(%dma_start3A_648 : memref<100xi32, #tpu.memory_space<vmem>>) semaphore(%arg8 : memref<!tpu.dma_semaphore, #tpu.memory_space<semaphore_mem>>)
        %mul3A_651 = arith.constant 64 : i32
        %mul3A_652 = arith.muli %scan3A_26, %mul3A_651 : i32
        %add3A_653 = arith.constant 39 : i32
        %add3A_654 = arith.addi %mul3A_652, %add3A_653 : i32
        %mul3A_655 = arith.constant 64 : i32
        %mul3A_656 = arith.muli %scan3A_26, %mul3A_655 : i32
        %add3A_657 = arith.constant 39 : i32
        %add3A_658 = arith.addi %mul3A_656, %add3A_657 : i32
        %dma_start3A_659 = arith.constant 0 : i32
        %dma_start3A_660 = tpu.memref_slice %arg7[%add3A_658, %dma_start3A_659] : memref<256x100xf32, #tpu.memory_space<vmem>> -> memref<1x100xf32, #tpu.memory_space<vmem>>
        %dma_start3A_661 = tpu.memref_squeeze %dma_start3A_660 : memref<1x100xf32, #tpu.memory_space<vmem>> -> memref<100xf32, #tpu.memory_space<vmem>>
        %dma_start3A_662 = arith.constant 0 : i32
        %dma_start3A_663 = tpu.memref_slice %arg6[%add3A_654, %dma_start3A_662] : memref<256x100xi32, #tpu.memory_space<vmem>> -> memref<1x100xi32, #tpu.memory_space<vmem>>
        %dma_start3A_664 = tpu.memref_squeeze %dma_start3A_663 : memref<1x100xi32, #tpu.memory_space<vmem>> -> memref<100xi32, #tpu.memory_space<vmem>>
        %dma_start3A_665 = arith.constant 0 : i32
        %dma_start3A_666 = tpu.memref_slice %arg5[%dma_start3A_665] : memref<100352xf32, #tpu.memory_space<vmem_shared>> -> memref<100352xf32, #tpu.memory_space<vmem_shared>>
        tpu.enqueue_indirect_dma source(%dma_start3A_666 : memref<100352xf32, #tpu.memory_space<vmem_shared>>) target(%dma_start3A_661 : memref<100xf32, #tpu.memory_space<vmem>>) offsets(%dma_start3A_664 : memref<100xi32, #tpu.memory_space<vmem>>) semaphore(%arg8 : memref<!tpu.dma_semaphore, #tpu.memory_space<semaphore_mem>>)
        %mul3A_667 = arith.constant 64 : i32
        %mul3A_668 = arith.muli %scan3A_26, %mul3A_667 : i32
        %add3A_669 = arith.constant 40 : i32
        %add3A_670 = arith.addi %mul3A_668, %add3A_669 : i32
        %mul3A_671 = arith.constant 64 : i32
        %mul3A_672 = arith.muli %scan3A_26, %mul3A_671 : i32
        %add3A_673 = arith.constant 40 : i32
        %add3A_674 = arith.addi %mul3A_672, %add3A_673 : i32
        %dma_start3A_675 = arith.constant 0 : i32
        %dma_start3A_676 = tpu.memref_slice %arg7[%add3A_674, %dma_start3A_675] : memref<256x100xf32, #tpu.memory_space<vmem>> -> memref<1x100xf32, #tpu.memory_space<vmem>>
        %dma_start3A_677 = tpu.memref_squeeze %dma_start3A_676 : memref<1x100xf32, #tpu.memory_space<vmem>> -> memref<100xf32, #tpu.memory_space<vmem>>
        %dma_start3A_678 = arith.constant 0 : i32
        %dma_start3A_679 = tpu.memref_slice %arg6[%add3A_670, %dma_start3A_678] : memref<256x100xi32, #tpu.memory_space<vmem>> -> memref<1x100xi32, #tpu.memory_space<vmem>>
        %dma_start3A_680 = tpu.memref_squeeze %dma_start3A_679 : memref<1x100xi32, #tpu.memory_space<vmem>> -> memref<100xi32, #tpu.memory_space<vmem>>
        %dma_start3A_681 = arith.constant 0 : i32
        %dma_start3A_682 = tpu.memref_slice %arg5[%dma_start3A_681] : memref<100352xf32, #tpu.memory_space<vmem_shared>> -> memref<100352xf32, #tpu.memory_space<vmem_shared>>
        tpu.enqueue_indirect_dma source(%dma_start3A_682 : memref<100352xf32, #tpu.memory_space<vmem_shared>>) target(%dma_start3A_677 : memref<100xf32, #tpu.memory_space<vmem>>) offsets(%dma_start3A_680 : memref<100xi32, #tpu.memory_space<vmem>>) semaphore(%arg8 : memref<!tpu.dma_semaphore, #tpu.memory_space<semaphore_mem>>)
        %mul3A_683 = arith.constant 64 : i32
        %mul3A_684 = arith.muli %scan3A_26, %mul3A_683 : i32
        %add3A_685 = arith.constant 41 : i32
        %add3A_686 = arith.addi %mul3A_684, %add3A_685 : i32
        %mul3A_687 = arith.constant 64 : i32
        %mul3A_688 = arith.muli %scan3A_26, %mul3A_687 : i32
        %add3A_689 = arith.constant 41 : i32
        %add3A_690 = arith.addi %mul3A_688, %add3A_689 : i32
        %dma_start3A_691 = arith.constant 0 : i32
        %dma_start3A_692 = tpu.memref_slice %arg7[%add3A_690, %dma_start3A_691] : memref<256x100xf32, #tpu.memory_space<vmem>> -> memref<1x100xf32, #tpu.memory_space<vmem>>
        %dma_start3A_693 = tpu.memref_squeeze %dma_start3A_692 : memref<1x100xf32, #tpu.memory_space<vmem>> -> memref<100xf32, #tpu.memory_space<vmem>>
        %dma_start3A_694 = arith.constant 0 : i32
        %dma_start3A_695 = tpu.memref_slice %arg6[%add3A_686, %dma_start3A_694] : memref<256x100xi32, #tpu.memory_space<vmem>> -> memref<1x100xi32, #tpu.memory_space<vmem>>
        %dma_start3A_696 = tpu.memref_squeeze %dma_start3A_695 : memref<1x100xi32, #tpu.memory_space<vmem>> -> memref<100xi32, #tpu.memory_space<vmem>>
        %dma_start3A_697 = arith.constant 0 : i32
        %dma_start3A_698 = tpu.memref_slice %arg5[%dma_start3A_697] : memref<100352xf32, #tpu.memory_space<vmem_shared>> -> memref<100352xf32, #tpu.memory_space<vmem_shared>>
        tpu.enqueue_indirect_dma source(%dma_start3A_698 : memref<100352xf32, #tpu.memory_space<vmem_shared>>) target(%dma_start3A_693 : memref<100xf32, #tpu.memory_space<vmem>>) offsets(%dma_start3A_696 : memref<100xi32, #tpu.memory_space<vmem>>) semaphore(%arg8 : memref<!tpu.dma_semaphore, #tpu.memory_space<semaphore_mem>>)
        %mul3A_699 = arith.constant 64 : i32
        %mul3A_700 = arith.muli %scan3A_26, %mul3A_699 : i32
        %add3A_701 = arith.constant 42 : i32
        %add3A_702 = arith.addi %mul3A_700, %add3A_701 : i32
        %mul3A_703 = arith.constant 64 : i32
        %mul3A_704 = arith.muli %scan3A_26, %mul3A_703 : i32
        %add3A_705 = arith.constant 42 : i32
        %add3A_706 = arith.addi %mul3A_704, %add3A_705 : i32
        %dma_start3A_707 = arith.constant 0 : i32
        %dma_start3A_708 = tpu.memref_slice %arg7[%add3A_706, %dma_start3A_707] : memref<256x100xf32, #tpu.memory_space<vmem>> -> memref<1x100xf32, #tpu.memory_space<vmem>>
        %dma_start3A_709 = tpu.memref_squeeze %dma_start3A_708 : memref<1x100xf32, #tpu.memory_space<vmem>> -> memref<100xf32, #tpu.memory_space<vmem>>
        %dma_start3A_710 = arith.constant 0 : i32
        %dma_start3A_711 = tpu.memref_slice %arg6[%add3A_702, %dma_start3A_710] : memref<256x100xi32, #tpu.memory_space<vmem>> -> memref<1x100xi32, #tpu.memory_space<vmem>>
        %dma_start3A_712 = tpu.memref_squeeze %dma_start3A_711 : memref<1x100xi32, #tpu.memory_space<vmem>> -> memref<100xi32, #tpu.memory_space<vmem>>
        %dma_start3A_713 = arith.constant 0 : i32
        %dma_start3A_714 = tpu.memref_slice %arg5[%dma_start3A_713] : memref<100352xf32, #tpu.memory_space<vmem_shared>> -> memref<100352xf32, #tpu.memory_space<vmem_shared>>
        tpu.enqueue_indirect_dma source(%dma_start3A_714 : memref<100352xf32, #tpu.memory_space<vmem_shared>>) target(%dma_start3A_709 : memref<100xf32, #tpu.memory_space<vmem>>) offsets(%dma_start3A_712 : memref<100xi32, #tpu.memory_space<vmem>>) semaphore(%arg8 : memref<!tpu.dma_semaphore, #tpu.memory_space<semaphore_mem>>)
        %mul3A_715 = arith.constant 64 : i32
        %mul3A_716 = arith.muli %scan3A_26, %mul3A_715 : i32
        %add3A_717 = arith.constant 43 : i32
        %add3A_718 = arith.addi %mul3A_716, %add3A_717 : i32
        %mul3A_719 = arith.constant 64 : i32
        %mul3A_720 = arith.muli %scan3A_26, %mul3A_719 : i32
        %add3A_721 = arith.constant 43 : i32
        %add3A_722 = arith.addi %mul3A_720, %add3A_721 : i32
        %dma_start3A_723 = arith.constant 0 : i32
        %dma_start3A_724 = tpu.memref_slice %arg7[%add3A_722, %dma_start3A_723] : memref<256x100xf32, #tpu.memory_space<vmem>> -> memref<1x100xf32, #tpu.memory_space<vmem>>
        %dma_start3A_725 = tpu.memref_squeeze %dma_start3A_724 : memref<1x100xf32, #tpu.memory_space<vmem>> -> memref<100xf32, #tpu.memory_space<vmem>>
        %dma_start3A_726 = arith.constant 0 : i32
        %dma_start3A_727 = tpu.memref_slice %arg6[%add3A_718, %dma_start3A_726] : memref<256x100xi32, #tpu.memory_space<vmem>> -> memref<1x100xi32, #tpu.memory_space<vmem>>
        %dma_start3A_728 = tpu.memref_squeeze %dma_start3A_727 : memref<1x100xi32, #tpu.memory_space<vmem>> -> memref<100xi32, #tpu.memory_space<vmem>>
        %dma_start3A_729 = arith.constant 0 : i32
        %dma_start3A_730 = tpu.memref_slice %arg5[%dma_start3A_729] : memref<100352xf32, #tpu.memory_space<vmem_shared>> -> memref<100352xf32, #tpu.memory_space<vmem_shared>>
        tpu.enqueue_indirect_dma source(%dma_start3A_730 : memref<100352xf32, #tpu.memory_space<vmem_shared>>) target(%dma_start3A_725 : memref<100xf32, #tpu.memory_space<vmem>>) offsets(%dma_start3A_728 : memref<100xi32, #tpu.memory_space<vmem>>) semaphore(%arg8 : memref<!tpu.dma_semaphore, #tpu.memory_space<semaphore_mem>>)
        %mul3A_731 = arith.constant 64 : i32
        %mul3A_732 = arith.muli %scan3A_26, %mul3A_731 : i32
        %add3A_733 = arith.constant 44 : i32
        %add3A_734 = arith.addi %mul3A_732, %add3A_733 : i32
        %mul3A_735 = arith.constant 64 : i32
        %mul3A_736 = arith.muli %scan3A_26, %mul3A_735 : i32
        %add3A_737 = arith.constant 44 : i32
        %add3A_738 = arith.addi %mul3A_736, %add3A_737 : i32
        %dma_start3A_739 = arith.constant 0 : i32
        %dma_start3A_740 = tpu.memref_slice %arg7[%add3A_738, %dma_start3A_739] : memref<256x100xf32, #tpu.memory_space<vmem>> -> memref<1x100xf32, #tpu.memory_space<vmem>>
        %dma_start3A_741 = tpu.memref_squeeze %dma_start3A_740 : memref<1x100xf32, #tpu.memory_space<vmem>> -> memref<100xf32, #tpu.memory_space<vmem>>
        %dma_start3A_742 = arith.constant 0 : i32
        %dma_start3A_743 = tpu.memref_slice %arg6[%add3A_734, %dma_start3A_742] : memref<256x100xi32, #tpu.memory_space<vmem>> -> memref<1x100xi32, #tpu.memory_space<vmem>>
        %dma_start3A_744 = tpu.memref_squeeze %dma_start3A_743 : memref<1x100xi32, #tpu.memory_space<vmem>> -> memref<100xi32, #tpu.memory_space<vmem>>
        %dma_start3A_745 = arith.constant 0 : i32
        %dma_start3A_746 = tpu.memref_slice %arg5[%dma_start3A_745] : memref<100352xf32, #tpu.memory_space<vmem_shared>> -> memref<100352xf32, #tpu.memory_space<vmem_shared>>
        tpu.enqueue_indirect_dma source(%dma_start3A_746 : memref<100352xf32, #tpu.memory_space<vmem_shared>>) target(%dma_start3A_741 : memref<100xf32, #tpu.memory_space<vmem>>) offsets(%dma_start3A_744 : memref<100xi32, #tpu.memory_space<vmem>>) semaphore(%arg8 : memref<!tpu.dma_semaphore, #tpu.memory_space<semaphore_mem>>)
        %mul3A_747 = arith.constant 64 : i32
        %mul3A_748 = arith.muli %scan3A_26, %mul3A_747 : i32
        %add3A_749 = arith.constant 45 : i32
        %add3A_750 = arith.addi %mul3A_748, %add3A_749 : i32
        %mul3A_751 = arith.constant 64 : i32
        %mul3A_752 = arith.muli %scan3A_26, %mul3A_751 : i32
        %add3A_753 = arith.constant 45 : i32
        %add3A_754 = arith.addi %mul3A_752, %add3A_753 : i32
        %dma_start3A_755 = arith.constant 0 : i32
        %dma_start3A_756 = tpu.memref_slice %arg7[%add3A_754, %dma_start3A_755] : memref<256x100xf32, #tpu.memory_space<vmem>> -> memref<1x100xf32, #tpu.memory_space<vmem>>
        %dma_start3A_757 = tpu.memref_squeeze %dma_start3A_756 : memref<1x100xf32, #tpu.memory_space<vmem>> -> memref<100xf32, #tpu.memory_space<vmem>>
        %dma_start3A_758 = arith.constant 0 : i32
        %dma_start3A_759 = tpu.memref_slice %arg6[%add3A_750, %dma_start3A_758] : memref<256x100xi32, #tpu.memory_space<vmem>> -> memref<1x100xi32, #tpu.memory_space<vmem>>
        %dma_start3A_760 = tpu.memref_squeeze %dma_start3A_759 : memref<1x100xi32, #tpu.memory_space<vmem>> -> memref<100xi32, #tpu.memory_space<vmem>>
        %dma_start3A_761 = arith.constant 0 : i32
        %dma_start3A_762 = tpu.memref_slice %arg5[%dma_start3A_761] : memref<100352xf32, #tpu.memory_space<vmem_shared>> -> memref<100352xf32, #tpu.memory_space<vmem_shared>>
        tpu.enqueue_indirect_dma source(%dma_start3A_762 : memref<100352xf32, #tpu.memory_space<vmem_shared>>) target(%dma_start3A_757 : memref<100xf32, #tpu.memory_space<vmem>>) offsets(%dma_start3A_760 : memref<100xi32, #tpu.memory_space<vmem>>) semaphore(%arg8 : memref<!tpu.dma_semaphore, #tpu.memory_space<semaphore_mem>>)
        %mul3A_763 = arith.constant 64 : i32
        %mul3A_764 = arith.muli %scan3A_26, %mul3A_763 : i32
        %add3A_765 = arith.constant 46 : i32
        %add3A_766 = arith.addi %mul3A_764, %add3A_765 : i32
        %mul3A_767 = arith.constant 64 : i32
        %mul3A_768 = arith.muli %scan3A_26, %mul3A_767 : i32
        %add3A_769 = arith.constant 46 : i32
        %add3A_770 = arith.addi %mul3A_768, %add3A_769 : i32
        %dma_start3A_771 = arith.constant 0 : i32
        %dma_start3A_772 = tpu.memref_slice %arg7[%add3A_770, %dma_start3A_771] : memref<256x100xf32, #tpu.memory_space<vmem>> -> memref<1x100xf32, #tpu.memory_space<vmem>>
        %dma_start3A_773 = tpu.memref_squeeze %dma_start3A_772 : memref<1x100xf32, #tpu.memory_space<vmem>> -> memref<100xf32, #tpu.memory_space<vmem>>
        %dma_start3A_774 = arith.constant 0 : i32
        %dma_start3A_775 = tpu.memref_slice %arg6[%add3A_766, %dma_start3A_774] : memref<256x100xi32, #tpu.memory_space<vmem>> -> memref<1x100xi32, #tpu.memory_space<vmem>>
        %dma_start3A_776 = tpu.memref_squeeze %dma_start3A_775 : memref<1x100xi32, #tpu.memory_space<vmem>> -> memref<100xi32, #tpu.memory_space<vmem>>
        %dma_start3A_777 = arith.constant 0 : i32
        %dma_start3A_778 = tpu.memref_slice %arg5[%dma_start3A_777] : memref<100352xf32, #tpu.memory_space<vmem_shared>> -> memref<100352xf32, #tpu.memory_space<vmem_shared>>
        tpu.enqueue_indirect_dma source(%dma_start3A_778 : memref<100352xf32, #tpu.memory_space<vmem_shared>>) target(%dma_start3A_773 : memref<100xf32, #tpu.memory_space<vmem>>) offsets(%dma_start3A_776 : memref<100xi32, #tpu.memory_space<vmem>>) semaphore(%arg8 : memref<!tpu.dma_semaphore, #tpu.memory_space<semaphore_mem>>)
        %mul3A_779 = arith.constant 64 : i32
        %mul3A_780 = arith.muli %scan3A_26, %mul3A_779 : i32
        %add3A_781 = arith.constant 47 : i32
        %add3A_782 = arith.addi %mul3A_780, %add3A_781 : i32
        %mul3A_783 = arith.constant 64 : i32
        %mul3A_784 = arith.muli %scan3A_26, %mul3A_783 : i32
        %add3A_785 = arith.constant 47 : i32
        %add3A_786 = arith.addi %mul3A_784, %add3A_785 : i32
        %dma_start3A_787 = arith.constant 0 : i32
        %dma_start3A_788 = tpu.memref_slice %arg7[%add3A_786, %dma_start3A_787] : memref<256x100xf32, #tpu.memory_space<vmem>> -> memref<1x100xf32, #tpu.memory_space<vmem>>
        %dma_start3A_789 = tpu.memref_squeeze %dma_start3A_788 : memref<1x100xf32, #tpu.memory_space<vmem>> -> memref<100xf32, #tpu.memory_space<vmem>>
        %dma_start3A_790 = arith.constant 0 : i32
        %dma_start3A_791 = tpu.memref_slice %arg6[%add3A_782, %dma_start3A_790] : memref<256x100xi32, #tpu.memory_space<vmem>> -> memref<1x100xi32, #tpu.memory_space<vmem>>
        %dma_start3A_792 = tpu.memref_squeeze %dma_start3A_791 : memref<1x100xi32, #tpu.memory_space<vmem>> -> memref<100xi32, #tpu.memory_space<vmem>>
        %dma_start3A_793 = arith.constant 0 : i32
        %dma_start3A_794 = tpu.memref_slice %arg5[%dma_start3A_793] : memref<100352xf32, #tpu.memory_space<vmem_shared>> -> memref<100352xf32, #tpu.memory_space<vmem_shared>>
        tpu.enqueue_indirect_dma source(%dma_start3A_794 : memref<100352xf32, #tpu.memory_space<vmem_shared>>) target(%dma_start3A_789 : memref<100xf32, #tpu.memory_space<vmem>>) offsets(%dma_start3A_792 : memref<100xi32, #tpu.memory_space<vmem>>) semaphore(%arg8 : memref<!tpu.dma_semaphore, #tpu.memory_space<semaphore_mem>>)
        %mul3A_795 = arith.constant 64 : i32
        %mul3A_796 = arith.muli %scan3A_26, %mul3A_795 : i32
        %add3A_797 = arith.constant 48 : i32
        %add3A_798 = arith.addi %mul3A_796, %add3A_797 : i32
        %mul3A_799 = arith.constant 64 : i32
        %mul3A_800 = arith.muli %scan3A_26, %mul3A_799 : i32
        %add3A_801 = arith.constant 48 : i32
        %add3A_802 = arith.addi %mul3A_800, %add3A_801 : i32
        %dma_start3A_803 = arith.constant 0 : i32
        %dma_start3A_804 = tpu.memref_slice %arg7[%add3A_802, %dma_start3A_803] : memref<256x100xf32, #tpu.memory_space<vmem>> -> memref<1x100xf32, #tpu.memory_space<vmem>>
        %dma_start3A_805 = tpu.memref_squeeze %dma_start3A_804 : memref<1x100xf32, #tpu.memory_space<vmem>> -> memref<100xf32, #tpu.memory_space<vmem>>
        %dma_start3A_806 = arith.constant 0 : i32
        %dma_start3A_807 = tpu.memref_slice %arg6[%add3A_798, %dma_start3A_806] : memref<256x100xi32, #tpu.memory_space<vmem>> -> memref<1x100xi32, #tpu.memory_space<vmem>>
        %dma_start3A_808 = tpu.memref_squeeze %dma_start3A_807 : memref<1x100xi32, #tpu.memory_space<vmem>> -> memref<100xi32, #tpu.memory_space<vmem>>
        %dma_start3A_809 = arith.constant 0 : i32
        %dma_start3A_810 = tpu.memref_slice %arg5[%dma_start3A_809] : memref<100352xf32, #tpu.memory_space<vmem_shared>> -> memref<100352xf32, #tpu.memory_space<vmem_shared>>
        tpu.enqueue_indirect_dma source(%dma_start3A_810 : memref<100352xf32, #tpu.memory_space<vmem_shared>>) target(%dma_start3A_805 : memref<100xf32, #tpu.memory_space<vmem>>) offsets(%dma_start3A_808 : memref<100xi32, #tpu.memory_space<vmem>>) semaphore(%arg8 : memref<!tpu.dma_semaphore, #tpu.memory_space<semaphore_mem>>)
        %mul3A_811 = arith.constant 64 : i32
        %mul3A_812 = arith.muli %scan3A_26, %mul3A_811 : i32
        %add3A_813 = arith.constant 49 : i32
        %add3A_814 = arith.addi %mul3A_812, %add3A_813 : i32
        %mul3A_815 = arith.constant 64 : i32
        %mul3A_816 = arith.muli %scan3A_26, %mul3A_815 : i32
        %add3A_817 = arith.constant 49 : i32
        %add3A_818 = arith.addi %mul3A_816, %add3A_817 : i32
        %dma_start3A_819 = arith.constant 0 : i32
        %dma_start3A_820 = tpu.memref_slice %arg7[%add3A_818, %dma_start3A_819] : memref<256x100xf32, #tpu.memory_space<vmem>> -> memref<1x100xf32, #tpu.memory_space<vmem>>
        %dma_start3A_821 = tpu.memref_squeeze %dma_start3A_820 : memref<1x100xf32, #tpu.memory_space<vmem>> -> memref<100xf32, #tpu.memory_space<vmem>>
        %dma_start3A_822 = arith.constant 0 : i32
        %dma_start3A_823 = tpu.memref_slice %arg6[%add3A_814, %dma_start3A_822] : memref<256x100xi32, #tpu.memory_space<vmem>> -> memref<1x100xi32, #tpu.memory_space<vmem>>
        %dma_start3A_824 = tpu.memref_squeeze %dma_start3A_823 : memref<1x100xi32, #tpu.memory_space<vmem>> -> memref<100xi32, #tpu.memory_space<vmem>>
        %dma_start3A_825 = arith.constant 0 : i32
        %dma_start3A_826 = tpu.memref_slice %arg5[%dma_start3A_825] : memref<100352xf32, #tpu.memory_space<vmem_shared>> -> memref<100352xf32, #tpu.memory_space<vmem_shared>>
        tpu.enqueue_indirect_dma source(%dma_start3A_826 : memref<100352xf32, #tpu.memory_space<vmem_shared>>) target(%dma_start3A_821 : memref<100xf32, #tpu.memory_space<vmem>>) offsets(%dma_start3A_824 : memref<100xi32, #tpu.memory_space<vmem>>) semaphore(%arg8 : memref<!tpu.dma_semaphore, #tpu.memory_space<semaphore_mem>>)
        %mul3A_827 = arith.constant 64 : i32
        %mul3A_828 = arith.muli %scan3A_26, %mul3A_827 : i32
        %add3A_829 = arith.constant 50 : i32
        %add3A_830 = arith.addi %mul3A_828, %add3A_829 : i32
        %mul3A_831 = arith.constant 64 : i32
        %mul3A_832 = arith.muli %scan3A_26, %mul3A_831 : i32
        %add3A_833 = arith.constant 50 : i32
        %add3A_834 = arith.addi %mul3A_832, %add3A_833 : i32
        %dma_start3A_835 = arith.constant 0 : i32
        %dma_start3A_836 = tpu.memref_slice %arg7[%add3A_834, %dma_start3A_835] : memref<256x100xf32, #tpu.memory_space<vmem>> -> memref<1x100xf32, #tpu.memory_space<vmem>>
        %dma_start3A_837 = tpu.memref_squeeze %dma_start3A_836 : memref<1x100xf32, #tpu.memory_space<vmem>> -> memref<100xf32, #tpu.memory_space<vmem>>
        %dma_start3A_838 = arith.constant 0 : i32
        %dma_start3A_839 = tpu.memref_slice %arg6[%add3A_830, %dma_start3A_838] : memref<256x100xi32, #tpu.memory_space<vmem>> -> memref<1x100xi32, #tpu.memory_space<vmem>>
        %dma_start3A_840 = tpu.memref_squeeze %dma_start3A_839 : memref<1x100xi32, #tpu.memory_space<vmem>> -> memref<100xi32, #tpu.memory_space<vmem>>
        %dma_start3A_841 = arith.constant 0 : i32
        %dma_start3A_842 = tpu.memref_slice %arg5[%dma_start3A_841] : memref<100352xf32, #tpu.memory_space<vmem_shared>> -> memref<100352xf32, #tpu.memory_space<vmem_shared>>
        tpu.enqueue_indirect_dma source(%dma_start3A_842 : memref<100352xf32, #tpu.memory_space<vmem_shared>>) target(%dma_start3A_837 : memref<100xf32, #tpu.memory_space<vmem>>) offsets(%dma_start3A_840 : memref<100xi32, #tpu.memory_space<vmem>>) semaphore(%arg8 : memref<!tpu.dma_semaphore, #tpu.memory_space<semaphore_mem>>)
        %mul3A_843 = arith.constant 64 : i32
        %mul3A_844 = arith.muli %scan3A_26, %mul3A_843 : i32
        %add3A_845 = arith.constant 51 : i32
        %add3A_846 = arith.addi %mul3A_844, %add3A_845 : i32
        %mul3A_847 = arith.constant 64 : i32
        %mul3A_848 = arith.muli %scan3A_26, %mul3A_847 : i32
        %add3A_849 = arith.constant 51 : i32
        %add3A_850 = arith.addi %mul3A_848, %add3A_849 : i32
        %dma_start3A_851 = arith.constant 0 : i32
        %dma_start3A_852 = tpu.memref_slice %arg7[%add3A_850, %dma_start3A_851] : memref<256x100xf32, #tpu.memory_space<vmem>> -> memref<1x100xf32, #tpu.memory_space<vmem>>
        %dma_start3A_853 = tpu.memref_squeeze %dma_start3A_852 : memref<1x100xf32, #tpu.memory_space<vmem>> -> memref<100xf32, #tpu.memory_space<vmem>>
        %dma_start3A_854 = arith.constant 0 : i32
        %dma_start3A_855 = tpu.memref_slice %arg6[%add3A_846, %dma_start3A_854] : memref<256x100xi32, #tpu.memory_space<vmem>> -> memref<1x100xi32, #tpu.memory_space<vmem>>
        %dma_start3A_856 = tpu.memref_squeeze %dma_start3A_855 : memref<1x100xi32, #tpu.memory_space<vmem>> -> memref<100xi32, #tpu.memory_space<vmem>>
        %dma_start3A_857 = arith.constant 0 : i32
        %dma_start3A_858 = tpu.memref_slice %arg5[%dma_start3A_857] : memref<100352xf32, #tpu.memory_space<vmem_shared>> -> memref<100352xf32, #tpu.memory_space<vmem_shared>>
        tpu.enqueue_indirect_dma source(%dma_start3A_858 : memref<100352xf32, #tpu.memory_space<vmem_shared>>) target(%dma_start3A_853 : memref<100xf32, #tpu.memory_space<vmem>>) offsets(%dma_start3A_856 : memref<100xi32, #tpu.memory_space<vmem>>) semaphore(%arg8 : memref<!tpu.dma_semaphore, #tpu.memory_space<semaphore_mem>>)
        %mul3A_859 = arith.constant 64 : i32
        %mul3A_860 = arith.muli %scan3A_26, %mul3A_859 : i32
        %add3A_861 = arith.constant 52 : i32
        %add3A_862 = arith.addi %mul3A_860, %add3A_861 : i32
        %mul3A_863 = arith.constant 64 : i32
        %mul3A_864 = arith.muli %scan3A_26, %mul3A_863 : i32
        %add3A_865 = arith.constant 52 : i32
        %add3A_866 = arith.addi %mul3A_864, %add3A_865 : i32
        %dma_start3A_867 = arith.constant 0 : i32
        %dma_start3A_868 = tpu.memref_slice %arg7[%add3A_866, %dma_start3A_867] : memref<256x100xf32, #tpu.memory_space<vmem>> -> memref<1x100xf32, #tpu.memory_space<vmem>>
        %dma_start3A_869 = tpu.memref_squeeze %dma_start3A_868 : memref<1x100xf32, #tpu.memory_space<vmem>> -> memref<100xf32, #tpu.memory_space<vmem>>
        %dma_start3A_870 = arith.constant 0 : i32
        %dma_start3A_871 = tpu.memref_slice %arg6[%add3A_862, %dma_start3A_870] : memref<256x100xi32, #tpu.memory_space<vmem>> -> memref<1x100xi32, #tpu.memory_space<vmem>>
        %dma_start3A_872 = tpu.memref_squeeze %dma_start3A_871 : memref<1x100xi32, #tpu.memory_space<vmem>> -> memref<100xi32, #tpu.memory_space<vmem>>
        %dma_start3A_873 = arith.constant 0 : i32
        %dma_start3A_874 = tpu.memref_slice %arg5[%dma_start3A_873] : memref<100352xf32, #tpu.memory_space<vmem_shared>> -> memref<100352xf32, #tpu.memory_space<vmem_shared>>
        tpu.enqueue_indirect_dma source(%dma_start3A_874 : memref<100352xf32, #tpu.memory_space<vmem_shared>>) target(%dma_start3A_869 : memref<100xf32, #tpu.memory_space<vmem>>) offsets(%dma_start3A_872 : memref<100xi32, #tpu.memory_space<vmem>>) semaphore(%arg8 : memref<!tpu.dma_semaphore, #tpu.memory_space<semaphore_mem>>)
        %mul3A_875 = arith.constant 64 : i32
        %mul3A_876 = arith.muli %scan3A_26, %mul3A_875 : i32
        %add3A_877 = arith.constant 53 : i32
        %add3A_878 = arith.addi %mul3A_876, %add3A_877 : i32
        %mul3A_879 = arith.constant 64 : i32
        %mul3A_880 = arith.muli %scan3A_26, %mul3A_879 : i32
        %add3A_881 = arith.constant 53 : i32
        %add3A_882 = arith.addi %mul3A_880, %add3A_881 : i32
        %dma_start3A_883 = arith.constant 0 : i32
        %dma_start3A_884 = tpu.memref_slice %arg7[%add3A_882, %dma_start3A_883] : memref<256x100xf32, #tpu.memory_space<vmem>> -> memref<1x100xf32, #tpu.memory_space<vmem>>
        %dma_start3A_885 = tpu.memref_squeeze %dma_start3A_884 : memref<1x100xf32, #tpu.memory_space<vmem>> -> memref<100xf32, #tpu.memory_space<vmem>>
        %dma_start3A_886 = arith.constant 0 : i32
        %dma_start3A_887 = tpu.memref_slice %arg6[%add3A_878, %dma_start3A_886] : memref<256x100xi32, #tpu.memory_space<vmem>> -> memref<1x100xi32, #tpu.memory_space<vmem>>
        %dma_start3A_888 = tpu.memref_squeeze %dma_start3A_887 : memref<1x100xi32, #tpu.memory_space<vmem>> -> memref<100xi32, #tpu.memory_space<vmem>>
        %dma_start3A_889 = arith.constant 0 : i32
        %dma_start3A_890 = tpu.memref_slice %arg5[%dma_start3A_889] : memref<100352xf32, #tpu.memory_space<vmem_shared>> -> memref<100352xf32, #tpu.memory_space<vmem_shared>>
        tpu.enqueue_indirect_dma source(%dma_start3A_890 : memref<100352xf32, #tpu.memory_space<vmem_shared>>) target(%dma_start3A_885 : memref<100xf32, #tpu.memory_space<vmem>>) offsets(%dma_start3A_888 : memref<100xi32, #tpu.memory_space<vmem>>) semaphore(%arg8 : memref<!tpu.dma_semaphore, #tpu.memory_space<semaphore_mem>>)
        %mul3A_891 = arith.constant 64 : i32
        %mul3A_892 = arith.muli %scan3A_26, %mul3A_891 : i32
        %add3A_893 = arith.constant 54 : i32
        %add3A_894 = arith.addi %mul3A_892, %add3A_893 : i32
        %mul3A_895 = arith.constant 64 : i32
        %mul3A_896 = arith.muli %scan3A_26, %mul3A_895 : i32
        %add3A_897 = arith.constant 54 : i32
        %add3A_898 = arith.addi %mul3A_896, %add3A_897 : i32
        %dma_start3A_899 = arith.constant 0 : i32
        %dma_start3A_900 = tpu.memref_slice %arg7[%add3A_898, %dma_start3A_899] : memref<256x100xf32, #tpu.memory_space<vmem>> -> memref<1x100xf32, #tpu.memory_space<vmem>>
        %dma_start3A_901 = tpu.memref_squeeze %dma_start3A_900 : memref<1x100xf32, #tpu.memory_space<vmem>> -> memref<100xf32, #tpu.memory_space<vmem>>
        %dma_start3A_902 = arith.constant 0 : i32
        %dma_start3A_903 = tpu.memref_slice %arg6[%add3A_894, %dma_start3A_902] : memref<256x100xi32, #tpu.memory_space<vmem>> -> memref<1x100xi32, #tpu.memory_space<vmem>>
        %dma_start3A_904 = tpu.memref_squeeze %dma_start3A_903 : memref<1x100xi32, #tpu.memory_space<vmem>> -> memref<100xi32, #tpu.memory_space<vmem>>
        %dma_start3A_905 = arith.constant 0 : i32
        %dma_start3A_906 = tpu.memref_slice %arg5[%dma_start3A_905] : memref<100352xf32, #tpu.memory_space<vmem_shared>> -> memref<100352xf32, #tpu.memory_space<vmem_shared>>
        tpu.enqueue_indirect_dma source(%dma_start3A_906 : memref<100352xf32, #tpu.memory_space<vmem_shared>>) target(%dma_start3A_901 : memref<100xf32, #tpu.memory_space<vmem>>) offsets(%dma_start3A_904 : memref<100xi32, #tpu.memory_space<vmem>>) semaphore(%arg8 : memref<!tpu.dma_semaphore, #tpu.memory_space<semaphore_mem>>)
        %mul3A_907 = arith.constant 64 : i32
        %mul3A_908 = arith.muli %scan3A_26, %mul3A_907 : i32
        %add3A_909 = arith.constant 55 : i32
        %add3A_910 = arith.addi %mul3A_908, %add3A_909 : i32
        %mul3A_911 = arith.constant 64 : i32
        %mul3A_912 = arith.muli %scan3A_26, %mul3A_911 : i32
        %add3A_913 = arith.constant 55 : i32
        %add3A_914 = arith.addi %mul3A_912, %add3A_913 : i32
        %dma_start3A_915 = arith.constant 0 : i32
        %dma_start3A_916 = tpu.memref_slice %arg7[%add3A_914, %dma_start3A_915] : memref<256x100xf32, #tpu.memory_space<vmem>> -> memref<1x100xf32, #tpu.memory_space<vmem>>
        %dma_start3A_917 = tpu.memref_squeeze %dma_start3A_916 : memref<1x100xf32, #tpu.memory_space<vmem>> -> memref<100xf32, #tpu.memory_space<vmem>>
        %dma_start3A_918 = arith.constant 0 : i32
        %dma_start3A_919 = tpu.memref_slice %arg6[%add3A_910, %dma_start3A_918] : memref<256x100xi32, #tpu.memory_space<vmem>> -> memref<1x100xi32, #tpu.memory_space<vmem>>
        %dma_start3A_920 = tpu.memref_squeeze %dma_start3A_919 : memref<1x100xi32, #tpu.memory_space<vmem>> -> memref<100xi32, #tpu.memory_space<vmem>>
        %dma_start3A_921 = arith.constant 0 : i32
        %dma_start3A_922 = tpu.memref_slice %arg5[%dma_start3A_921] : memref<100352xf32, #tpu.memory_space<vmem_shared>> -> memref<100352xf32, #tpu.memory_space<vmem_shared>>
        tpu.enqueue_indirect_dma source(%dma_start3A_922 : memref<100352xf32, #tpu.memory_space<vmem_shared>>) target(%dma_start3A_917 : memref<100xf32, #tpu.memory_space<vmem>>) offsets(%dma_start3A_920 : memref<100xi32, #tpu.memory_space<vmem>>) semaphore(%arg8 : memref<!tpu.dma_semaphore, #tpu.memory_space<semaphore_mem>>)
        %mul3A_923 = arith.constant 64 : i32
        %mul3A_924 = arith.muli %scan3A_26, %mul3A_923 : i32
        %add3A_925 = arith.constant 56 : i32
        %add3A_926 = arith.addi %mul3A_924, %add3A_925 : i32
        %mul3A_927 = arith.constant 64 : i32
        %mul3A_928 = arith.muli %scan3A_26, %mul3A_927 : i32
        %add3A_929 = arith.constant 56 : i32
        %add3A_930 = arith.addi %mul3A_928, %add3A_929 : i32
        %dma_start3A_931 = arith.constant 0 : i32
        %dma_start3A_932 = tpu.memref_slice %arg7[%add3A_930, %dma_start3A_931] : memref<256x100xf32, #tpu.memory_space<vmem>> -> memref<1x100xf32, #tpu.memory_space<vmem>>
        %dma_start3A_933 = tpu.memref_squeeze %dma_start3A_932 : memref<1x100xf32, #tpu.memory_space<vmem>> -> memref<100xf32, #tpu.memory_space<vmem>>
        %dma_start3A_934 = arith.constant 0 : i32
        %dma_start3A_935 = tpu.memref_slice %arg6[%add3A_926, %dma_start3A_934] : memref<256x100xi32, #tpu.memory_space<vmem>> -> memref<1x100xi32, #tpu.memory_space<vmem>>
        %dma_start3A_936 = tpu.memref_squeeze %dma_start3A_935 : memref<1x100xi32, #tpu.memory_space<vmem>> -> memref<100xi32, #tpu.memory_space<vmem>>
        %dma_start3A_937 = arith.constant 0 : i32
        %dma_start3A_938 = tpu.memref_slice %arg5[%dma_start3A_937] : memref<100352xf32, #tpu.memory_space<vmem_shared>> -> memref<100352xf32, #tpu.memory_space<vmem_shared>>
        tpu.enqueue_indirect_dma source(%dma_start3A_938 : memref<100352xf32, #tpu.memory_space<vmem_shared>>) target(%dma_start3A_933 : memref<100xf32, #tpu.memory_space<vmem>>) offsets(%dma_start3A_936 : memref<100xi32, #tpu.memory_space<vmem>>) semaphore(%arg8 : memref<!tpu.dma_semaphore, #tpu.memory_space<semaphore_mem>>)
        %mul3A_939 = arith.constant 64 : i32
        %mul3A_940 = arith.muli %scan3A_26, %mul3A_939 : i32
        %add3A_941 = arith.constant 57 : i32
        %add3A_942 = arith.addi %mul3A_940, %add3A_941 : i32
        %mul3A_943 = arith.constant 64 : i32
        %mul3A_944 = arith.muli %scan3A_26, %mul3A_943 : i32
        %add3A_945 = arith.constant 57 : i32
        %add3A_946 = arith.addi %mul3A_944, %add3A_945 : i32
        %dma_start3A_947 = arith.constant 0 : i32
        %dma_start3A_948 = tpu.memref_slice %arg7[%add3A_946, %dma_start3A_947] : memref<256x100xf32, #tpu.memory_space<vmem>> -> memref<1x100xf32, #tpu.memory_space<vmem>>
        %dma_start3A_949 = tpu.memref_squeeze %dma_start3A_948 : memref<1x100xf32, #tpu.memory_space<vmem>> -> memref<100xf32, #tpu.memory_space<vmem>>
        %dma_start3A_950 = arith.constant 0 : i32
        %dma_start3A_951 = tpu.memref_slice %arg6[%add3A_942, %dma_start3A_950] : memref<256x100xi32, #tpu.memory_space<vmem>> -> memref<1x100xi32, #tpu.memory_space<vmem>>
        %dma_start3A_952 = tpu.memref_squeeze %dma_start3A_951 : memref<1x100xi32, #tpu.memory_space<vmem>> -> memref<100xi32, #tpu.memory_space<vmem>>
        %dma_start3A_953 = arith.constant 0 : i32
        %dma_start3A_954 = tpu.memref_slice %arg5[%dma_start3A_953] : memref<100352xf32, #tpu.memory_space<vmem_shared>> -> memref<100352xf32, #tpu.memory_space<vmem_shared>>
        tpu.enqueue_indirect_dma source(%dma_start3A_954 : memref<100352xf32, #tpu.memory_space<vmem_shared>>) target(%dma_start3A_949 : memref<100xf32, #tpu.memory_space<vmem>>) offsets(%dma_start3A_952 : memref<100xi32, #tpu.memory_space<vmem>>) semaphore(%arg8 : memref<!tpu.dma_semaphore, #tpu.memory_space<semaphore_mem>>)
        %mul3A_955 = arith.constant 64 : i32
        %mul3A_956 = arith.muli %scan3A_26, %mul3A_955 : i32
        %add3A_957 = arith.constant 58 : i32
        %add3A_958 = arith.addi %mul3A_956, %add3A_957 : i32
        %mul3A_959 = arith.constant 64 : i32
        %mul3A_960 = arith.muli %scan3A_26, %mul3A_959 : i32
        %add3A_961 = arith.constant 58 : i32
        %add3A_962 = arith.addi %mul3A_960, %add3A_961 : i32
        %dma_start3A_963 = arith.constant 0 : i32
        %dma_start3A_964 = tpu.memref_slice %arg7[%add3A_962, %dma_start3A_963] : memref<256x100xf32, #tpu.memory_space<vmem>> -> memref<1x100xf32, #tpu.memory_space<vmem>>
        %dma_start3A_965 = tpu.memref_squeeze %dma_start3A_964 : memref<1x100xf32, #tpu.memory_space<vmem>> -> memref<100xf32, #tpu.memory_space<vmem>>
        %dma_start3A_966 = arith.constant 0 : i32
        %dma_start3A_967 = tpu.memref_slice %arg6[%add3A_958, %dma_start3A_966] : memref<256x100xi32, #tpu.memory_space<vmem>> -> memref<1x100xi32, #tpu.memory_space<vmem>>
        %dma_start3A_968 = tpu.memref_squeeze %dma_start3A_967 : memref<1x100xi32, #tpu.memory_space<vmem>> -> memref<100xi32, #tpu.memory_space<vmem>>
        %dma_start3A_969 = arith.constant 0 : i32
        %dma_start3A_970 = tpu.memref_slice %arg5[%dma_start3A_969] : memref<100352xf32, #tpu.memory_space<vmem_shared>> -> memref<100352xf32, #tpu.memory_space<vmem_shared>>
        tpu.enqueue_indirect_dma source(%dma_start3A_970 : memref<100352xf32, #tpu.memory_space<vmem_shared>>) target(%dma_start3A_965 : memref<100xf32, #tpu.memory_space<vmem>>) offsets(%dma_start3A_968 : memref<100xi32, #tpu.memory_space<vmem>>) semaphore(%arg8 : memref<!tpu.dma_semaphore, #tpu.memory_space<semaphore_mem>>)
        %mul3A_971 = arith.constant 64 : i32
        %mul3A_972 = arith.muli %scan3A_26, %mul3A_971 : i32
        %add3A_973 = arith.constant 59 : i32
        %add3A_974 = arith.addi %mul3A_972, %add3A_973 : i32
        %mul3A_975 = arith.constant 64 : i32
        %mul3A_976 = arith.muli %scan3A_26, %mul3A_975 : i32
        %add3A_977 = arith.constant 59 : i32
        %add3A_978 = arith.addi %mul3A_976, %add3A_977 : i32
        %dma_start3A_979 = arith.constant 0 : i32
        %dma_start3A_980 = tpu.memref_slice %arg7[%add3A_978, %dma_start3A_979] : memref<256x100xf32, #tpu.memory_space<vmem>> -> memref<1x100xf32, #tpu.memory_space<vmem>>
        %dma_start3A_981 = tpu.memref_squeeze %dma_start3A_980 : memref<1x100xf32, #tpu.memory_space<vmem>> -> memref<100xf32, #tpu.memory_space<vmem>>
        %dma_start3A_982 = arith.constant 0 : i32
        %dma_start3A_983 = tpu.memref_slice %arg6[%add3A_974, %dma_start3A_982] : memref<256x100xi32, #tpu.memory_space<vmem>> -> memref<1x100xi32, #tpu.memory_space<vmem>>
        %dma_start3A_984 = tpu.memref_squeeze %dma_start3A_983 : memref<1x100xi32, #tpu.memory_space<vmem>> -> memref<100xi32, #tpu.memory_space<vmem>>
        %dma_start3A_985 = arith.constant 0 : i32
        %dma_start3A_986 = tpu.memref_slice %arg5[%dma_start3A_985] : memref<100352xf32, #tpu.memory_space<vmem_shared>> -> memref<100352xf32, #tpu.memory_space<vmem_shared>>
        tpu.enqueue_indirect_dma source(%dma_start3A_986 : memref<100352xf32, #tpu.memory_space<vmem_shared>>) target(%dma_start3A_981 : memref<100xf32, #tpu.memory_space<vmem>>) offsets(%dma_start3A_984 : memref<100xi32, #tpu.memory_space<vmem>>) semaphore(%arg8 : memref<!tpu.dma_semaphore, #tpu.memory_space<semaphore_mem>>)
        %mul3A_987 = arith.constant 64 : i32
        %mul3A_988 = arith.muli %scan3A_26, %mul3A_987 : i32
        %add3A_989 = arith.constant 60 : i32
        %add3A_990 = arith.addi %mul3A_988, %add3A_989 : i32
        %mul3A_991 = arith.constant 64 : i32
        %mul3A_992 = arith.muli %scan3A_26, %mul3A_991 : i32
        %add3A_993 = arith.constant 60 : i32
        %add3A_994 = arith.addi %mul3A_992, %add3A_993 : i32
        %dma_start3A_995 = arith.constant 0 : i32
        %dma_start3A_996 = tpu.memref_slice %arg7[%add3A_994, %dma_start3A_995] : memref<256x100xf32, #tpu.memory_space<vmem>> -> memref<1x100xf32, #tpu.memory_space<vmem>>
        %dma_start3A_997 = tpu.memref_squeeze %dma_start3A_996 : memref<1x100xf32, #tpu.memory_space<vmem>> -> memref<100xf32, #tpu.memory_space<vmem>>
        %dma_start3A_998 = arith.constant 0 : i32
        %dma_start3A_999 = tpu.memref_slice %arg6[%add3A_990, %dma_start3A_998] : memref<256x100xi32, #tpu.memory_space<vmem>> -> memref<1x100xi32, #tpu.memory_space<vmem>>
        %dma_start3A_1000 = tpu.memref_squeeze %dma_start3A_999 : memref<1x100xi32, #tpu.memory_space<vmem>> -> memref<100xi32, #tpu.memory_space<vmem>>
        %dma_start3A_1001 = arith.constant 0 : i32
        %dma_start3A_1002 = tpu.memref_slice %arg5[%dma_start3A_1001] : memref<100352xf32, #tpu.memory_space<vmem_shared>> -> memref<100352xf32, #tpu.memory_space<vmem_shared>>
        tpu.enqueue_indirect_dma source(%dma_start3A_1002 : memref<100352xf32, #tpu.memory_space<vmem_shared>>) target(%dma_start3A_997 : memref<100xf32, #tpu.memory_space<vmem>>) offsets(%dma_start3A_1000 : memref<100xi32, #tpu.memory_space<vmem>>) semaphore(%arg8 : memref<!tpu.dma_semaphore, #tpu.memory_space<semaphore_mem>>)
        %mul3A_1003 = arith.constant 64 : i32
        %mul3A_1004 = arith.muli %scan3A_26, %mul3A_1003 : i32
        %add3A_1005 = arith.constant 61 : i32
        %add3A_1006 = arith.addi %mul3A_1004, %add3A_1005 : i32
        %mul3A_1007 = arith.constant 64 : i32
        %mul3A_1008 = arith.muli %scan3A_26, %mul3A_1007 : i32
        %add3A_1009 = arith.constant 61 : i32
        %add3A_1010 = arith.addi %mul3A_1008, %add3A_1009 : i32
        %dma_start3A_1011 = arith.constant 0 : i32
        %dma_start3A_1012 = tpu.memref_slice %arg7[%add3A_1010, %dma_start3A_1011] : memref<256x100xf32, #tpu.memory_space<vmem>> -> memref<1x100xf32, #tpu.memory_space<vmem>>
        %dma_start3A_1013 = tpu.memref_squeeze %dma_start3A_1012 : memref<1x100xf32, #tpu.memory_space<vmem>> -> memref<100xf32, #tpu.memory_space<vmem>>
        %dma_start3A_1014 = arith.constant 0 : i32
        %dma_start3A_1015 = tpu.memref_slice %arg6[%add3A_1006, %dma_start3A_1014] : memref<256x100xi32, #tpu.memory_space<vmem>> -> memref<1x100xi32, #tpu.memory_space<vmem>>
        %dma_start3A_1016 = tpu.memref_squeeze %dma_start3A_1015 : memref<1x100xi32, #tpu.memory_space<vmem>> -> memref<100xi32, #tpu.memory_space<vmem>>
        %dma_start3A_1017 = arith.constant 0 : i32
        %dma_start3A_1018 = tpu.memref_slice %arg5[%dma_start3A_1017] : memref<100352xf32, #tpu.memory_space<vmem_shared>> -> memref<100352xf32, #tpu.memory_space<vmem_shared>>
        tpu.enqueue_indirect_dma source(%dma_start3A_1018 : memref<100352xf32, #tpu.memory_space<vmem_shared>>) target(%dma_start3A_1013 : memref<100xf32, #tpu.memory_space<vmem>>) offsets(%dma_start3A_1016 : memref<100xi32, #tpu.memory_space<vmem>>) semaphore(%arg8 : memref<!tpu.dma_semaphore, #tpu.memory_space<semaphore_mem>>)
        %mul3A_1019 = arith.constant 64 : i32
        %mul3A_1020 = arith.muli %scan3A_26, %mul3A_1019 : i32
        %add3A_1021 = arith.constant 62 : i32
        %add3A_1022 = arith.addi %mul3A_1020, %add3A_1021 : i32
        %mul3A_1023 = arith.constant 64 : i32
        %mul3A_1024 = arith.muli %scan3A_26, %mul3A_1023 : i32
        %add3A_1025 = arith.constant 62 : i32
        %add3A_1026 = arith.addi %mul3A_1024, %add3A_1025 : i32
        %dma_start3A_1027 = arith.constant 0 : i32
        %dma_start3A_1028 = tpu.memref_slice %arg7[%add3A_1026, %dma_start3A_1027] : memref<256x100xf32, #tpu.memory_space<vmem>> -> memref<1x100xf32, #tpu.memory_space<vmem>>
        %dma_start3A_1029 = tpu.memref_squeeze %dma_start3A_1028 : memref<1x100xf32, #tpu.memory_space<vmem>> -> memref<100xf32, #tpu.memory_space<vmem>>
        %dma_start3A_1030 = arith.constant 0 : i32
        %dma_start3A_1031 = tpu.memref_slice %arg6[%add3A_1022, %dma_start3A_1030] : memref<256x100xi32, #tpu.memory_space<vmem>> -> memref<1x100xi32, #tpu.memory_space<vmem>>
        %dma_start3A_1032 = tpu.memref_squeeze %dma_start3A_1031 : memref<1x100xi32, #tpu.memory_space<vmem>> -> memref<100xi32, #tpu.memory_space<vmem>>
        %dma_start3A_1033 = arith.constant 0 : i32
        %dma_start3A_1034 = tpu.memref_slice %arg5[%dma_start3A_1033] : memref<100352xf32, #tpu.memory_space<vmem_shared>> -> memref<100352xf32, #tpu.memory_space<vmem_shared>>
        tpu.enqueue_indirect_dma source(%dma_start3A_1034 : memref<100352xf32, #tpu.memory_space<vmem_shared>>) target(%dma_start3A_1029 : memref<100xf32, #tpu.memory_space<vmem>>) offsets(%dma_start3A_1032 : memref<100xi32, #tpu.memory_space<vmem>>) semaphore(%arg8 : memref<!tpu.dma_semaphore, #tpu.memory_space<semaphore_mem>>)
        %mul3A_1035 = arith.constant 64 : i32
        %mul3A_1036 = arith.muli %scan3A_26, %mul3A_1035 : i32
        %add3A_1037 = arith.constant 63 : i32
        %add3A_1038 = arith.addi %mul3A_1036, %add3A_1037 : i32
        %mul3A_1039 = arith.constant 64 : i32
        %mul3A_1040 = arith.muli %scan3A_26, %mul3A_1039 : i32
        %add3A_1041 = arith.constant 63 : i32
        %add3A_1042 = arith.addi %mul3A_1040, %add3A_1041 : i32
        %dma_start3A_1043 = arith.constant 0 : i32
        %dma_start3A_1044 = tpu.memref_slice %arg7[%add3A_1042, %dma_start3A_1043] : memref<256x100xf32, #tpu.memory_space<vmem>> -> memref<1x100xf32, #tpu.memory_space<vmem>>
        %dma_start3A_1045 = tpu.memref_squeeze %dma_start3A_1044 : memref<1x100xf32, #tpu.memory_space<vmem>> -> memref<100xf32, #tpu.memory_space<vmem>>
        %dma_start3A_1046 = arith.constant 0 : i32
        %dma_start3A_1047 = tpu.memref_slice %arg6[%add3A_1038, %dma_start3A_1046] : memref<256x100xi32, #tpu.memory_space<vmem>> -> memref<1x100xi32, #tpu.memory_space<vmem>>
        %dma_start3A_1048 = tpu.memref_squeeze %dma_start3A_1047 : memref<1x100xi32, #tpu.memory_space<vmem>> -> memref<100xi32, #tpu.memory_space<vmem>>
        %dma_start3A_1049 = arith.constant 0 : i32
        %dma_start3A_1050 = tpu.memref_slice %arg5[%dma_start3A_1049] : memref<100352xf32, #tpu.memory_space<vmem_shared>> -> memref<100352xf32, #tpu.memory_space<vmem_shared>>
        tpu.enqueue_indirect_dma source(%dma_start3A_1050 : memref<100352xf32, #tpu.memory_space<vmem_shared>>) target(%dma_start3A_1045 : memref<100xf32, #tpu.memory_space<vmem>>) offsets(%dma_start3A_1048 : memref<100xi32, #tpu.memory_space<vmem>>) semaphore(%arg8 : memref<!tpu.dma_semaphore, #tpu.memory_space<semaphore_mem>>)
        %dma_wait3A = arith.constant 0 : i32
        %dma_wait3A_1051 = tpu.memref_slice %arg7[%add3A_35, %dma_wait3A] : memref<256x100xf32, #tpu.memory_space<vmem>> -> memref<1x100xf32, #tpu.memory_space<vmem>>
        %dma_wait3A_1052 = tpu.memref_squeeze %dma_wait3A_1051 : memref<1x100xf32, #tpu.memory_space<vmem>> -> memref<100xf32, #tpu.memory_space<vmem>>
        %dma_wait3A_1053 = arith.constant 0 : i32
        %dma_wait3A_1054 = tpu.memref_slice %arg6[%add3A_31, %dma_wait3A_1053] : memref<256x100xi32, #tpu.memory_space<vmem>> -> memref<1x100xi32, #tpu.memory_space<vmem>>
        %dma_wait3A_1055 = tpu.memref_squeeze %dma_wait3A_1054 : memref<1x100xi32, #tpu.memory_space<vmem>> -> memref<100xi32, #tpu.memory_space<vmem>>
        %dma_wait3A_1056 = arith.constant 0 : i32
        %dma_wait3A_1057 = tpu.memref_slice %arg5[%dma_wait3A_1056] : memref<100352xf32, #tpu.memory_space<vmem_shared>> -> memref<100352xf32, #tpu.memory_space<vmem_shared>>
        tpu.wait_indirect_dma semaphore(%arg8 : memref<!tpu.dma_semaphore, #tpu.memory_space<semaphore_mem>>) src(%dma_wait3A_1057 : memref<100352xf32, #tpu.memory_space<vmem_shared>>) dst(%dma_wait3A_1052 : memref<100xf32, #tpu.memory_space<vmem>>)
        %dma_wait3A_1058 = arith.constant 0 : i32
        %dma_wait3A_1059 = tpu.memref_slice %arg7[%add3A_50, %dma_wait3A_1058] : memref<256x100xf32, #tpu.memory_space<vmem>> -> memref<1x100xf32, #tpu.memory_space<vmem>>
        %dma_wait3A_1060 = tpu.memref_squeeze %dma_wait3A_1059 : memref<1x100xf32, #tpu.memory_space<vmem>> -> memref<100xf32, #tpu.memory_space<vmem>>
        %dma_wait3A_1061 = arith.constant 0 : i32
        %dma_wait3A_1062 = tpu.memref_slice %arg6[%add3A_46, %dma_wait3A_1061] : memref<256x100xi32, #tpu.memory_space<vmem>> -> memref<1x100xi32, #tpu.memory_space<vmem>>
        %dma_wait3A_1063 = tpu.memref_squeeze %dma_wait3A_1062 : memref<1x100xi32, #tpu.memory_space<vmem>> -> memref<100xi32, #tpu.memory_space<vmem>>
        %dma_wait3A_1064 = arith.constant 0 : i32
        %dma_wait3A_1065 = tpu.memref_slice %arg5[%dma_wait3A_1064] : memref<100352xf32, #tpu.memory_space<vmem_shared>> -> memref<100352xf32, #tpu.memory_space<vmem_shared>>
        tpu.wait_indirect_dma semaphore(%arg8 : memref<!tpu.dma_semaphore, #tpu.memory_space<semaphore_mem>>) src(%dma_wait3A_1065 : memref<100352xf32, #tpu.memory_space<vmem_shared>>) dst(%dma_wait3A_1060 : memref<100xf32, #tpu.memory_space<vmem>>)
        %dma_wait3A_1066 = arith.constant 0 : i32
        %dma_wait3A_1067 = tpu.memref_slice %arg7[%add3A_66, %dma_wait3A_1066] : memref<256x100xf32, #tpu.memory_space<vmem>> -> memref<1x100xf32, #tpu.memory_space<vmem>>
        %dma_wait3A_1068 = tpu.memref_squeeze %dma_wait3A_1067 : memref<1x100xf32, #tpu.memory_space<vmem>> -> memref<100xf32, #tpu.memory_space<vmem>>
        %dma_wait3A_1069 = arith.constant 0 : i32
        %dma_wait3A_1070 = tpu.memref_slice %arg6[%add3A_62, %dma_wait3A_1069] : memref<256x100xi32, #tpu.memory_space<vmem>> -> memref<1x100xi32, #tpu.memory_space<vmem>>
        %dma_wait3A_1071 = tpu.memref_squeeze %dma_wait3A_1070 : memref<1x100xi32, #tpu.memory_space<vmem>> -> memref<100xi32, #tpu.memory_space<vmem>>
        %dma_wait3A_1072 = arith.constant 0 : i32
        %dma_wait3A_1073 = tpu.memref_slice %arg5[%dma_wait3A_1072] : memref<100352xf32, #tpu.memory_space<vmem_shared>> -> memref<100352xf32, #tpu.memory_space<vmem_shared>>
        tpu.wait_indirect_dma semaphore(%arg8 : memref<!tpu.dma_semaphore, #tpu.memory_space<semaphore_mem>>) src(%dma_wait3A_1073 : memref<100352xf32, #tpu.memory_space<vmem_shared>>) dst(%dma_wait3A_1068 : memref<100xf32, #tpu.memory_space<vmem>>)
        %dma_wait3A_1074 = arith.constant 0 : i32
        %dma_wait3A_1075 = tpu.memref_slice %arg7[%add3A_82, %dma_wait3A_1074] : memref<256x100xf32, #tpu.memory_space<vmem>> -> memref<1x100xf32, #tpu.memory_space<vmem>>
        %dma_wait3A_1076 = tpu.memref_squeeze %dma_wait3A_1075 : memref<1x100xf32, #tpu.memory_space<vmem>> -> memref<100xf32, #tpu.memory_space<vmem>>
        %dma_wait3A_1077 = arith.constant 0 : i32
        %dma_wait3A_1078 = tpu.memref_slice %arg6[%add3A_78, %dma_wait3A_1077] : memref<256x100xi32, #tpu.memory_space<vmem>> -> memref<1x100xi32, #tpu.memory_space<vmem>>
        %dma_wait3A_1079 = tpu.memref_squeeze %dma_wait3A_1078 : memref<1x100xi32, #tpu.memory_space<vmem>> -> memref<100xi32, #tpu.memory_space<vmem>>
        %dma_wait3A_1080 = arith.constant 0 : i32
        %dma_wait3A_1081 = tpu.memref_slice %arg5[%dma_wait3A_1080] : memref<100352xf32, #tpu.memory_space<vmem_shared>> -> memref<100352xf32, #tpu.memory_space<vmem_shared>>
        tpu.wait_indirect_dma semaphore(%arg8 : memref<!tpu.dma_semaphore, #tpu.memory_space<semaphore_mem>>) src(%dma_wait3A_1081 : memref<100352xf32, #tpu.memory_space<vmem_shared>>) dst(%dma_wait3A_1076 : memref<100xf32, #tpu.memory_space<vmem>>)
        %dma_wait3A_1082 = arith.constant 0 : i32
        %dma_wait3A_1083 = tpu.memref_slice %arg7[%add3A_98, %dma_wait3A_1082] : memref<256x100xf32, #tpu.memory_space<vmem>> -> memref<1x100xf32, #tpu.memory_space<vmem>>
        %dma_wait3A_1084 = tpu.memref_squeeze %dma_wait3A_1083 : memref<1x100xf32, #tpu.memory_space<vmem>> -> memref<100xf32, #tpu.memory_space<vmem>>
        %dma_wait3A_1085 = arith.constant 0 : i32
        %dma_wait3A_1086 = tpu.memref_slice %arg6[%add3A_94, %dma_wait3A_1085] : memref<256x100xi32, #tpu.memory_space<vmem>> -> memref<1x100xi32, #tpu.memory_space<vmem>>
        %dma_wait3A_1087 = tpu.memref_squeeze %dma_wait3A_1086 : memref<1x100xi32, #tpu.memory_space<vmem>> -> memref<100xi32, #tpu.memory_space<vmem>>
        %dma_wait3A_1088 = arith.constant 0 : i32
        %dma_wait3A_1089 = tpu.memref_slice %arg5[%dma_wait3A_1088] : memref<100352xf32, #tpu.memory_space<vmem_shared>> -> memref<100352xf32, #tpu.memory_space<vmem_shared>>
        tpu.wait_indirect_dma semaphore(%arg8 : memref<!tpu.dma_semaphore, #tpu.memory_space<semaphore_mem>>) src(%dma_wait3A_1089 : memref<100352xf32, #tpu.memory_space<vmem_shared>>) dst(%dma_wait3A_1084 : memref<100xf32, #tpu.memory_space<vmem>>)
        %dma_wait3A_1090 = arith.constant 0 : i32
        %dma_wait3A_1091 = tpu.memref_slice %arg7[%add3A_114, %dma_wait3A_1090] : memref<256x100xf32, #tpu.memory_space<vmem>> -> memref<1x100xf32, #tpu.memory_space<vmem>>
        %dma_wait3A_1092 = tpu.memref_squeeze %dma_wait3A_1091 : memref<1x100xf32, #tpu.memory_space<vmem>> -> memref<100xf32, #tpu.memory_space<vmem>>
        %dma_wait3A_1093 = arith.constant 0 : i32
        %dma_wait3A_1094 = tpu.memref_slice %arg6[%add3A_110, %dma_wait3A_1093] : memref<256x100xi32, #tpu.memory_space<vmem>> -> memref<1x100xi32, #tpu.memory_space<vmem>>
        %dma_wait3A_1095 = tpu.memref_squeeze %dma_wait3A_1094 : memref<1x100xi32, #tpu.memory_space<vmem>> -> memref<100xi32, #tpu.memory_space<vmem>>
        %dma_wait3A_1096 = arith.constant 0 : i32
        %dma_wait3A_1097 = tpu.memref_slice %arg5[%dma_wait3A_1096] : memref<100352xf32, #tpu.memory_space<vmem_shared>> -> memref<100352xf32, #tpu.memory_space<vmem_shared>>
        tpu.wait_indirect_dma semaphore(%arg8 : memref<!tpu.dma_semaphore, #tpu.memory_space<semaphore_mem>>) src(%dma_wait3A_1097 : memref<100352xf32, #tpu.memory_space<vmem_shared>>) dst(%dma_wait3A_1092 : memref<100xf32, #tpu.memory_space<vmem>>)
        %dma_wait3A_1098 = arith.constant 0 : i32
        %dma_wait3A_1099 = tpu.memref_slice %arg7[%add3A_130, %dma_wait3A_1098] : memref<256x100xf32, #tpu.memory_space<vmem>> -> memref<1x100xf32, #tpu.memory_space<vmem>>
        %dma_wait3A_1100 = tpu.memref_squeeze %dma_wait3A_1099 : memref<1x100xf32, #tpu.memory_space<vmem>> -> memref<100xf32, #tpu.memory_space<vmem>>
        %dma_wait3A_1101 = arith.constant 0 : i32
        %dma_wait3A_1102 = tpu.memref_slice %arg6[%add3A_126, %dma_wait3A_1101] : memref<256x100xi32, #tpu.memory_space<vmem>> -> memref<1x100xi32, #tpu.memory_space<vmem>>
        %dma_wait3A_1103 = tpu.memref_squeeze %dma_wait3A_1102 : memref<1x100xi32, #tpu.memory_space<vmem>> -> memref<100xi32, #tpu.memory_space<vmem>>
        %dma_wait3A_1104 = arith.constant 0 : i32
        %dma_wait3A_1105 = tpu.memref_slice %arg5[%dma_wait3A_1104] : memref<100352xf32, #tpu.memory_space<vmem_shared>> -> memref<100352xf32, #tpu.memory_space<vmem_shared>>
        tpu.wait_indirect_dma semaphore(%arg8 : memref<!tpu.dma_semaphore, #tpu.memory_space<semaphore_mem>>) src(%dma_wait3A_1105 : memref<100352xf32, #tpu.memory_space<vmem_shared>>) dst(%dma_wait3A_1100 : memref<100xf32, #tpu.memory_space<vmem>>)
        %dma_wait3A_1106 = arith.constant 0 : i32
        %dma_wait3A_1107 = tpu.memref_slice %arg7[%add3A_146, %dma_wait3A_1106] : memref<256x100xf32, #tpu.memory_space<vmem>> -> memref<1x100xf32, #tpu.memory_space<vmem>>
        %dma_wait3A_1108 = tpu.memref_squeeze %dma_wait3A_1107 : memref<1x100xf32, #tpu.memory_space<vmem>> -> memref<100xf32, #tpu.memory_space<vmem>>
        %dma_wait3A_1109 = arith.constant 0 : i32
        %dma_wait3A_1110 = tpu.memref_slice %arg6[%add3A_142, %dma_wait3A_1109] : memref<256x100xi32, #tpu.memory_space<vmem>> -> memref<1x100xi32, #tpu.memory_space<vmem>>
        %dma_wait3A_1111 = tpu.memref_squeeze %dma_wait3A_1110 : memref<1x100xi32, #tpu.memory_space<vmem>> -> memref<100xi32, #tpu.memory_space<vmem>>
        %dma_wait3A_1112 = arith.constant 0 : i32
        %dma_wait3A_1113 = tpu.memref_slice %arg5[%dma_wait3A_1112] : memref<100352xf32, #tpu.memory_space<vmem_shared>> -> memref<100352xf32, #tpu.memory_space<vmem_shared>>
        tpu.wait_indirect_dma semaphore(%arg8 : memref<!tpu.dma_semaphore, #tpu.memory_space<semaphore_mem>>) src(%dma_wait3A_1113 : memref<100352xf32, #tpu.memory_space<vmem_shared>>) dst(%dma_wait3A_1108 : memref<100xf32, #tpu.memory_space<vmem>>)
        %dma_wait3A_1114 = arith.constant 0 : i32
        %dma_wait3A_1115 = tpu.memref_slice %arg7[%add3A_162, %dma_wait3A_1114] : memref<256x100xf32, #tpu.memory_space<vmem>> -> memref<1x100xf32, #tpu.memory_space<vmem>>
        %dma_wait3A_1116 = tpu.memref_squeeze %dma_wait3A_1115 : memref<1x100xf32, #tpu.memory_space<vmem>> -> memref<100xf32, #tpu.memory_space<vmem>>
        %dma_wait3A_1117 = arith.constant 0 : i32
        %dma_wait3A_1118 = tpu.memref_slice %arg6[%add3A_158, %dma_wait3A_1117] : memref<256x100xi32, #tpu.memory_space<vmem>> -> memref<1x100xi32, #tpu.memory_space<vmem>>
        %dma_wait3A_1119 = tpu.memref_squeeze %dma_wait3A_1118 : memref<1x100xi32, #tpu.memory_space<vmem>> -> memref<100xi32, #tpu.memory_space<vmem>>
        %dma_wait3A_1120 = arith.constant 0 : i32
        %dma_wait3A_1121 = tpu.memref_slice %arg5[%dma_wait3A_1120] : memref<100352xf32, #tpu.memory_space<vmem_shared>> -> memref<100352xf32, #tpu.memory_space<vmem_shared>>
        tpu.wait_indirect_dma semaphore(%arg8 : memref<!tpu.dma_semaphore, #tpu.memory_space<semaphore_mem>>) src(%dma_wait3A_1121 : memref<100352xf32, #tpu.memory_space<vmem_shared>>) dst(%dma_wait3A_1116 : memref<100xf32, #tpu.memory_space<vmem>>)
        %dma_wait3A_1122 = arith.constant 0 : i32
        %dma_wait3A_1123 = tpu.memref_slice %arg7[%add3A_178, %dma_wait3A_1122] : memref<256x100xf32, #tpu.memory_space<vmem>> -> memref<1x100xf32, #tpu.memory_space<vmem>>
        %dma_wait3A_1124 = tpu.memref_squeeze %dma_wait3A_1123 : memref<1x100xf32, #tpu.memory_space<vmem>> -> memref<100xf32, #tpu.memory_space<vmem>>
        %dma_wait3A_1125 = arith.constant 0 : i32
        %dma_wait3A_1126 = tpu.memref_slice %arg6[%add3A_174, %dma_wait3A_1125] : memref<256x100xi32, #tpu.memory_space<vmem>> -> memref<1x100xi32, #tpu.memory_space<vmem>>
        %dma_wait3A_1127 = tpu.memref_squeeze %dma_wait3A_1126 : memref<1x100xi32, #tpu.memory_space<vmem>> -> memref<100xi32, #tpu.memory_space<vmem>>
        %dma_wait3A_1128 = arith.constant 0 : i32
        %dma_wait3A_1129 = tpu.memref_slice %arg5[%dma_wait3A_1128] : memref<100352xf32, #tpu.memory_space<vmem_shared>> -> memref<100352xf32, #tpu.memory_space<vmem_shared>>
        tpu.wait_indirect_dma semaphore(%arg8 : memref<!tpu.dma_semaphore, #tpu.memory_space<semaphore_mem>>) src(%dma_wait3A_1129 : memref<100352xf32, #tpu.memory_space<vmem_shared>>) dst(%dma_wait3A_1124 : memref<100xf32, #tpu.memory_space<vmem>>)
        %dma_wait3A_1130 = arith.constant 0 : i32
        %dma_wait3A_1131 = tpu.memref_slice %arg7[%add3A_194, %dma_wait3A_1130] : memref<256x100xf32, #tpu.memory_space<vmem>> -> memref<1x100xf32, #tpu.memory_space<vmem>>
        %dma_wait3A_1132 = tpu.memref_squeeze %dma_wait3A_1131 : memref<1x100xf32, #tpu.memory_space<vmem>> -> memref<100xf32, #tpu.memory_space<vmem>>
        %dma_wait3A_1133 = arith.constant 0 : i32
        %dma_wait3A_1134 = tpu.memref_slice %arg6[%add3A_190, %dma_wait3A_1133] : memref<256x100xi32, #tpu.memory_space<vmem>> -> memref<1x100xi32, #tpu.memory_space<vmem>>
        %dma_wait3A_1135 = tpu.memref_squeeze %dma_wait3A_1134 : memref<1x100xi32, #tpu.memory_space<vmem>> -> memref<100xi32, #tpu.memory_space<vmem>>
        %dma_wait3A_1136 = arith.constant 0 : i32
        %dma_wait3A_1137 = tpu.memref_slice %arg5[%dma_wait3A_1136] : memref<100352xf32, #tpu.memory_space<vmem_shared>> -> memref<100352xf32, #tpu.memory_space<vmem_shared>>
        tpu.wait_indirect_dma semaphore(%arg8 : memref<!tpu.dma_semaphore, #tpu.memory_space<semaphore_mem>>) src(%dma_wait3A_1137 : memref<100352xf32, #tpu.memory_space<vmem_shared>>) dst(%dma_wait3A_1132 : memref<100xf32, #tpu.memory_space<vmem>>)
        %dma_wait3A_1138 = arith.constant 0 : i32
        %dma_wait3A_1139 = tpu.memref_slice %arg7[%add3A_210, %dma_wait3A_1138] : memref<256x100xf32, #tpu.memory_space<vmem>> -> memref<1x100xf32, #tpu.memory_space<vmem>>
        %dma_wait3A_1140 = tpu.memref_squeeze %dma_wait3A_1139 : memref<1x100xf32, #tpu.memory_space<vmem>> -> memref<100xf32, #tpu.memory_space<vmem>>
        %dma_wait3A_1141 = arith.constant 0 : i32
        %dma_wait3A_1142 = tpu.memref_slice %arg6[%add3A_206, %dma_wait3A_1141] : memref<256x100xi32, #tpu.memory_space<vmem>> -> memref<1x100xi32, #tpu.memory_space<vmem>>
        %dma_wait3A_1143 = tpu.memref_squeeze %dma_wait3A_1142 : memref<1x100xi32, #tpu.memory_space<vmem>> -> memref<100xi32, #tpu.memory_space<vmem>>
        %dma_wait3A_1144 = arith.constant 0 : i32
        %dma_wait3A_1145 = tpu.memref_slice %arg5[%dma_wait3A_1144] : memref<100352xf32, #tpu.memory_space<vmem_shared>> -> memref<100352xf32, #tpu.memory_space<vmem_shared>>
        tpu.wait_indirect_dma semaphore(%arg8 : memref<!tpu.dma_semaphore, #tpu.memory_space<semaphore_mem>>) src(%dma_wait3A_1145 : memref<100352xf32, #tpu.memory_space<vmem_shared>>) dst(%dma_wait3A_1140 : memref<100xf32, #tpu.memory_space<vmem>>)
        %dma_wait3A_1146 = arith.constant 0 : i32
        %dma_wait3A_1147 = tpu.memref_slice %arg7[%add3A_226, %dma_wait3A_1146] : memref<256x100xf32, #tpu.memory_space<vmem>> -> memref<1x100xf32, #tpu.memory_space<vmem>>
        %dma_wait3A_1148 = tpu.memref_squeeze %dma_wait3A_1147 : memref<1x100xf32, #tpu.memory_space<vmem>> -> memref<100xf32, #tpu.memory_space<vmem>>
        %dma_wait3A_1149 = arith.constant 0 : i32
        %dma_wait3A_1150 = tpu.memref_slice %arg6[%add3A_222, %dma_wait3A_1149] : memref<256x100xi32, #tpu.memory_space<vmem>> -> memref<1x100xi32, #tpu.memory_space<vmem>>
        %dma_wait3A_1151 = tpu.memref_squeeze %dma_wait3A_1150 : memref<1x100xi32, #tpu.memory_space<vmem>> -> memref<100xi32, #tpu.memory_space<vmem>>
        %dma_wait3A_1152 = arith.constant 0 : i32
        %dma_wait3A_1153 = tpu.memref_slice %arg5[%dma_wait3A_1152] : memref<100352xf32, #tpu.memory_space<vmem_shared>> -> memref<100352xf32, #tpu.memory_space<vmem_shared>>
        tpu.wait_indirect_dma semaphore(%arg8 : memref<!tpu.dma_semaphore, #tpu.memory_space<semaphore_mem>>) src(%dma_wait3A_1153 : memref<100352xf32, #tpu.memory_space<vmem_shared>>) dst(%dma_wait3A_1148 : memref<100xf32, #tpu.memory_space<vmem>>)
        %dma_wait3A_1154 = arith.constant 0 : i32
        %dma_wait3A_1155 = tpu.memref_slice %arg7[%add3A_242, %dma_wait3A_1154] : memref<256x100xf32, #tpu.memory_space<vmem>> -> memref<1x100xf32, #tpu.memory_space<vmem>>
        %dma_wait3A_1156 = tpu.memref_squeeze %dma_wait3A_1155 : memref<1x100xf32, #tpu.memory_space<vmem>> -> memref<100xf32, #tpu.memory_space<vmem>>
        %dma_wait3A_1157 = arith.constant 0 : i32
        %dma_wait3A_1158 = tpu.memref_slice %arg6[%add3A_238, %dma_wait3A_1157] : memref<256x100xi32, #tpu.memory_space<vmem>> -> memref<1x100xi32, #tpu.memory_space<vmem>>
        %dma_wait3A_1159 = tpu.memref_squeeze %dma_wait3A_1158 : memref<1x100xi32, #tpu.memory_space<vmem>> -> memref<100xi32, #tpu.memory_space<vmem>>
        %dma_wait3A_1160 = arith.constant 0 : i32
        %dma_wait3A_1161 = tpu.memref_slice %arg5[%dma_wait3A_1160] : memref<100352xf32, #tpu.memory_space<vmem_shared>> -> memref<100352xf32, #tpu.memory_space<vmem_shared>>
        tpu.wait_indirect_dma semaphore(%arg8 : memref<!tpu.dma_semaphore, #tpu.memory_space<semaphore_mem>>) src(%dma_wait3A_1161 : memref<100352xf32, #tpu.memory_space<vmem_shared>>) dst(%dma_wait3A_1156 : memref<100xf32, #tpu.memory_space<vmem>>)
        %dma_wait3A_1162 = arith.constant 0 : i32
        %dma_wait3A_1163 = tpu.memref_slice %arg7[%add3A_258, %dma_wait3A_1162] : memref<256x100xf32, #tpu.memory_space<vmem>> -> memref<1x100xf32, #tpu.memory_space<vmem>>
        %dma_wait3A_1164 = tpu.memref_squeeze %dma_wait3A_1163 : memref<1x100xf32, #tpu.memory_space<vmem>> -> memref<100xf32, #tpu.memory_space<vmem>>
        %dma_wait3A_1165 = arith.constant 0 : i32
        %dma_wait3A_1166 = tpu.memref_slice %arg6[%add3A_254, %dma_wait3A_1165] : memref<256x100xi32, #tpu.memory_space<vmem>> -> memref<1x100xi32, #tpu.memory_space<vmem>>
        %dma_wait3A_1167 = tpu.memref_squeeze %dma_wait3A_1166 : memref<1x100xi32, #tpu.memory_space<vmem>> -> memref<100xi32, #tpu.memory_space<vmem>>
        %dma_wait3A_1168 = arith.constant 0 : i32
        %dma_wait3A_1169 = tpu.memref_slice %arg5[%dma_wait3A_1168] : memref<100352xf32, #tpu.memory_space<vmem_shared>> -> memref<100352xf32, #tpu.memory_space<vmem_shared>>
        tpu.wait_indirect_dma semaphore(%arg8 : memref<!tpu.dma_semaphore, #tpu.memory_space<semaphore_mem>>) src(%dma_wait3A_1169 : memref<100352xf32, #tpu.memory_space<vmem_shared>>) dst(%dma_wait3A_1164 : memref<100xf32, #tpu.memory_space<vmem>>)
        %dma_wait3A_1170 = arith.constant 0 : i32
        %dma_wait3A_1171 = tpu.memref_slice %arg7[%add3A_274, %dma_wait3A_1170] : memref<256x100xf32, #tpu.memory_space<vmem>> -> memref<1x100xf32, #tpu.memory_space<vmem>>
        %dma_wait3A_1172 = tpu.memref_squeeze %dma_wait3A_1171 : memref<1x100xf32, #tpu.memory_space<vmem>> -> memref<100xf32, #tpu.memory_space<vmem>>
        %dma_wait3A_1173 = arith.constant 0 : i32
        %dma_wait3A_1174 = tpu.memref_slice %arg6[%add3A_270, %dma_wait3A_1173] : memref<256x100xi32, #tpu.memory_space<vmem>> -> memref<1x100xi32, #tpu.memory_space<vmem>>
        %dma_wait3A_1175 = tpu.memref_squeeze %dma_wait3A_1174 : memref<1x100xi32, #tpu.memory_space<vmem>> -> memref<100xi32, #tpu.memory_space<vmem>>
        %dma_wait3A_1176 = arith.constant 0 : i32
        %dma_wait3A_1177 = tpu.memref_slice %arg5[%dma_wait3A_1176] : memref<100352xf32, #tpu.memory_space<vmem_shared>> -> memref<100352xf32, #tpu.memory_space<vmem_shared>>
        tpu.wait_indirect_dma semaphore(%arg8 : memref<!tpu.dma_semaphore, #tpu.memory_space<semaphore_mem>>) src(%dma_wait3A_1177 : memref<100352xf32, #tpu.memory_space<vmem_shared>>) dst(%dma_wait3A_1172 : memref<100xf32, #tpu.memory_space<vmem>>)
        %dma_wait3A_1178 = arith.constant 0 : i32
        %dma_wait3A_1179 = tpu.memref_slice %arg7[%add3A_290, %dma_wait3A_1178] : memref<256x100xf32, #tpu.memory_space<vmem>> -> memref<1x100xf32, #tpu.memory_space<vmem>>
        %dma_wait3A_1180 = tpu.memref_squeeze %dma_wait3A_1179 : memref<1x100xf32, #tpu.memory_space<vmem>> -> memref<100xf32, #tpu.memory_space<vmem>>
        %dma_wait3A_1181 = arith.constant 0 : i32
        %dma_wait3A_1182 = tpu.memref_slice %arg6[%add3A_286, %dma_wait3A_1181] : memref<256x100xi32, #tpu.memory_space<vmem>> -> memref<1x100xi32, #tpu.memory_space<vmem>>
        %dma_wait3A_1183 = tpu.memref_squeeze %dma_wait3A_1182 : memref<1x100xi32, #tpu.memory_space<vmem>> -> memref<100xi32, #tpu.memory_space<vmem>>
        %dma_wait3A_1184 = arith.constant 0 : i32
        %dma_wait3A_1185 = tpu.memref_slice %arg5[%dma_wait3A_1184] : memref<100352xf32, #tpu.memory_space<vmem_shared>> -> memref<100352xf32, #tpu.memory_space<vmem_shared>>
        tpu.wait_indirect_dma semaphore(%arg8 : memref<!tpu.dma_semaphore, #tpu.memory_space<semaphore_mem>>) src(%dma_wait3A_1185 : memref<100352xf32, #tpu.memory_space<vmem_shared>>) dst(%dma_wait3A_1180 : memref<100xf32, #tpu.memory_space<vmem>>)
        %dma_wait3A_1186 = arith.constant 0 : i32
        %dma_wait3A_1187 = tpu.memref_slice %arg7[%add3A_306, %dma_wait3A_1186] : memref<256x100xf32, #tpu.memory_space<vmem>> -> memref<1x100xf32, #tpu.memory_space<vmem>>
        %dma_wait3A_1188 = tpu.memref_squeeze %dma_wait3A_1187 : memref<1x100xf32, #tpu.memory_space<vmem>> -> memref<100xf32, #tpu.memory_space<vmem>>
        %dma_wait3A_1189 = arith.constant 0 : i32
        %dma_wait3A_1190 = tpu.memref_slice %arg6[%add3A_302, %dma_wait3A_1189] : memref<256x100xi32, #tpu.memory_space<vmem>> -> memref<1x100xi32, #tpu.memory_space<vmem>>
        %dma_wait3A_1191 = tpu.memref_squeeze %dma_wait3A_1190 : memref<1x100xi32, #tpu.memory_space<vmem>> -> memref<100xi32, #tpu.memory_space<vmem>>
        %dma_wait3A_1192 = arith.constant 0 : i32
        %dma_wait3A_1193 = tpu.memref_slice %arg5[%dma_wait3A_1192] : memref<100352xf32, #tpu.memory_space<vmem_shared>> -> memref<100352xf32, #tpu.memory_space<vmem_shared>>
        tpu.wait_indirect_dma semaphore(%arg8 : memref<!tpu.dma_semaphore, #tpu.memory_space<semaphore_mem>>) src(%dma_wait3A_1193 : memref<100352xf32, #tpu.memory_space<vmem_shared>>) dst(%dma_wait3A_1188 : memref<100xf32, #tpu.memory_space<vmem>>)
        %dma_wait3A_1194 = arith.constant 0 : i32
        %dma_wait3A_1195 = tpu.memref_slice %arg7[%add3A_322, %dma_wait3A_1194] : memref<256x100xf32, #tpu.memory_space<vmem>> -> memref<1x100xf32, #tpu.memory_space<vmem>>
        %dma_wait3A_1196 = tpu.memref_squeeze %dma_wait3A_1195 : memref<1x100xf32, #tpu.memory_space<vmem>> -> memref<100xf32, #tpu.memory_space<vmem>>
        %dma_wait3A_1197 = arith.constant 0 : i32
        %dma_wait3A_1198 = tpu.memref_slice %arg6[%add3A_318, %dma_wait3A_1197] : memref<256x100xi32, #tpu.memory_space<vmem>> -> memref<1x100xi32, #tpu.memory_space<vmem>>
        %dma_wait3A_1199 = tpu.memref_squeeze %dma_wait3A_1198 : memref<1x100xi32, #tpu.memory_space<vmem>> -> memref<100xi32, #tpu.memory_space<vmem>>
        %dma_wait3A_1200 = arith.constant 0 : i32
        %dma_wait3A_1201 = tpu.memref_slice %arg5[%dma_wait3A_1200] : memref<100352xf32, #tpu.memory_space<vmem_shared>> -> memref<100352xf32, #tpu.memory_space<vmem_shared>>
        tpu.wait_indirect_dma semaphore(%arg8 : memref<!tpu.dma_semaphore, #tpu.memory_space<semaphore_mem>>) src(%dma_wait3A_1201 : memref<100352xf32, #tpu.memory_space<vmem_shared>>) dst(%dma_wait3A_1196 : memref<100xf32, #tpu.memory_space<vmem>>)
        %dma_wait3A_1202 = arith.constant 0 : i32
        %dma_wait3A_1203 = tpu.memref_slice %arg7[%add3A_338, %dma_wait3A_1202] : memref<256x100xf32, #tpu.memory_space<vmem>> -> memref<1x100xf32, #tpu.memory_space<vmem>>
        %dma_wait3A_1204 = tpu.memref_squeeze %dma_wait3A_1203 : memref<1x100xf32, #tpu.memory_space<vmem>> -> memref<100xf32, #tpu.memory_space<vmem>>
        %dma_wait3A_1205 = arith.constant 0 : i32
        %dma_wait3A_1206 = tpu.memref_slice %arg6[%add3A_334, %dma_wait3A_1205] : memref<256x100xi32, #tpu.memory_space<vmem>> -> memref<1x100xi32, #tpu.memory_space<vmem>>
        %dma_wait3A_1207 = tpu.memref_squeeze %dma_wait3A_1206 : memref<1x100xi32, #tpu.memory_space<vmem>> -> memref<100xi32, #tpu.memory_space<vmem>>
        %dma_wait3A_1208 = arith.constant 0 : i32
        %dma_wait3A_1209 = tpu.memref_slice %arg5[%dma_wait3A_1208] : memref<100352xf32, #tpu.memory_space<vmem_shared>> -> memref<100352xf32, #tpu.memory_space<vmem_shared>>
        tpu.wait_indirect_dma semaphore(%arg8 : memref<!tpu.dma_semaphore, #tpu.memory_space<semaphore_mem>>) src(%dma_wait3A_1209 : memref<100352xf32, #tpu.memory_space<vmem_shared>>) dst(%dma_wait3A_1204 : memref<100xf32, #tpu.memory_space<vmem>>)
        %dma_wait3A_1210 = arith.constant 0 : i32
        %dma_wait3A_1211 = tpu.memref_slice %arg7[%add3A_354, %dma_wait3A_1210] : memref<256x100xf32, #tpu.memory_space<vmem>> -> memref<1x100xf32, #tpu.memory_space<vmem>>
        %dma_wait3A_1212 = tpu.memref_squeeze %dma_wait3A_1211 : memref<1x100xf32, #tpu.memory_space<vmem>> -> memref<100xf32, #tpu.memory_space<vmem>>
        %dma_wait3A_1213 = arith.constant 0 : i32
        %dma_wait3A_1214 = tpu.memref_slice %arg6[%add3A_350, %dma_wait3A_1213] : memref<256x100xi32, #tpu.memory_space<vmem>> -> memref<1x100xi32, #tpu.memory_space<vmem>>
        %dma_wait3A_1215 = tpu.memref_squeeze %dma_wait3A_1214 : memref<1x100xi32, #tpu.memory_space<vmem>> -> memref<100xi32, #tpu.memory_space<vmem>>
        %dma_wait3A_1216 = arith.constant 0 : i32
        %dma_wait3A_1217 = tpu.memref_slice %arg5[%dma_wait3A_1216] : memref<100352xf32, #tpu.memory_space<vmem_shared>> -> memref<100352xf32, #tpu.memory_space<vmem_shared>>
        tpu.wait_indirect_dma semaphore(%arg8 : memref<!tpu.dma_semaphore, #tpu.memory_space<semaphore_mem>>) src(%dma_wait3A_1217 : memref<100352xf32, #tpu.memory_space<vmem_shared>>) dst(%dma_wait3A_1212 : memref<100xf32, #tpu.memory_space<vmem>>)
        %dma_wait3A_1218 = arith.constant 0 : i32
        %dma_wait3A_1219 = tpu.memref_slice %arg7[%add3A_370, %dma_wait3A_1218] : memref<256x100xf32, #tpu.memory_space<vmem>> -> memref<1x100xf32, #tpu.memory_space<vmem>>
        %dma_wait3A_1220 = tpu.memref_squeeze %dma_wait3A_1219 : memref<1x100xf32, #tpu.memory_space<vmem>> -> memref<100xf32, #tpu.memory_space<vmem>>
        %dma_wait3A_1221 = arith.constant 0 : i32
        %dma_wait3A_1222 = tpu.memref_slice %arg6[%add3A_366, %dma_wait3A_1221] : memref<256x100xi32, #tpu.memory_space<vmem>> -> memref<1x100xi32, #tpu.memory_space<vmem>>
        %dma_wait3A_1223 = tpu.memref_squeeze %dma_wait3A_1222 : memref<1x100xi32, #tpu.memory_space<vmem>> -> memref<100xi32, #tpu.memory_space<vmem>>
        %dma_wait3A_1224 = arith.constant 0 : i32
        %dma_wait3A_1225 = tpu.memref_slice %arg5[%dma_wait3A_1224] : memref<100352xf32, #tpu.memory_space<vmem_shared>> -> memref<100352xf32, #tpu.memory_space<vmem_shared>>
        tpu.wait_indirect_dma semaphore(%arg8 : memref<!tpu.dma_semaphore, #tpu.memory_space<semaphore_mem>>) src(%dma_wait3A_1225 : memref<100352xf32, #tpu.memory_space<vmem_shared>>) dst(%dma_wait3A_1220 : memref<100xf32, #tpu.memory_space<vmem>>)
        %dma_wait3A_1226 = arith.constant 0 : i32
        %dma_wait3A_1227 = tpu.memref_slice %arg7[%add3A_386, %dma_wait3A_1226] : memref<256x100xf32, #tpu.memory_space<vmem>> -> memref<1x100xf32, #tpu.memory_space<vmem>>
        %dma_wait3A_1228 = tpu.memref_squeeze %dma_wait3A_1227 : memref<1x100xf32, #tpu.memory_space<vmem>> -> memref<100xf32, #tpu.memory_space<vmem>>
        %dma_wait3A_1229 = arith.constant 0 : i32
        %dma_wait3A_1230 = tpu.memref_slice %arg6[%add3A_382, %dma_wait3A_1229] : memref<256x100xi32, #tpu.memory_space<vmem>> -> memref<1x100xi32, #tpu.memory_space<vmem>>
        %dma_wait3A_1231 = tpu.memref_squeeze %dma_wait3A_1230 : memref<1x100xi32, #tpu.memory_space<vmem>> -> memref<100xi32, #tpu.memory_space<vmem>>
        %dma_wait3A_1232 = arith.constant 0 : i32
        %dma_wait3A_1233 = tpu.memref_slice %arg5[%dma_wait3A_1232] : memref<100352xf32, #tpu.memory_space<vmem_shared>> -> memref<100352xf32, #tpu.memory_space<vmem_shared>>
        tpu.wait_indirect_dma semaphore(%arg8 : memref<!tpu.dma_semaphore, #tpu.memory_space<semaphore_mem>>) src(%dma_wait3A_1233 : memref<100352xf32, #tpu.memory_space<vmem_shared>>) dst(%dma_wait3A_1228 : memref<100xf32, #tpu.memory_space<vmem>>)
        %dma_wait3A_1234 = arith.constant 0 : i32
        %dma_wait3A_1235 = tpu.memref_slice %arg7[%add3A_402, %dma_wait3A_1234] : memref<256x100xf32, #tpu.memory_space<vmem>> -> memref<1x100xf32, #tpu.memory_space<vmem>>
        %dma_wait3A_1236 = tpu.memref_squeeze %dma_wait3A_1235 : memref<1x100xf32, #tpu.memory_space<vmem>> -> memref<100xf32, #tpu.memory_space<vmem>>
        %dma_wait3A_1237 = arith.constant 0 : i32
        %dma_wait3A_1238 = tpu.memref_slice %arg6[%add3A_398, %dma_wait3A_1237] : memref<256x100xi32, #tpu.memory_space<vmem>> -> memref<1x100xi32, #tpu.memory_space<vmem>>
        %dma_wait3A_1239 = tpu.memref_squeeze %dma_wait3A_1238 : memref<1x100xi32, #tpu.memory_space<vmem>> -> memref<100xi32, #tpu.memory_space<vmem>>
        %dma_wait3A_1240 = arith.constant 0 : i32
        %dma_wait3A_1241 = tpu.memref_slice %arg5[%dma_wait3A_1240] : memref<100352xf32, #tpu.memory_space<vmem_shared>> -> memref<100352xf32, #tpu.memory_space<vmem_shared>>
        tpu.wait_indirect_dma semaphore(%arg8 : memref<!tpu.dma_semaphore, #tpu.memory_space<semaphore_mem>>) src(%dma_wait3A_1241 : memref<100352xf32, #tpu.memory_space<vmem_shared>>) dst(%dma_wait3A_1236 : memref<100xf32, #tpu.memory_space<vmem>>)
        %dma_wait3A_1242 = arith.constant 0 : i32
        %dma_wait3A_1243 = tpu.memref_slice %arg7[%add3A_418, %dma_wait3A_1242] : memref<256x100xf32, #tpu.memory_space<vmem>> -> memref<1x100xf32, #tpu.memory_space<vmem>>
        %dma_wait3A_1244 = tpu.memref_squeeze %dma_wait3A_1243 : memref<1x100xf32, #tpu.memory_space<vmem>> -> memref<100xf32, #tpu.memory_space<vmem>>
        %dma_wait3A_1245 = arith.constant 0 : i32
        %dma_wait3A_1246 = tpu.memref_slice %arg6[%add3A_414, %dma_wait3A_1245] : memref<256x100xi32, #tpu.memory_space<vmem>> -> memref<1x100xi32, #tpu.memory_space<vmem>>
        %dma_wait3A_1247 = tpu.memref_squeeze %dma_wait3A_1246 : memref<1x100xi32, #tpu.memory_space<vmem>> -> memref<100xi32, #tpu.memory_space<vmem>>
        %dma_wait3A_1248 = arith.constant 0 : i32
        %dma_wait3A_1249 = tpu.memref_slice %arg5[%dma_wait3A_1248] : memref<100352xf32, #tpu.memory_space<vmem_shared>> -> memref<100352xf32, #tpu.memory_space<vmem_shared>>
        tpu.wait_indirect_dma semaphore(%arg8 : memref<!tpu.dma_semaphore, #tpu.memory_space<semaphore_mem>>) src(%dma_wait3A_1249 : memref<100352xf32, #tpu.memory_space<vmem_shared>>) dst(%dma_wait3A_1244 : memref<100xf32, #tpu.memory_space<vmem>>)
        %dma_wait3A_1250 = arith.constant 0 : i32
        %dma_wait3A_1251 = tpu.memref_slice %arg7[%add3A_434, %dma_wait3A_1250] : memref<256x100xf32, #tpu.memory_space<vmem>> -> memref<1x100xf32, #tpu.memory_space<vmem>>
        %dma_wait3A_1252 = tpu.memref_squeeze %dma_wait3A_1251 : memref<1x100xf32, #tpu.memory_space<vmem>> -> memref<100xf32, #tpu.memory_space<vmem>>
        %dma_wait3A_1253 = arith.constant 0 : i32
        %dma_wait3A_1254 = tpu.memref_slice %arg6[%add3A_430, %dma_wait3A_1253] : memref<256x100xi32, #tpu.memory_space<vmem>> -> memref<1x100xi32, #tpu.memory_space<vmem>>
        %dma_wait3A_1255 = tpu.memref_squeeze %dma_wait3A_1254 : memref<1x100xi32, #tpu.memory_space<vmem>> -> memref<100xi32, #tpu.memory_space<vmem>>
        %dma_wait3A_1256 = arith.constant 0 : i32
        %dma_wait3A_1257 = tpu.memref_slice %arg5[%dma_wait3A_1256] : memref<100352xf32, #tpu.memory_space<vmem_shared>> -> memref<100352xf32, #tpu.memory_space<vmem_shared>>
        tpu.wait_indirect_dma semaphore(%arg8 : memref<!tpu.dma_semaphore, #tpu.memory_space<semaphore_mem>>) src(%dma_wait3A_1257 : memref<100352xf32, #tpu.memory_space<vmem_shared>>) dst(%dma_wait3A_1252 : memref<100xf32, #tpu.memory_space<vmem>>)
        %dma_wait3A_1258 = arith.constant 0 : i32
        %dma_wait3A_1259 = tpu.memref_slice %arg7[%add3A_450, %dma_wait3A_1258] : memref<256x100xf32, #tpu.memory_space<vmem>> -> memref<1x100xf32, #tpu.memory_space<vmem>>
        %dma_wait3A_1260 = tpu.memref_squeeze %dma_wait3A_1259 : memref<1x100xf32, #tpu.memory_space<vmem>> -> memref<100xf32, #tpu.memory_space<vmem>>
        %dma_wait3A_1261 = arith.constant 0 : i32
        %dma_wait3A_1262 = tpu.memref_slice %arg6[%add3A_446, %dma_wait3A_1261] : memref<256x100xi32, #tpu.memory_space<vmem>> -> memref<1x100xi32, #tpu.memory_space<vmem>>
        %dma_wait3A_1263 = tpu.memref_squeeze %dma_wait3A_1262 : memref<1x100xi32, #tpu.memory_space<vmem>> -> memref<100xi32, #tpu.memory_space<vmem>>
        %dma_wait3A_1264 = arith.constant 0 : i32
        %dma_wait3A_1265 = tpu.memref_slice %arg5[%dma_wait3A_1264] : memref<100352xf32, #tpu.memory_space<vmem_shared>> -> memref<100352xf32, #tpu.memory_space<vmem_shared>>
        tpu.wait_indirect_dma semaphore(%arg8 : memref<!tpu.dma_semaphore, #tpu.memory_space<semaphore_mem>>) src(%dma_wait3A_1265 : memref<100352xf32, #tpu.memory_space<vmem_shared>>) dst(%dma_wait3A_1260 : memref<100xf32, #tpu.memory_space<vmem>>)
        %dma_wait3A_1266 = arith.constant 0 : i32
        %dma_wait3A_1267 = tpu.memref_slice %arg7[%add3A_466, %dma_wait3A_1266] : memref<256x100xf32, #tpu.memory_space<vmem>> -> memref<1x100xf32, #tpu.memory_space<vmem>>
        %dma_wait3A_1268 = tpu.memref_squeeze %dma_wait3A_1267 : memref<1x100xf32, #tpu.memory_space<vmem>> -> memref<100xf32, #tpu.memory_space<vmem>>
        %dma_wait3A_1269 = arith.constant 0 : i32
        %dma_wait3A_1270 = tpu.memref_slice %arg6[%add3A_462, %dma_wait3A_1269] : memref<256x100xi32, #tpu.memory_space<vmem>> -> memref<1x100xi32, #tpu.memory_space<vmem>>
        %dma_wait3A_1271 = tpu.memref_squeeze %dma_wait3A_1270 : memref<1x100xi32, #tpu.memory_space<vmem>> -> memref<100xi32, #tpu.memory_space<vmem>>
        %dma_wait3A_1272 = arith.constant 0 : i32
        %dma_wait3A_1273 = tpu.memref_slice %arg5[%dma_wait3A_1272] : memref<100352xf32, #tpu.memory_space<vmem_shared>> -> memref<100352xf32, #tpu.memory_space<vmem_shared>>
        tpu.wait_indirect_dma semaphore(%arg8 : memref<!tpu.dma_semaphore, #tpu.memory_space<semaphore_mem>>) src(%dma_wait3A_1273 : memref<100352xf32, #tpu.memory_space<vmem_shared>>) dst(%dma_wait3A_1268 : memref<100xf32, #tpu.memory_space<vmem>>)
        %dma_wait3A_1274 = arith.constant 0 : i32
        %dma_wait3A_1275 = tpu.memref_slice %arg7[%add3A_482, %dma_wait3A_1274] : memref<256x100xf32, #tpu.memory_space<vmem>> -> memref<1x100xf32, #tpu.memory_space<vmem>>
        %dma_wait3A_1276 = tpu.memref_squeeze %dma_wait3A_1275 : memref<1x100xf32, #tpu.memory_space<vmem>> -> memref<100xf32, #tpu.memory_space<vmem>>
        %dma_wait3A_1277 = arith.constant 0 : i32
        %dma_wait3A_1278 = tpu.memref_slice %arg6[%add3A_478, %dma_wait3A_1277] : memref<256x100xi32, #tpu.memory_space<vmem>> -> memref<1x100xi32, #tpu.memory_space<vmem>>
        %dma_wait3A_1279 = tpu.memref_squeeze %dma_wait3A_1278 : memref<1x100xi32, #tpu.memory_space<vmem>> -> memref<100xi32, #tpu.memory_space<vmem>>
        %dma_wait3A_1280 = arith.constant 0 : i32
        %dma_wait3A_1281 = tpu.memref_slice %arg5[%dma_wait3A_1280] : memref<100352xf32, #tpu.memory_space<vmem_shared>> -> memref<100352xf32, #tpu.memory_space<vmem_shared>>
        tpu.wait_indirect_dma semaphore(%arg8 : memref<!tpu.dma_semaphore, #tpu.memory_space<semaphore_mem>>) src(%dma_wait3A_1281 : memref<100352xf32, #tpu.memory_space<vmem_shared>>) dst(%dma_wait3A_1276 : memref<100xf32, #tpu.memory_space<vmem>>)
        %dma_wait3A_1282 = arith.constant 0 : i32
        %dma_wait3A_1283 = tpu.memref_slice %arg7[%add3A_498, %dma_wait3A_1282] : memref<256x100xf32, #tpu.memory_space<vmem>> -> memref<1x100xf32, #tpu.memory_space<vmem>>
        %dma_wait3A_1284 = tpu.memref_squeeze %dma_wait3A_1283 : memref<1x100xf32, #tpu.memory_space<vmem>> -> memref<100xf32, #tpu.memory_space<vmem>>
        %dma_wait3A_1285 = arith.constant 0 : i32
        %dma_wait3A_1286 = tpu.memref_slice %arg6[%add3A_494, %dma_wait3A_1285] : memref<256x100xi32, #tpu.memory_space<vmem>> -> memref<1x100xi32, #tpu.memory_space<vmem>>
        %dma_wait3A_1287 = tpu.memref_squeeze %dma_wait3A_1286 : memref<1x100xi32, #tpu.memory_space<vmem>> -> memref<100xi32, #tpu.memory_space<vmem>>
        %dma_wait3A_1288 = arith.constant 0 : i32
        %dma_wait3A_1289 = tpu.memref_slice %arg5[%dma_wait3A_1288] : memref<100352xf32, #tpu.memory_space<vmem_shared>> -> memref<100352xf32, #tpu.memory_space<vmem_shared>>
        tpu.wait_indirect_dma semaphore(%arg8 : memref<!tpu.dma_semaphore, #tpu.memory_space<semaphore_mem>>) src(%dma_wait3A_1289 : memref<100352xf32, #tpu.memory_space<vmem_shared>>) dst(%dma_wait3A_1284 : memref<100xf32, #tpu.memory_space<vmem>>)
        %dma_wait3A_1290 = arith.constant 0 : i32
        %dma_wait3A_1291 = tpu.memref_slice %arg7[%add3A_514, %dma_wait3A_1290] : memref<256x100xf32, #tpu.memory_space<vmem>> -> memref<1x100xf32, #tpu.memory_space<vmem>>
        %dma_wait3A_1292 = tpu.memref_squeeze %dma_wait3A_1291 : memref<1x100xf32, #tpu.memory_space<vmem>> -> memref<100xf32, #tpu.memory_space<vmem>>
        %dma_wait3A_1293 = arith.constant 0 : i32
        %dma_wait3A_1294 = tpu.memref_slice %arg6[%add3A_510, %dma_wait3A_1293] : memref<256x100xi32, #tpu.memory_space<vmem>> -> memref<1x100xi32, #tpu.memory_space<vmem>>
        %dma_wait3A_1295 = tpu.memref_squeeze %dma_wait3A_1294 : memref<1x100xi32, #tpu.memory_space<vmem>> -> memref<100xi32, #tpu.memory_space<vmem>>
        %dma_wait3A_1296 = arith.constant 0 : i32
        %dma_wait3A_1297 = tpu.memref_slice %arg5[%dma_wait3A_1296] : memref<100352xf32, #tpu.memory_space<vmem_shared>> -> memref<100352xf32, #tpu.memory_space<vmem_shared>>
        tpu.wait_indirect_dma semaphore(%arg8 : memref<!tpu.dma_semaphore, #tpu.memory_space<semaphore_mem>>) src(%dma_wait3A_1297 : memref<100352xf32, #tpu.memory_space<vmem_shared>>) dst(%dma_wait3A_1292 : memref<100xf32, #tpu.memory_space<vmem>>)
        %dma_wait3A_1298 = arith.constant 0 : i32
        %dma_wait3A_1299 = tpu.memref_slice %arg7[%add3A_530, %dma_wait3A_1298] : memref<256x100xf32, #tpu.memory_space<vmem>> -> memref<1x100xf32, #tpu.memory_space<vmem>>
        %dma_wait3A_1300 = tpu.memref_squeeze %dma_wait3A_1299 : memref<1x100xf32, #tpu.memory_space<vmem>> -> memref<100xf32, #tpu.memory_space<vmem>>
        %dma_wait3A_1301 = arith.constant 0 : i32
        %dma_wait3A_1302 = tpu.memref_slice %arg6[%add3A_526, %dma_wait3A_1301] : memref<256x100xi32, #tpu.memory_space<vmem>> -> memref<1x100xi32, #tpu.memory_space<vmem>>
        %dma_wait3A_1303 = tpu.memref_squeeze %dma_wait3A_1302 : memref<1x100xi32, #tpu.memory_space<vmem>> -> memref<100xi32, #tpu.memory_space<vmem>>
        %dma_wait3A_1304 = arith.constant 0 : i32
        %dma_wait3A_1305 = tpu.memref_slice %arg5[%dma_wait3A_1304] : memref<100352xf32, #tpu.memory_space<vmem_shared>> -> memref<100352xf32, #tpu.memory_space<vmem_shared>>
        tpu.wait_indirect_dma semaphore(%arg8 : memref<!tpu.dma_semaphore, #tpu.memory_space<semaphore_mem>>) src(%dma_wait3A_1305 : memref<100352xf32, #tpu.memory_space<vmem_shared>>) dst(%dma_wait3A_1300 : memref<100xf32, #tpu.memory_space<vmem>>)
        %dma_wait3A_1306 = arith.constant 0 : i32
        %dma_wait3A_1307 = tpu.memref_slice %arg7[%add3A_546, %dma_wait3A_1306] : memref<256x100xf32, #tpu.memory_space<vmem>> -> memref<1x100xf32, #tpu.memory_space<vmem>>
        %dma_wait3A_1308 = tpu.memref_squeeze %dma_wait3A_1307 : memref<1x100xf32, #tpu.memory_space<vmem>> -> memref<100xf32, #tpu.memory_space<vmem>>
        %dma_wait3A_1309 = arith.constant 0 : i32
        %dma_wait3A_1310 = tpu.memref_slice %arg6[%add3A_542, %dma_wait3A_1309] : memref<256x100xi32, #tpu.memory_space<vmem>> -> memref<1x100xi32, #tpu.memory_space<vmem>>
        %dma_wait3A_1311 = tpu.memref_squeeze %dma_wait3A_1310 : memref<1x100xi32, #tpu.memory_space<vmem>> -> memref<100xi32, #tpu.memory_space<vmem>>
        %dma_wait3A_1312 = arith.constant 0 : i32
        %dma_wait3A_1313 = tpu.memref_slice %arg5[%dma_wait3A_1312] : memref<100352xf32, #tpu.memory_space<vmem_shared>> -> memref<100352xf32, #tpu.memory_space<vmem_shared>>
        tpu.wait_indirect_dma semaphore(%arg8 : memref<!tpu.dma_semaphore, #tpu.memory_space<semaphore_mem>>) src(%dma_wait3A_1313 : memref<100352xf32, #tpu.memory_space<vmem_shared>>) dst(%dma_wait3A_1308 : memref<100xf32, #tpu.memory_space<vmem>>)
        %dma_wait3A_1314 = arith.constant 0 : i32
        %dma_wait3A_1315 = tpu.memref_slice %arg7[%add3A_562, %dma_wait3A_1314] : memref<256x100xf32, #tpu.memory_space<vmem>> -> memref<1x100xf32, #tpu.memory_space<vmem>>
        %dma_wait3A_1316 = tpu.memref_squeeze %dma_wait3A_1315 : memref<1x100xf32, #tpu.memory_space<vmem>> -> memref<100xf32, #tpu.memory_space<vmem>>
        %dma_wait3A_1317 = arith.constant 0 : i32
        %dma_wait3A_1318 = tpu.memref_slice %arg6[%add3A_558, %dma_wait3A_1317] : memref<256x100xi32, #tpu.memory_space<vmem>> -> memref<1x100xi32, #tpu.memory_space<vmem>>
        %dma_wait3A_1319 = tpu.memref_squeeze %dma_wait3A_1318 : memref<1x100xi32, #tpu.memory_space<vmem>> -> memref<100xi32, #tpu.memory_space<vmem>>
        %dma_wait3A_1320 = arith.constant 0 : i32
        %dma_wait3A_1321 = tpu.memref_slice %arg5[%dma_wait3A_1320] : memref<100352xf32, #tpu.memory_space<vmem_shared>> -> memref<100352xf32, #tpu.memory_space<vmem_shared>>
        tpu.wait_indirect_dma semaphore(%arg8 : memref<!tpu.dma_semaphore, #tpu.memory_space<semaphore_mem>>) src(%dma_wait3A_1321 : memref<100352xf32, #tpu.memory_space<vmem_shared>>) dst(%dma_wait3A_1316 : memref<100xf32, #tpu.memory_space<vmem>>)
        %dma_wait3A_1322 = arith.constant 0 : i32
        %dma_wait3A_1323 = tpu.memref_slice %arg7[%add3A_578, %dma_wait3A_1322] : memref<256x100xf32, #tpu.memory_space<vmem>> -> memref<1x100xf32, #tpu.memory_space<vmem>>
        %dma_wait3A_1324 = tpu.memref_squeeze %dma_wait3A_1323 : memref<1x100xf32, #tpu.memory_space<vmem>> -> memref<100xf32, #tpu.memory_space<vmem>>
        %dma_wait3A_1325 = arith.constant 0 : i32
        %dma_wait3A_1326 = tpu.memref_slice %arg6[%add3A_574, %dma_wait3A_1325] : memref<256x100xi32, #tpu.memory_space<vmem>> -> memref<1x100xi32, #tpu.memory_space<vmem>>
        %dma_wait3A_1327 = tpu.memref_squeeze %dma_wait3A_1326 : memref<1x100xi32, #tpu.memory_space<vmem>> -> memref<100xi32, #tpu.memory_space<vmem>>
        %dma_wait3A_1328 = arith.constant 0 : i32
        %dma_wait3A_1329 = tpu.memref_slice %arg5[%dma_wait3A_1328] : memref<100352xf32, #tpu.memory_space<vmem_shared>> -> memref<100352xf32, #tpu.memory_space<vmem_shared>>
        tpu.wait_indirect_dma semaphore(%arg8 : memref<!tpu.dma_semaphore, #tpu.memory_space<semaphore_mem>>) src(%dma_wait3A_1329 : memref<100352xf32, #tpu.memory_space<vmem_shared>>) dst(%dma_wait3A_1324 : memref<100xf32, #tpu.memory_space<vmem>>)
        %dma_wait3A_1330 = arith.constant 0 : i32
        %dma_wait3A_1331 = tpu.memref_slice %arg7[%add3A_594, %dma_wait3A_1330] : memref<256x100xf32, #tpu.memory_space<vmem>> -> memref<1x100xf32, #tpu.memory_space<vmem>>
        %dma_wait3A_1332 = tpu.memref_squeeze %dma_wait3A_1331 : memref<1x100xf32, #tpu.memory_space<vmem>> -> memref<100xf32, #tpu.memory_space<vmem>>
        %dma_wait3A_1333 = arith.constant 0 : i32
        %dma_wait3A_1334 = tpu.memref_slice %arg6[%add3A_590, %dma_wait3A_1333] : memref<256x100xi32, #tpu.memory_space<vmem>> -> memref<1x100xi32, #tpu.memory_space<vmem>>
        %dma_wait3A_1335 = tpu.memref_squeeze %dma_wait3A_1334 : memref<1x100xi32, #tpu.memory_space<vmem>> -> memref<100xi32, #tpu.memory_space<vmem>>
        %dma_wait3A_1336 = arith.constant 0 : i32
        %dma_wait3A_1337 = tpu.memref_slice %arg5[%dma_wait3A_1336] : memref<100352xf32, #tpu.memory_space<vmem_shared>> -> memref<100352xf32, #tpu.memory_space<vmem_shared>>
        tpu.wait_indirect_dma semaphore(%arg8 : memref<!tpu.dma_semaphore, #tpu.memory_space<semaphore_mem>>) src(%dma_wait3A_1337 : memref<100352xf32, #tpu.memory_space<vmem_shared>>) dst(%dma_wait3A_1332 : memref<100xf32, #tpu.memory_space<vmem>>)
        %dma_wait3A_1338 = arith.constant 0 : i32
        %dma_wait3A_1339 = tpu.memref_slice %arg7[%add3A_610, %dma_wait3A_1338] : memref<256x100xf32, #tpu.memory_space<vmem>> -> memref<1x100xf32, #tpu.memory_space<vmem>>
        %dma_wait3A_1340 = tpu.memref_squeeze %dma_wait3A_1339 : memref<1x100xf32, #tpu.memory_space<vmem>> -> memref<100xf32, #tpu.memory_space<vmem>>
        %dma_wait3A_1341 = arith.constant 0 : i32
        %dma_wait3A_1342 = tpu.memref_slice %arg6[%add3A_606, %dma_wait3A_1341] : memref<256x100xi32, #tpu.memory_space<vmem>> -> memref<1x100xi32, #tpu.memory_space<vmem>>
        %dma_wait3A_1343 = tpu.memref_squeeze %dma_wait3A_1342 : memref<1x100xi32, #tpu.memory_space<vmem>> -> memref<100xi32, #tpu.memory_space<vmem>>
        %dma_wait3A_1344 = arith.constant 0 : i32
        %dma_wait3A_1345 = tpu.memref_slice %arg5[%dma_wait3A_1344] : memref<100352xf32, #tpu.memory_space<vmem_shared>> -> memref<100352xf32, #tpu.memory_space<vmem_shared>>
        tpu.wait_indirect_dma semaphore(%arg8 : memref<!tpu.dma_semaphore, #tpu.memory_space<semaphore_mem>>) src(%dma_wait3A_1345 : memref<100352xf32, #tpu.memory_space<vmem_shared>>) dst(%dma_wait3A_1340 : memref<100xf32, #tpu.memory_space<vmem>>)
        %dma_wait3A_1346 = arith.constant 0 : i32
        %dma_wait3A_1347 = tpu.memref_slice %arg7[%add3A_626, %dma_wait3A_1346] : memref<256x100xf32, #tpu.memory_space<vmem>> -> memref<1x100xf32, #tpu.memory_space<vmem>>
        %dma_wait3A_1348 = tpu.memref_squeeze %dma_wait3A_1347 : memref<1x100xf32, #tpu.memory_space<vmem>> -> memref<100xf32, #tpu.memory_space<vmem>>
        %dma_wait3A_1349 = arith.constant 0 : i32
        %dma_wait3A_1350 = tpu.memref_slice %arg6[%add3A_622, %dma_wait3A_1349] : memref<256x100xi32, #tpu.memory_space<vmem>> -> memref<1x100xi32, #tpu.memory_space<vmem>>
        %dma_wait3A_1351 = tpu.memref_squeeze %dma_wait3A_1350 : memref<1x100xi32, #tpu.memory_space<vmem>> -> memref<100xi32, #tpu.memory_space<vmem>>
        %dma_wait3A_1352 = arith.constant 0 : i32
        %dma_wait3A_1353 = tpu.memref_slice %arg5[%dma_wait3A_1352] : memref<100352xf32, #tpu.memory_space<vmem_shared>> -> memref<100352xf32, #tpu.memory_space<vmem_shared>>
        tpu.wait_indirect_dma semaphore(%arg8 : memref<!tpu.dma_semaphore, #tpu.memory_space<semaphore_mem>>) src(%dma_wait3A_1353 : memref<100352xf32, #tpu.memory_space<vmem_shared>>) dst(%dma_wait3A_1348 : memref<100xf32, #tpu.memory_space<vmem>>)
        %dma_wait3A_1354 = arith.constant 0 : i32
        %dma_wait3A_1355 = tpu.memref_slice %arg7[%add3A_642, %dma_wait3A_1354] : memref<256x100xf32, #tpu.memory_space<vmem>> -> memref<1x100xf32, #tpu.memory_space<vmem>>
        %dma_wait3A_1356 = tpu.memref_squeeze %dma_wait3A_1355 : memref<1x100xf32, #tpu.memory_space<vmem>> -> memref<100xf32, #tpu.memory_space<vmem>>
        %dma_wait3A_1357 = arith.constant 0 : i32
        %dma_wait3A_1358 = tpu.memref_slice %arg6[%add3A_638, %dma_wait3A_1357] : memref<256x100xi32, #tpu.memory_space<vmem>> -> memref<1x100xi32, #tpu.memory_space<vmem>>
        %dma_wait3A_1359 = tpu.memref_squeeze %dma_wait3A_1358 : memref<1x100xi32, #tpu.memory_space<vmem>> -> memref<100xi32, #tpu.memory_space<vmem>>
        %dma_wait3A_1360 = arith.constant 0 : i32
        %dma_wait3A_1361 = tpu.memref_slice %arg5[%dma_wait3A_1360] : memref<100352xf32, #tpu.memory_space<vmem_shared>> -> memref<100352xf32, #tpu.memory_space<vmem_shared>>
        tpu.wait_indirect_dma semaphore(%arg8 : memref<!tpu.dma_semaphore, #tpu.memory_space<semaphore_mem>>) src(%dma_wait3A_1361 : memref<100352xf32, #tpu.memory_space<vmem_shared>>) dst(%dma_wait3A_1356 : memref<100xf32, #tpu.memory_space<vmem>>)
        %dma_wait3A_1362 = arith.constant 0 : i32
        %dma_wait3A_1363 = tpu.memref_slice %arg7[%add3A_658, %dma_wait3A_1362] : memref<256x100xf32, #tpu.memory_space<vmem>> -> memref<1x100xf32, #tpu.memory_space<vmem>>
        %dma_wait3A_1364 = tpu.memref_squeeze %dma_wait3A_1363 : memref<1x100xf32, #tpu.memory_space<vmem>> -> memref<100xf32, #tpu.memory_space<vmem>>
        %dma_wait3A_1365 = arith.constant 0 : i32
        %dma_wait3A_1366 = tpu.memref_slice %arg6[%add3A_654, %dma_wait3A_1365] : memref<256x100xi32, #tpu.memory_space<vmem>> -> memref<1x100xi32, #tpu.memory_space<vmem>>
        %dma_wait3A_1367 = tpu.memref_squeeze %dma_wait3A_1366 : memref<1x100xi32, #tpu.memory_space<vmem>> -> memref<100xi32, #tpu.memory_space<vmem>>
        %dma_wait3A_1368 = arith.constant 0 : i32
        %dma_wait3A_1369 = tpu.memref_slice %arg5[%dma_wait3A_1368] : memref<100352xf32, #tpu.memory_space<vmem_shared>> -> memref<100352xf32, #tpu.memory_space<vmem_shared>>
        tpu.wait_indirect_dma semaphore(%arg8 : memref<!tpu.dma_semaphore, #tpu.memory_space<semaphore_mem>>) src(%dma_wait3A_1369 : memref<100352xf32, #tpu.memory_space<vmem_shared>>) dst(%dma_wait3A_1364 : memref<100xf32, #tpu.memory_space<vmem>>)
        %dma_wait3A_1370 = arith.constant 0 : i32
        %dma_wait3A_1371 = tpu.memref_slice %arg7[%add3A_674, %dma_wait3A_1370] : memref<256x100xf32, #tpu.memory_space<vmem>> -> memref<1x100xf32, #tpu.memory_space<vmem>>
        %dma_wait3A_1372 = tpu.memref_squeeze %dma_wait3A_1371 : memref<1x100xf32, #tpu.memory_space<vmem>> -> memref<100xf32, #tpu.memory_space<vmem>>
        %dma_wait3A_1373 = arith.constant 0 : i32
        %dma_wait3A_1374 = tpu.memref_slice %arg6[%add3A_670, %dma_wait3A_1373] : memref<256x100xi32, #tpu.memory_space<vmem>> -> memref<1x100xi32, #tpu.memory_space<vmem>>
        %dma_wait3A_1375 = tpu.memref_squeeze %dma_wait3A_1374 : memref<1x100xi32, #tpu.memory_space<vmem>> -> memref<100xi32, #tpu.memory_space<vmem>>
        %dma_wait3A_1376 = arith.constant 0 : i32
        %dma_wait3A_1377 = tpu.memref_slice %arg5[%dma_wait3A_1376] : memref<100352xf32, #tpu.memory_space<vmem_shared>> -> memref<100352xf32, #tpu.memory_space<vmem_shared>>
        tpu.wait_indirect_dma semaphore(%arg8 : memref<!tpu.dma_semaphore, #tpu.memory_space<semaphore_mem>>) src(%dma_wait3A_1377 : memref<100352xf32, #tpu.memory_space<vmem_shared>>) dst(%dma_wait3A_1372 : memref<100xf32, #tpu.memory_space<vmem>>)
        %dma_wait3A_1378 = arith.constant 0 : i32
        %dma_wait3A_1379 = tpu.memref_slice %arg7[%add3A_690, %dma_wait3A_1378] : memref<256x100xf32, #tpu.memory_space<vmem>> -> memref<1x100xf32, #tpu.memory_space<vmem>>
        %dma_wait3A_1380 = tpu.memref_squeeze %dma_wait3A_1379 : memref<1x100xf32, #tpu.memory_space<vmem>> -> memref<100xf32, #tpu.memory_space<vmem>>
        %dma_wait3A_1381 = arith.constant 0 : i32
        %dma_wait3A_1382 = tpu.memref_slice %arg6[%add3A_686, %dma_wait3A_1381] : memref<256x100xi32, #tpu.memory_space<vmem>> -> memref<1x100xi32, #tpu.memory_space<vmem>>
        %dma_wait3A_1383 = tpu.memref_squeeze %dma_wait3A_1382 : memref<1x100xi32, #tpu.memory_space<vmem>> -> memref<100xi32, #tpu.memory_space<vmem>>
        %dma_wait3A_1384 = arith.constant 0 : i32
        %dma_wait3A_1385 = tpu.memref_slice %arg5[%dma_wait3A_1384] : memref<100352xf32, #tpu.memory_space<vmem_shared>> -> memref<100352xf32, #tpu.memory_space<vmem_shared>>
        tpu.wait_indirect_dma semaphore(%arg8 : memref<!tpu.dma_semaphore, #tpu.memory_space<semaphore_mem>>) src(%dma_wait3A_1385 : memref<100352xf32, #tpu.memory_space<vmem_shared>>) dst(%dma_wait3A_1380 : memref<100xf32, #tpu.memory_space<vmem>>)
        %dma_wait3A_1386 = arith.constant 0 : i32
        %dma_wait3A_1387 = tpu.memref_slice %arg7[%add3A_706, %dma_wait3A_1386] : memref<256x100xf32, #tpu.memory_space<vmem>> -> memref<1x100xf32, #tpu.memory_space<vmem>>
        %dma_wait3A_1388 = tpu.memref_squeeze %dma_wait3A_1387 : memref<1x100xf32, #tpu.memory_space<vmem>> -> memref<100xf32, #tpu.memory_space<vmem>>
        %dma_wait3A_1389 = arith.constant 0 : i32
        %dma_wait3A_1390 = tpu.memref_slice %arg6[%add3A_702, %dma_wait3A_1389] : memref<256x100xi32, #tpu.memory_space<vmem>> -> memref<1x100xi32, #tpu.memory_space<vmem>>
        %dma_wait3A_1391 = tpu.memref_squeeze %dma_wait3A_1390 : memref<1x100xi32, #tpu.memory_space<vmem>> -> memref<100xi32, #tpu.memory_space<vmem>>
        %dma_wait3A_1392 = arith.constant 0 : i32
        %dma_wait3A_1393 = tpu.memref_slice %arg5[%dma_wait3A_1392] : memref<100352xf32, #tpu.memory_space<vmem_shared>> -> memref<100352xf32, #tpu.memory_space<vmem_shared>>
        tpu.wait_indirect_dma semaphore(%arg8 : memref<!tpu.dma_semaphore, #tpu.memory_space<semaphore_mem>>) src(%dma_wait3A_1393 : memref<100352xf32, #tpu.memory_space<vmem_shared>>) dst(%dma_wait3A_1388 : memref<100xf32, #tpu.memory_space<vmem>>)
        %dma_wait3A_1394 = arith.constant 0 : i32
        %dma_wait3A_1395 = tpu.memref_slice %arg7[%add3A_722, %dma_wait3A_1394] : memref<256x100xf32, #tpu.memory_space<vmem>> -> memref<1x100xf32, #tpu.memory_space<vmem>>
        %dma_wait3A_1396 = tpu.memref_squeeze %dma_wait3A_1395 : memref<1x100xf32, #tpu.memory_space<vmem>> -> memref<100xf32, #tpu.memory_space<vmem>>
        %dma_wait3A_1397 = arith.constant 0 : i32
        %dma_wait3A_1398 = tpu.memref_slice %arg6[%add3A_718, %dma_wait3A_1397] : memref<256x100xi32, #tpu.memory_space<vmem>> -> memref<1x100xi32, #tpu.memory_space<vmem>>
        %dma_wait3A_1399 = tpu.memref_squeeze %dma_wait3A_1398 : memref<1x100xi32, #tpu.memory_space<vmem>> -> memref<100xi32, #tpu.memory_space<vmem>>
        %dma_wait3A_1400 = arith.constant 0 : i32
        %dma_wait3A_1401 = tpu.memref_slice %arg5[%dma_wait3A_1400] : memref<100352xf32, #tpu.memory_space<vmem_shared>> -> memref<100352xf32, #tpu.memory_space<vmem_shared>>
        tpu.wait_indirect_dma semaphore(%arg8 : memref<!tpu.dma_semaphore, #tpu.memory_space<semaphore_mem>>) src(%dma_wait3A_1401 : memref<100352xf32, #tpu.memory_space<vmem_shared>>) dst(%dma_wait3A_1396 : memref<100xf32, #tpu.memory_space<vmem>>)
        %dma_wait3A_1402 = arith.constant 0 : i32
        %dma_wait3A_1403 = tpu.memref_slice %arg7[%add3A_738, %dma_wait3A_1402] : memref<256x100xf32, #tpu.memory_space<vmem>> -> memref<1x100xf32, #tpu.memory_space<vmem>>
        %dma_wait3A_1404 = tpu.memref_squeeze %dma_wait3A_1403 : memref<1x100xf32, #tpu.memory_space<vmem>> -> memref<100xf32, #tpu.memory_space<vmem>>
        %dma_wait3A_1405 = arith.constant 0 : i32
        %dma_wait3A_1406 = tpu.memref_slice %arg6[%add3A_734, %dma_wait3A_1405] : memref<256x100xi32, #tpu.memory_space<vmem>> -> memref<1x100xi32, #tpu.memory_space<vmem>>
        %dma_wait3A_1407 = tpu.memref_squeeze %dma_wait3A_1406 : memref<1x100xi32, #tpu.memory_space<vmem>> -> memref<100xi32, #tpu.memory_space<vmem>>
        %dma_wait3A_1408 = arith.constant 0 : i32
        %dma_wait3A_1409 = tpu.memref_slice %arg5[%dma_wait3A_1408] : memref<100352xf32, #tpu.memory_space<vmem_shared>> -> memref<100352xf32, #tpu.memory_space<vmem_shared>>
        tpu.wait_indirect_dma semaphore(%arg8 : memref<!tpu.dma_semaphore, #tpu.memory_space<semaphore_mem>>) src(%dma_wait3A_1409 : memref<100352xf32, #tpu.memory_space<vmem_shared>>) dst(%dma_wait3A_1404 : memref<100xf32, #tpu.memory_space<vmem>>)
        %dma_wait3A_1410 = arith.constant 0 : i32
        %dma_wait3A_1411 = tpu.memref_slice %arg7[%add3A_754, %dma_wait3A_1410] : memref<256x100xf32, #tpu.memory_space<vmem>> -> memref<1x100xf32, #tpu.memory_space<vmem>>
        %dma_wait3A_1412 = tpu.memref_squeeze %dma_wait3A_1411 : memref<1x100xf32, #tpu.memory_space<vmem>> -> memref<100xf32, #tpu.memory_space<vmem>>
        %dma_wait3A_1413 = arith.constant 0 : i32
        %dma_wait3A_1414 = tpu.memref_slice %arg6[%add3A_750, %dma_wait3A_1413] : memref<256x100xi32, #tpu.memory_space<vmem>> -> memref<1x100xi32, #tpu.memory_space<vmem>>
        %dma_wait3A_1415 = tpu.memref_squeeze %dma_wait3A_1414 : memref<1x100xi32, #tpu.memory_space<vmem>> -> memref<100xi32, #tpu.memory_space<vmem>>
        %dma_wait3A_1416 = arith.constant 0 : i32
        %dma_wait3A_1417 = tpu.memref_slice %arg5[%dma_wait3A_1416] : memref<100352xf32, #tpu.memory_space<vmem_shared>> -> memref<100352xf32, #tpu.memory_space<vmem_shared>>
        tpu.wait_indirect_dma semaphore(%arg8 : memref<!tpu.dma_semaphore, #tpu.memory_space<semaphore_mem>>) src(%dma_wait3A_1417 : memref<100352xf32, #tpu.memory_space<vmem_shared>>) dst(%dma_wait3A_1412 : memref<100xf32, #tpu.memory_space<vmem>>)
        %dma_wait3A_1418 = arith.constant 0 : i32
        %dma_wait3A_1419 = tpu.memref_slice %arg7[%add3A_770, %dma_wait3A_1418] : memref<256x100xf32, #tpu.memory_space<vmem>> -> memref<1x100xf32, #tpu.memory_space<vmem>>
        %dma_wait3A_1420 = tpu.memref_squeeze %dma_wait3A_1419 : memref<1x100xf32, #tpu.memory_space<vmem>> -> memref<100xf32, #tpu.memory_space<vmem>>
        %dma_wait3A_1421 = arith.constant 0 : i32
        %dma_wait3A_1422 = tpu.memref_slice %arg6[%add3A_766, %dma_wait3A_1421] : memref<256x100xi32, #tpu.memory_space<vmem>> -> memref<1x100xi32, #tpu.memory_space<vmem>>
        %dma_wait3A_1423 = tpu.memref_squeeze %dma_wait3A_1422 : memref<1x100xi32, #tpu.memory_space<vmem>> -> memref<100xi32, #tpu.memory_space<vmem>>
        %dma_wait3A_1424 = arith.constant 0 : i32
        %dma_wait3A_1425 = tpu.memref_slice %arg5[%dma_wait3A_1424] : memref<100352xf32, #tpu.memory_space<vmem_shared>> -> memref<100352xf32, #tpu.memory_space<vmem_shared>>
        tpu.wait_indirect_dma semaphore(%arg8 : memref<!tpu.dma_semaphore, #tpu.memory_space<semaphore_mem>>) src(%dma_wait3A_1425 : memref<100352xf32, #tpu.memory_space<vmem_shared>>) dst(%dma_wait3A_1420 : memref<100xf32, #tpu.memory_space<vmem>>)
        %dma_wait3A_1426 = arith.constant 0 : i32
        %dma_wait3A_1427 = tpu.memref_slice %arg7[%add3A_786, %dma_wait3A_1426] : memref<256x100xf32, #tpu.memory_space<vmem>> -> memref<1x100xf32, #tpu.memory_space<vmem>>
        %dma_wait3A_1428 = tpu.memref_squeeze %dma_wait3A_1427 : memref<1x100xf32, #tpu.memory_space<vmem>> -> memref<100xf32, #tpu.memory_space<vmem>>
        %dma_wait3A_1429 = arith.constant 0 : i32
        %dma_wait3A_1430 = tpu.memref_slice %arg6[%add3A_782, %dma_wait3A_1429] : memref<256x100xi32, #tpu.memory_space<vmem>> -> memref<1x100xi32, #tpu.memory_space<vmem>>
        %dma_wait3A_1431 = tpu.memref_squeeze %dma_wait3A_1430 : memref<1x100xi32, #tpu.memory_space<vmem>> -> memref<100xi32, #tpu.memory_space<vmem>>
        %dma_wait3A_1432 = arith.constant 0 : i32
        %dma_wait3A_1433 = tpu.memref_slice %arg5[%dma_wait3A_1432] : memref<100352xf32, #tpu.memory_space<vmem_shared>> -> memref<100352xf32, #tpu.memory_space<vmem_shared>>
        tpu.wait_indirect_dma semaphore(%arg8 : memref<!tpu.dma_semaphore, #tpu.memory_space<semaphore_mem>>) src(%dma_wait3A_1433 : memref<100352xf32, #tpu.memory_space<vmem_shared>>) dst(%dma_wait3A_1428 : memref<100xf32, #tpu.memory_space<vmem>>)
        %dma_wait3A_1434 = arith.constant 0 : i32
        %dma_wait3A_1435 = tpu.memref_slice %arg7[%add3A_802, %dma_wait3A_1434] : memref<256x100xf32, #tpu.memory_space<vmem>> -> memref<1x100xf32, #tpu.memory_space<vmem>>
        %dma_wait3A_1436 = tpu.memref_squeeze %dma_wait3A_1435 : memref<1x100xf32, #tpu.memory_space<vmem>> -> memref<100xf32, #tpu.memory_space<vmem>>
        %dma_wait3A_1437 = arith.constant 0 : i32
        %dma_wait3A_1438 = tpu.memref_slice %arg6[%add3A_798, %dma_wait3A_1437] : memref<256x100xi32, #tpu.memory_space<vmem>> -> memref<1x100xi32, #tpu.memory_space<vmem>>
        %dma_wait3A_1439 = tpu.memref_squeeze %dma_wait3A_1438 : memref<1x100xi32, #tpu.memory_space<vmem>> -> memref<100xi32, #tpu.memory_space<vmem>>
        %dma_wait3A_1440 = arith.constant 0 : i32
        %dma_wait3A_1441 = tpu.memref_slice %arg5[%dma_wait3A_1440] : memref<100352xf32, #tpu.memory_space<vmem_shared>> -> memref<100352xf32, #tpu.memory_space<vmem_shared>>
        tpu.wait_indirect_dma semaphore(%arg8 : memref<!tpu.dma_semaphore, #tpu.memory_space<semaphore_mem>>) src(%dma_wait3A_1441 : memref<100352xf32, #tpu.memory_space<vmem_shared>>) dst(%dma_wait3A_1436 : memref<100xf32, #tpu.memory_space<vmem>>)
        %dma_wait3A_1442 = arith.constant 0 : i32
        %dma_wait3A_1443 = tpu.memref_slice %arg7[%add3A_818, %dma_wait3A_1442] : memref<256x100xf32, #tpu.memory_space<vmem>> -> memref<1x100xf32, #tpu.memory_space<vmem>>
        %dma_wait3A_1444 = tpu.memref_squeeze %dma_wait3A_1443 : memref<1x100xf32, #tpu.memory_space<vmem>> -> memref<100xf32, #tpu.memory_space<vmem>>
        %dma_wait3A_1445 = arith.constant 0 : i32
        %dma_wait3A_1446 = tpu.memref_slice %arg6[%add3A_814, %dma_wait3A_1445] : memref<256x100xi32, #tpu.memory_space<vmem>> -> memref<1x100xi32, #tpu.memory_space<vmem>>
        %dma_wait3A_1447 = tpu.memref_squeeze %dma_wait3A_1446 : memref<1x100xi32, #tpu.memory_space<vmem>> -> memref<100xi32, #tpu.memory_space<vmem>>
        %dma_wait3A_1448 = arith.constant 0 : i32
        %dma_wait3A_1449 = tpu.memref_slice %arg5[%dma_wait3A_1448] : memref<100352xf32, #tpu.memory_space<vmem_shared>> -> memref<100352xf32, #tpu.memory_space<vmem_shared>>
        tpu.wait_indirect_dma semaphore(%arg8 : memref<!tpu.dma_semaphore, #tpu.memory_space<semaphore_mem>>) src(%dma_wait3A_1449 : memref<100352xf32, #tpu.memory_space<vmem_shared>>) dst(%dma_wait3A_1444 : memref<100xf32, #tpu.memory_space<vmem>>)
        %dma_wait3A_1450 = arith.constant 0 : i32
        %dma_wait3A_1451 = tpu.memref_slice %arg7[%add3A_834, %dma_wait3A_1450] : memref<256x100xf32, #tpu.memory_space<vmem>> -> memref<1x100xf32, #tpu.memory_space<vmem>>
        %dma_wait3A_1452 = tpu.memref_squeeze %dma_wait3A_1451 : memref<1x100xf32, #tpu.memory_space<vmem>> -> memref<100xf32, #tpu.memory_space<vmem>>
        %dma_wait3A_1453 = arith.constant 0 : i32
        %dma_wait3A_1454 = tpu.memref_slice %arg6[%add3A_830, %dma_wait3A_1453] : memref<256x100xi32, #tpu.memory_space<vmem>> -> memref<1x100xi32, #tpu.memory_space<vmem>>
        %dma_wait3A_1455 = tpu.memref_squeeze %dma_wait3A_1454 : memref<1x100xi32, #tpu.memory_space<vmem>> -> memref<100xi32, #tpu.memory_space<vmem>>
        %dma_wait3A_1456 = arith.constant 0 : i32
        %dma_wait3A_1457 = tpu.memref_slice %arg5[%dma_wait3A_1456] : memref<100352xf32, #tpu.memory_space<vmem_shared>> -> memref<100352xf32, #tpu.memory_space<vmem_shared>>
        tpu.wait_indirect_dma semaphore(%arg8 : memref<!tpu.dma_semaphore, #tpu.memory_space<semaphore_mem>>) src(%dma_wait3A_1457 : memref<100352xf32, #tpu.memory_space<vmem_shared>>) dst(%dma_wait3A_1452 : memref<100xf32, #tpu.memory_space<vmem>>)
        %dma_wait3A_1458 = arith.constant 0 : i32
        %dma_wait3A_1459 = tpu.memref_slice %arg7[%add3A_850, %dma_wait3A_1458] : memref<256x100xf32, #tpu.memory_space<vmem>> -> memref<1x100xf32, #tpu.memory_space<vmem>>
        %dma_wait3A_1460 = tpu.memref_squeeze %dma_wait3A_1459 : memref<1x100xf32, #tpu.memory_space<vmem>> -> memref<100xf32, #tpu.memory_space<vmem>>
        %dma_wait3A_1461 = arith.constant 0 : i32
        %dma_wait3A_1462 = tpu.memref_slice %arg6[%add3A_846, %dma_wait3A_1461] : memref<256x100xi32, #tpu.memory_space<vmem>> -> memref<1x100xi32, #tpu.memory_space<vmem>>
        %dma_wait3A_1463 = tpu.memref_squeeze %dma_wait3A_1462 : memref<1x100xi32, #tpu.memory_space<vmem>> -> memref<100xi32, #tpu.memory_space<vmem>>
        %dma_wait3A_1464 = arith.constant 0 : i32
        %dma_wait3A_1465 = tpu.memref_slice %arg5[%dma_wait3A_1464] : memref<100352xf32, #tpu.memory_space<vmem_shared>> -> memref<100352xf32, #tpu.memory_space<vmem_shared>>
        tpu.wait_indirect_dma semaphore(%arg8 : memref<!tpu.dma_semaphore, #tpu.memory_space<semaphore_mem>>) src(%dma_wait3A_1465 : memref<100352xf32, #tpu.memory_space<vmem_shared>>) dst(%dma_wait3A_1460 : memref<100xf32, #tpu.memory_space<vmem>>)
        %dma_wait3A_1466 = arith.constant 0 : i32
        %dma_wait3A_1467 = tpu.memref_slice %arg7[%add3A_866, %dma_wait3A_1466] : memref<256x100xf32, #tpu.memory_space<vmem>> -> memref<1x100xf32, #tpu.memory_space<vmem>>
        %dma_wait3A_1468 = tpu.memref_squeeze %dma_wait3A_1467 : memref<1x100xf32, #tpu.memory_space<vmem>> -> memref<100xf32, #tpu.memory_space<vmem>>
        %dma_wait3A_1469 = arith.constant 0 : i32
        %dma_wait3A_1470 = tpu.memref_slice %arg6[%add3A_862, %dma_wait3A_1469] : memref<256x100xi32, #tpu.memory_space<vmem>> -> memref<1x100xi32, #tpu.memory_space<vmem>>
        %dma_wait3A_1471 = tpu.memref_squeeze %dma_wait3A_1470 : memref<1x100xi32, #tpu.memory_space<vmem>> -> memref<100xi32, #tpu.memory_space<vmem>>
        %dma_wait3A_1472 = arith.constant 0 : i32
        %dma_wait3A_1473 = tpu.memref_slice %arg5[%dma_wait3A_1472] : memref<100352xf32, #tpu.memory_space<vmem_shared>> -> memref<100352xf32, #tpu.memory_space<vmem_shared>>
        tpu.wait_indirect_dma semaphore(%arg8 : memref<!tpu.dma_semaphore, #tpu.memory_space<semaphore_mem>>) src(%dma_wait3A_1473 : memref<100352xf32, #tpu.memory_space<vmem_shared>>) dst(%dma_wait3A_1468 : memref<100xf32, #tpu.memory_space<vmem>>)
        %dma_wait3A_1474 = arith.constant 0 : i32
        %dma_wait3A_1475 = tpu.memref_slice %arg7[%add3A_882, %dma_wait3A_1474] : memref<256x100xf32, #tpu.memory_space<vmem>> -> memref<1x100xf32, #tpu.memory_space<vmem>>
        %dma_wait3A_1476 = tpu.memref_squeeze %dma_wait3A_1475 : memref<1x100xf32, #tpu.memory_space<vmem>> -> memref<100xf32, #tpu.memory_space<vmem>>
        %dma_wait3A_1477 = arith.constant 0 : i32
        %dma_wait3A_1478 = tpu.memref_slice %arg6[%add3A_878, %dma_wait3A_1477] : memref<256x100xi32, #tpu.memory_space<vmem>> -> memref<1x100xi32, #tpu.memory_space<vmem>>
        %dma_wait3A_1479 = tpu.memref_squeeze %dma_wait3A_1478 : memref<1x100xi32, #tpu.memory_space<vmem>> -> memref<100xi32, #tpu.memory_space<vmem>>
        %dma_wait3A_1480 = arith.constant 0 : i32
        %dma_wait3A_1481 = tpu.memref_slice %arg5[%dma_wait3A_1480] : memref<100352xf32, #tpu.memory_space<vmem_shared>> -> memref<100352xf32, #tpu.memory_space<vmem_shared>>
        tpu.wait_indirect_dma semaphore(%arg8 : memref<!tpu.dma_semaphore, #tpu.memory_space<semaphore_mem>>) src(%dma_wait3A_1481 : memref<100352xf32, #tpu.memory_space<vmem_shared>>) dst(%dma_wait3A_1476 : memref<100xf32, #tpu.memory_space<vmem>>)
        %dma_wait3A_1482 = arith.constant 0 : i32
        %dma_wait3A_1483 = tpu.memref_slice %arg7[%add3A_898, %dma_wait3A_1482] : memref<256x100xf32, #tpu.memory_space<vmem>> -> memref<1x100xf32, #tpu.memory_space<vmem>>
        %dma_wait3A_1484 = tpu.memref_squeeze %dma_wait3A_1483 : memref<1x100xf32, #tpu.memory_space<vmem>> -> memref<100xf32, #tpu.memory_space<vmem>>
        %dma_wait3A_1485 = arith.constant 0 : i32
        %dma_wait3A_1486 = tpu.memref_slice %arg6[%add3A_894, %dma_wait3A_1485] : memref<256x100xi32, #tpu.memory_space<vmem>> -> memref<1x100xi32, #tpu.memory_space<vmem>>
        %dma_wait3A_1487 = tpu.memref_squeeze %dma_wait3A_1486 : memref<1x100xi32, #tpu.memory_space<vmem>> -> memref<100xi32, #tpu.memory_space<vmem>>
        %dma_wait3A_1488 = arith.constant 0 : i32
        %dma_wait3A_1489 = tpu.memref_slice %arg5[%dma_wait3A_1488] : memref<100352xf32, #tpu.memory_space<vmem_shared>> -> memref<100352xf32, #tpu.memory_space<vmem_shared>>
        tpu.wait_indirect_dma semaphore(%arg8 : memref<!tpu.dma_semaphore, #tpu.memory_space<semaphore_mem>>) src(%dma_wait3A_1489 : memref<100352xf32, #tpu.memory_space<vmem_shared>>) dst(%dma_wait3A_1484 : memref<100xf32, #tpu.memory_space<vmem>>)
        %dma_wait3A_1490 = arith.constant 0 : i32
        %dma_wait3A_1491 = tpu.memref_slice %arg7[%add3A_914, %dma_wait3A_1490] : memref<256x100xf32, #tpu.memory_space<vmem>> -> memref<1x100xf32, #tpu.memory_space<vmem>>
        %dma_wait3A_1492 = tpu.memref_squeeze %dma_wait3A_1491 : memref<1x100xf32, #tpu.memory_space<vmem>> -> memref<100xf32, #tpu.memory_space<vmem>>
        %dma_wait3A_1493 = arith.constant 0 : i32
        %dma_wait3A_1494 = tpu.memref_slice %arg6[%add3A_910, %dma_wait3A_1493] : memref<256x100xi32, #tpu.memory_space<vmem>> -> memref<1x100xi32, #tpu.memory_space<vmem>>
        %dma_wait3A_1495 = tpu.memref_squeeze %dma_wait3A_1494 : memref<1x100xi32, #tpu.memory_space<vmem>> -> memref<100xi32, #tpu.memory_space<vmem>>
        %dma_wait3A_1496 = arith.constant 0 : i32
        %dma_wait3A_1497 = tpu.memref_slice %arg5[%dma_wait3A_1496] : memref<100352xf32, #tpu.memory_space<vmem_shared>> -> memref<100352xf32, #tpu.memory_space<vmem_shared>>
        tpu.wait_indirect_dma semaphore(%arg8 : memref<!tpu.dma_semaphore, #tpu.memory_space<semaphore_mem>>) src(%dma_wait3A_1497 : memref<100352xf32, #tpu.memory_space<vmem_shared>>) dst(%dma_wait3A_1492 : memref<100xf32, #tpu.memory_space<vmem>>)
        %dma_wait3A_1498 = arith.constant 0 : i32
        %dma_wait3A_1499 = tpu.memref_slice %arg7[%add3A_930, %dma_wait3A_1498] : memref<256x100xf32, #tpu.memory_space<vmem>> -> memref<1x100xf32, #tpu.memory_space<vmem>>
        %dma_wait3A_1500 = tpu.memref_squeeze %dma_wait3A_1499 : memref<1x100xf32, #tpu.memory_space<vmem>> -> memref<100xf32, #tpu.memory_space<vmem>>
        %dma_wait3A_1501 = arith.constant 0 : i32
        %dma_wait3A_1502 = tpu.memref_slice %arg6[%add3A_926, %dma_wait3A_1501] : memref<256x100xi32, #tpu.memory_space<vmem>> -> memref<1x100xi32, #tpu.memory_space<vmem>>
        %dma_wait3A_1503 = tpu.memref_squeeze %dma_wait3A_1502 : memref<1x100xi32, #tpu.memory_space<vmem>> -> memref<100xi32, #tpu.memory_space<vmem>>
        %dma_wait3A_1504 = arith.constant 0 : i32
        %dma_wait3A_1505 = tpu.memref_slice %arg5[%dma_wait3A_1504] : memref<100352xf32, #tpu.memory_space<vmem_shared>> -> memref<100352xf32, #tpu.memory_space<vmem_shared>>
        tpu.wait_indirect_dma semaphore(%arg8 : memref<!tpu.dma_semaphore, #tpu.memory_space<semaphore_mem>>) src(%dma_wait3A_1505 : memref<100352xf32, #tpu.memory_space<vmem_shared>>) dst(%dma_wait3A_1500 : memref<100xf32, #tpu.memory_space<vmem>>)
        %dma_wait3A_1506 = arith.constant 0 : i32
        %dma_wait3A_1507 = tpu.memref_slice %arg7[%add3A_946, %dma_wait3A_1506] : memref<256x100xf32, #tpu.memory_space<vmem>> -> memref<1x100xf32, #tpu.memory_space<vmem>>
        %dma_wait3A_1508 = tpu.memref_squeeze %dma_wait3A_1507 : memref<1x100xf32, #tpu.memory_space<vmem>> -> memref<100xf32, #tpu.memory_space<vmem>>
        %dma_wait3A_1509 = arith.constant 0 : i32
        %dma_wait3A_1510 = tpu.memref_slice %arg6[%add3A_942, %dma_wait3A_1509] : memref<256x100xi32, #tpu.memory_space<vmem>> -> memref<1x100xi32, #tpu.memory_space<vmem>>
        %dma_wait3A_1511 = tpu.memref_squeeze %dma_wait3A_1510 : memref<1x100xi32, #tpu.memory_space<vmem>> -> memref<100xi32, #tpu.memory_space<vmem>>
        %dma_wait3A_1512 = arith.constant 0 : i32
        %dma_wait3A_1513 = tpu.memref_slice %arg5[%dma_wait3A_1512] : memref<100352xf32, #tpu.memory_space<vmem_shared>> -> memref<100352xf32, #tpu.memory_space<vmem_shared>>
        tpu.wait_indirect_dma semaphore(%arg8 : memref<!tpu.dma_semaphore, #tpu.memory_space<semaphore_mem>>) src(%dma_wait3A_1513 : memref<100352xf32, #tpu.memory_space<vmem_shared>>) dst(%dma_wait3A_1508 : memref<100xf32, #tpu.memory_space<vmem>>)
        %dma_wait3A_1514 = arith.constant 0 : i32
        %dma_wait3A_1515 = tpu.memref_slice %arg7[%add3A_962, %dma_wait3A_1514] : memref<256x100xf32, #tpu.memory_space<vmem>> -> memref<1x100xf32, #tpu.memory_space<vmem>>
        %dma_wait3A_1516 = tpu.memref_squeeze %dma_wait3A_1515 : memref<1x100xf32, #tpu.memory_space<vmem>> -> memref<100xf32, #tpu.memory_space<vmem>>
        %dma_wait3A_1517 = arith.constant 0 : i32
        %dma_wait3A_1518 = tpu.memref_slice %arg6[%add3A_958, %dma_wait3A_1517] : memref<256x100xi32, #tpu.memory_space<vmem>> -> memref<1x100xi32, #tpu.memory_space<vmem>>
        %dma_wait3A_1519 = tpu.memref_squeeze %dma_wait3A_1518 : memref<1x100xi32, #tpu.memory_space<vmem>> -> memref<100xi32, #tpu.memory_space<vmem>>
        %dma_wait3A_1520 = arith.constant 0 : i32
        %dma_wait3A_1521 = tpu.memref_slice %arg5[%dma_wait3A_1520] : memref<100352xf32, #tpu.memory_space<vmem_shared>> -> memref<100352xf32, #tpu.memory_space<vmem_shared>>
        tpu.wait_indirect_dma semaphore(%arg8 : memref<!tpu.dma_semaphore, #tpu.memory_space<semaphore_mem>>) src(%dma_wait3A_1521 : memref<100352xf32, #tpu.memory_space<vmem_shared>>) dst(%dma_wait3A_1516 : memref<100xf32, #tpu.memory_space<vmem>>)
        %dma_wait3A_1522 = arith.constant 0 : i32
        %dma_wait3A_1523 = tpu.memref_slice %arg7[%add3A_978, %dma_wait3A_1522] : memref<256x100xf32, #tpu.memory_space<vmem>> -> memref<1x100xf32, #tpu.memory_space<vmem>>
        %dma_wait3A_1524 = tpu.memref_squeeze %dma_wait3A_1523 : memref<1x100xf32, #tpu.memory_space<vmem>> -> memref<100xf32, #tpu.memory_space<vmem>>
        %dma_wait3A_1525 = arith.constant 0 : i32
        %dma_wait3A_1526 = tpu.memref_slice %arg6[%add3A_974, %dma_wait3A_1525] : memref<256x100xi32, #tpu.memory_space<vmem>> -> memref<1x100xi32, #tpu.memory_space<vmem>>
        %dma_wait3A_1527 = tpu.memref_squeeze %dma_wait3A_1526 : memref<1x100xi32, #tpu.memory_space<vmem>> -> memref<100xi32, #tpu.memory_space<vmem>>
        %dma_wait3A_1528 = arith.constant 0 : i32
        %dma_wait3A_1529 = tpu.memref_slice %arg5[%dma_wait3A_1528] : memref<100352xf32, #tpu.memory_space<vmem_shared>> -> memref<100352xf32, #tpu.memory_space<vmem_shared>>
        tpu.wait_indirect_dma semaphore(%arg8 : memref<!tpu.dma_semaphore, #tpu.memory_space<semaphore_mem>>) src(%dma_wait3A_1529 : memref<100352xf32, #tpu.memory_space<vmem_shared>>) dst(%dma_wait3A_1524 : memref<100xf32, #tpu.memory_space<vmem>>)
        %dma_wait3A_1530 = arith.constant 0 : i32
        %dma_wait3A_1531 = tpu.memref_slice %arg7[%add3A_994, %dma_wait3A_1530] : memref<256x100xf32, #tpu.memory_space<vmem>> -> memref<1x100xf32, #tpu.memory_space<vmem>>
        %dma_wait3A_1532 = tpu.memref_squeeze %dma_wait3A_1531 : memref<1x100xf32, #tpu.memory_space<vmem>> -> memref<100xf32, #tpu.memory_space<vmem>>
        %dma_wait3A_1533 = arith.constant 0 : i32
        %dma_wait3A_1534 = tpu.memref_slice %arg6[%add3A_990, %dma_wait3A_1533] : memref<256x100xi32, #tpu.memory_space<vmem>> -> memref<1x100xi32, #tpu.memory_space<vmem>>
        %dma_wait3A_1535 = tpu.memref_squeeze %dma_wait3A_1534 : memref<1x100xi32, #tpu.memory_space<vmem>> -> memref<100xi32, #tpu.memory_space<vmem>>
        %dma_wait3A_1536 = arith.constant 0 : i32
        %dma_wait3A_1537 = tpu.memref_slice %arg5[%dma_wait3A_1536] : memref<100352xf32, #tpu.memory_space<vmem_shared>> -> memref<100352xf32, #tpu.memory_space<vmem_shared>>
        tpu.wait_indirect_dma semaphore(%arg8 : memref<!tpu.dma_semaphore, #tpu.memory_space<semaphore_mem>>) src(%dma_wait3A_1537 : memref<100352xf32, #tpu.memory_space<vmem_shared>>) dst(%dma_wait3A_1532 : memref<100xf32, #tpu.memory_space<vmem>>)
        %dma_wait3A_1538 = arith.constant 0 : i32
        %dma_wait3A_1539 = tpu.memref_slice %arg7[%add3A_1010, %dma_wait3A_1538] : memref<256x100xf32, #tpu.memory_space<vmem>> -> memref<1x100xf32, #tpu.memory_space<vmem>>
        %dma_wait3A_1540 = tpu.memref_squeeze %dma_wait3A_1539 : memref<1x100xf32, #tpu.memory_space<vmem>> -> memref<100xf32, #tpu.memory_space<vmem>>
        %dma_wait3A_1541 = arith.constant 0 : i32
        %dma_wait3A_1542 = tpu.memref_slice %arg6[%add3A_1006, %dma_wait3A_1541] : memref<256x100xi32, #tpu.memory_space<vmem>> -> memref<1x100xi32, #tpu.memory_space<vmem>>
        %dma_wait3A_1543 = tpu.memref_squeeze %dma_wait3A_1542 : memref<1x100xi32, #tpu.memory_space<vmem>> -> memref<100xi32, #tpu.memory_space<vmem>>
        %dma_wait3A_1544 = arith.constant 0 : i32
        %dma_wait3A_1545 = tpu.memref_slice %arg5[%dma_wait3A_1544] : memref<100352xf32, #tpu.memory_space<vmem_shared>> -> memref<100352xf32, #tpu.memory_space<vmem_shared>>
        tpu.wait_indirect_dma semaphore(%arg8 : memref<!tpu.dma_semaphore, #tpu.memory_space<semaphore_mem>>) src(%dma_wait3A_1545 : memref<100352xf32, #tpu.memory_space<vmem_shared>>) dst(%dma_wait3A_1540 : memref<100xf32, #tpu.memory_space<vmem>>)
        %dma_wait3A_1546 = arith.constant 0 : i32
        %dma_wait3A_1547 = tpu.memref_slice %arg7[%add3A_1026, %dma_wait3A_1546] : memref<256x100xf32, #tpu.memory_space<vmem>> -> memref<1x100xf32, #tpu.memory_space<vmem>>
        %dma_wait3A_1548 = tpu.memref_squeeze %dma_wait3A_1547 : memref<1x100xf32, #tpu.memory_space<vmem>> -> memref<100xf32, #tpu.memory_space<vmem>>
        %dma_wait3A_1549 = arith.constant 0 : i32
        %dma_wait3A_1550 = tpu.memref_slice %arg6[%add3A_1022, %dma_wait3A_1549] : memref<256x100xi32, #tpu.memory_space<vmem>> -> memref<1x100xi32, #tpu.memory_space<vmem>>
        %dma_wait3A_1551 = tpu.memref_squeeze %dma_wait3A_1550 : memref<1x100xi32, #tpu.memory_space<vmem>> -> memref<100xi32, #tpu.memory_space<vmem>>
        %dma_wait3A_1552 = arith.constant 0 : i32
        %dma_wait3A_1553 = tpu.memref_slice %arg5[%dma_wait3A_1552] : memref<100352xf32, #tpu.memory_space<vmem_shared>> -> memref<100352xf32, #tpu.memory_space<vmem_shared>>
        tpu.wait_indirect_dma semaphore(%arg8 : memref<!tpu.dma_semaphore, #tpu.memory_space<semaphore_mem>>) src(%dma_wait3A_1553 : memref<100352xf32, #tpu.memory_space<vmem_shared>>) dst(%dma_wait3A_1548 : memref<100xf32, #tpu.memory_space<vmem>>)
        %dma_wait3A_1554 = arith.constant 0 : i32
        %dma_wait3A_1555 = tpu.memref_slice %arg7[%add3A_1042, %dma_wait3A_1554] : memref<256x100xf32, #tpu.memory_space<vmem>> -> memref<1x100xf32, #tpu.memory_space<vmem>>
        %dma_wait3A_1556 = tpu.memref_squeeze %dma_wait3A_1555 : memref<1x100xf32, #tpu.memory_space<vmem>> -> memref<100xf32, #tpu.memory_space<vmem>>
        %dma_wait3A_1557 = arith.constant 0 : i32
        %dma_wait3A_1558 = tpu.memref_slice %arg6[%add3A_1038, %dma_wait3A_1557] : memref<256x100xi32, #tpu.memory_space<vmem>> -> memref<1x100xi32, #tpu.memory_space<vmem>>
        %dma_wait3A_1559 = tpu.memref_squeeze %dma_wait3A_1558 : memref<1x100xi32, #tpu.memory_space<vmem>> -> memref<100xi32, #tpu.memory_space<vmem>>
        %dma_wait3A_1560 = arith.constant 0 : i32
        %dma_wait3A_1561 = tpu.memref_slice %arg5[%dma_wait3A_1560] : memref<100352xf32, #tpu.memory_space<vmem_shared>> -> memref<100352xf32, #tpu.memory_space<vmem_shared>>
        tpu.wait_indirect_dma semaphore(%arg8 : memref<!tpu.dma_semaphore, #tpu.memory_space<semaphore_mem>>) src(%dma_wait3A_1561 : memref<100352xf32, #tpu.memory_space<vmem_shared>>) dst(%dma_wait3A_1556 : memref<100xf32, #tpu.memory_space<vmem>>)
        %scan3A_1562 = arith.constant 0 : i32
        scf.yield %scan3A_1562 : i32
      }
      %scan3A_24 = arith.constant 4 : i32
      "tpu.region"() ({
        %run_scoped3A = tpu.sem_alloc : memref<!tpu.dma_semaphore, #tpu.memory_space<semaphore_mem>>
        %dma_start3A = arith.constant 0 : i32
        %dma_start3A_26 = tpu.memref_slice %arg4[%add3A_17, %dma_start3A] : memref<16384x100xf32, #tpu.memory_space<hbm>> -> memref<256x100xf32, #tpu.memory_space<hbm>>
        %dma_start3A_27 = arith.constant 0 : i32
        %dma_start3A_28 = tpu.memref_slice %arg4[%add3A_17, %dma_start3A_27] : memref<16384x100xf32, #tpu.memory_space<hbm>> -> memref<256x100xf32, #tpu.memory_space<hbm>>
        tpu.enqueue_dma source(%arg7 : memref<256x100xf32, #tpu.memory_space<vmem>>) target(%dma_start3A_28 : memref<256x100xf32, #tpu.memory_space<hbm>>) target_semaphore(%run_scoped3A : memref<!tpu.dma_semaphore, #tpu.memory_space<semaphore_mem>>)
        %dma_wait3A = arith.constant 0 : i32
        %dma_wait3A_29 = tpu.memref_slice %arg4[%add3A_17, %dma_wait3A] : memref<16384x100xf32, #tpu.memory_space<hbm>> -> memref<256x100xf32, #tpu.memory_space<hbm>>
        %dma_wait3A_30 = arith.constant 0 : i32
        %dma_wait3A_31 = tpu.memref_slice %arg4[%add3A_17, %dma_wait3A_30] : memref<16384x100xf32, #tpu.memory_space<hbm>> -> memref<256x100xf32, #tpu.memory_space<hbm>>
        tpu.wait_dma2 semaphore(%run_scoped3A : memref<!tpu.dma_semaphore, #tpu.memory_space<semaphore_mem>>) src(%arg7 : memref<256x100xf32, #tpu.memory_space<vmem>>) dst(%dma_wait3A_31 : memref<256x100xf32, #tpu.memory_space<hbm>>)
        tpu.yield
      }) : () -> ()
      %scan3A_25 = arith.constant 0 : i32
      scf.yield %scan3A_25 : i32
    }
    %scan3A_12 = arith.constant 2 : i32
    return
  }
}

module attributes {stable_mosaic.version = 14 : i64} {
  func.func @_lut_body(%arg0: i32, %arg1: memref<7168x128xf32, #tpu.memory_space<vmem>>, %arg2: memref<128x512xbf16, #tpu.memory_space<vmem>>, %arg3: memref<1x512xf32, #tpu.memory_space<vmem>>, %arg4: memref<512x1xf32, #tpu.memory_space<vmem>>, %arg5: memref<1x1xf32, #tpu.memory_space<vmem>>, %arg6: memref<56x128xf32, #tpu.memory_space<vmem>>) attributes {dimension_semantics = [#tpu.dimension_semantics<arbitrary>], iteration_bounds = array<i64: 14>, scalar_prefetch = 0 : i64, scratch_operands = 0 : i64, tpu.core_type = #tpu.core_type<tc>, window_params = [{transform_indices = @transform_0, window_bounds = array<i64: 7168, 128>}, {pipeline_mode = #tpu.pipeline_mode<synchronous>, transform_indices = @transform_1, window_bounds = array<i64: 128, 512>}, {pipeline_mode = #tpu.pipeline_mode<synchronous>, transform_indices = @transform_2, window_bounds = array<i64: 1, 512>}, {pipeline_mode = #tpu.pipeline_mode<synchronous>, transform_indices = @transform_3, window_bounds = array<i64: 512, 1>}, {pipeline_mode = #tpu.pipeline_mode<synchronous>, transform_indices = @transform_4, window_bounds = array<i64: 1, 1>}, {transform_indices = @transform_5, window_bounds = array<i64: 56, 128>}]} {
    %get3A = arith.constant 0 : index
    %get3A_0 = arith.constant 0 : index
    %get3A_1 = vector.load %arg1[%get3A, %get3A_0] : memref<7168x128xf32, #tpu.memory_space<vmem>>, vector<7168x128xf32>
    %max3A = arith.constant 0.000000e+00 : f32
    %max3A_2 = vector.broadcast %max3A : f32 to vector<7168x128xf32>
    %max3A_3 = arith.maximumf %get3A_1, %max3A_2 : vector<7168x128xf32>
    %convert_element_type3A = arith.truncf %max3A_3 : vector<7168x128xf32> to vector<7168x128xbf16>
    %get3A_4 = arith.constant 0 : index
    %get3A_5 = arith.constant 0 : index
    %get3A_6 = vector.load %arg2[%get3A_4, %get3A_5] : memref<128x512xbf16, #tpu.memory_space<vmem>>, vector<128x512xbf16>
    %dot_general3A = arith.constant dense<0.000000e+00> : vector<7168x512xf32>
    %dot_general3A_7 = tpu.matmul %convert_element_type3A, %get3A_6, %dot_general3A {dimension_numbers = #tpu.dot_dimension_numbers<[1], [0], [0], [1], [0, 0, 1, 1], [], []>, transpose_lhs_hint = false} : vector<7168x128xbf16>, vector<128x512xbf16>, vector<7168x512xf32> -> vector<7168x512xf32>
    %get3A_8 = arith.constant 0 : index
    %get3A_9 = arith.constant 0 : index
    %get3A_10 = vector.load %arg3[%get3A_8, %get3A_9] : memref<1x512xf32, #tpu.memory_space<vmem>>, vector<1x512xf32>
    %add3A = vector.broadcast %get3A_10 : vector<1x512xf32> to vector<7168x512xf32>
    %add3A_11 = arith.addf %dot_general3A_7, %add3A : vector<7168x512xf32>
    %max3A_12 = arith.constant 0.000000e+00 : f32
    %max3A_13 = vector.broadcast %max3A_12 : f32 to vector<7168x512xf32>
    %max3A_14 = arith.maximumf %add3A_11, %max3A_13 : vector<7168x512xf32>
    %get3A_15 = arith.constant 0 : index
    %get3A_16 = arith.constant 0 : index
    %get3A_17 = vector.load %arg4[%get3A_15, %get3A_16] : memref<512x1xf32, #tpu.memory_space<vmem>>, vector<512x1xf32>
    %dot_general3A_18 = arith.constant dense<0.000000e+00> : vector<7168x1xf32>
    %dot_general3A_19 = tpu.matmul %max3A_14, %get3A_17, %dot_general3A_18 {dimension_numbers = #tpu.dot_dimension_numbers<[1], [0], [0], [1], [0, 0, 1, 1], [], []>, transpose_lhs_hint = false} : vector<7168x512xf32>, vector<512x1xf32>, vector<7168x1xf32> -> vector<7168x1xf32>
    %get3A_20 = arith.constant 0 : index
    %get3A_21 = arith.constant 0 : index
    %get3A_22 = vector.load %arg5[%get3A_20, %get3A_21] : memref<1x1xf32, #tpu.memory_space<vmem>>, vector<1x1xf32>
    %add3A_23 = vector.broadcast %get3A_22 : vector<1x1xf32> to vector<7168x1xf32>
    %add3A_24 = arith.addf %dot_general3A_19, %add3A_23 : vector<7168x1xf32>
    %reshape3A = vector.shape_cast %add3A_24 : vector<7168x1xf32> to vector<56x128xf32>
    %swap3A = arith.constant 0 : index
    %swap3A_25 = arith.constant 0 : index
    %swap3A_26 = vector.load %arg6[%swap3A, %swap3A_25] : memref<56x128xf32, #tpu.memory_space<vmem>>, vector<56x128xf32>
    tpu.vector_store %arg6[%swap3A, %swap3A_25], %reshape3A {strides = array<i32>} : memref<56x128xf32, #tpu.memory_space<vmem>>, vector<56x128xf32>,
    return
  }
  func.func @transform_0(%arg0: i32) -> (i32, i32) {
    %c0_i32 = arith.constant 0 : i32
    %c0_i32_0 = arith.constant 0 : i32
    return %arg0, %c0_i32 : i32, i32
  }
  func.func @transform_1(%arg0: i32) -> (i32, i32) {
    %c0_i32 = arith.constant 0 : i32
    %c0_i32_0 = arith.constant 0 : i32
    %c0_i32_1 = arith.constant 0 : i32
    return %c0_i32, %c0_i32_0 : i32, i32
  }
  func.func @transform_2(%arg0: i32) -> (i32, i32) {
    %c0_i32 = arith.constant 0 : i32
    %c0_i32_0 = arith.constant 0 : i32
    %c0_i32_1 = arith.constant 0 : i32
    return %c0_i32, %c0_i32_0 : i32, i32
  }
  func.func @transform_3(%arg0: i32) -> (i32, i32) {
    %c0_i32 = arith.constant 0 : i32
    %c0_i32_0 = arith.constant 0 : i32
    %c0_i32_1 = arith.constant 0 : i32
    return %c0_i32, %c0_i32_0 : i32, i32
  }
  func.func @transform_4(%arg0: i32) -> (i32, i32) {
    %c0_i32 = arith.constant 0 : i32
    %c0_i32_0 = arith.constant 0 : i32
    %c0_i32_1 = arith.constant 0 : i32
    return %c0_i32, %c0_i32_0 : i32, i32
  }
  func.func @transform_5(%arg0: i32) -> (i32, i32) {
    %c0_i32 = arith.constant 0 : i32
    %c0_i32_0 = arith.constant 0 : i32
    return %arg0, %c0_i32 : i32, i32
  }
}

</mosaic_0001>

<sc_bundles>
// kernel: kernel.4.cloned.1.call-start
scs
__scs_entry_jumppad:
0x0: {  	(pc) =	sbr.rel $0x88, $3  }
0x1: {  	(tag) =	ssettag $0x0;
	lr =	simm.s32 $0x1  }
0x2: {  	[smem:$0x3F9B] =	sst lr;
	_ =	strace $0xD0000000  }
0x3: {  	_ = 	snop  }
0x4: {  	_ = 	snop  }
0x5: {  	_ = 	snop  }
0x6: {  	_ = 	snop  }
0x7: {  	_ = 	snop  }
__scs_overlays_trampoline_lowered:
0x8: {  	[smem:$0x3FAA] =	sst s0  }
0x9: {  	[smem:$0x3FAB] =	sst s1  }
0xa: {  	[smem:$0x3FAC] =	sst s2  }
0xb: {  	[smem:$0x3FAD] =	sst s3  }
0xc: {  	[smem:$0x3FAE] =	sst s4  }
0xd: {  	[smem:$0x3FAF] =	sst s5  }
0xe: {  	[smem:$0x3FB0] =	sst s6  }
0xf: {  	[smem:$0x3FB1] =	sst s7  }
0x10: {  	[smem:$0x3FB2] =	sst s8  }
0x11: {  	[smem:$0x3FB3] =	sst s9;
	s0 =	simm.s32 @!p0 $0x0  }
0x12: {  	s1 =	sld [smem:$0x3F99];
	s0 =	simm.s32 @p0 $0x1  }
0x13: {  	[smem:$0x3FB4] =	sst s0;
	s0 =	simm.s32 @!p1 $0x0  }
0x14: {  	s2 =	sld [smem:$0x3F98];
	s0 =	simm.s32 @p1 $0x1  }
0x15: {  	[smem:$0x3FB5] =	sst s0;
	s0 =	simm.s32 @!p2 $0x0  }
0x16: {  	s3 =	sld [smem:$0x3FDB];
	s0 =	simm.s32 @p2 $0x1  }
0x17: {  	s4 =	simm.s32 $0x1BF5;
	[smem:$0x3FB7] =	sst s0  }
0x18: {  	s0 =	sld [smem:$0x3F9A];
	_ =	swait.ge [sflag:s4], $0x0  }
0x19: {  	s7 =	sld [smem:$0x3F9B]  }
0x1a: {  	s8 =	sadd.s32 $0xFFFFE003, lr  }
0x1b: {  	s9 =	sadd.s32 $0xFFFFFEF7, lr;
	s5 =	simm.s32 $0xFFFFFFFF;
	p2 =	slt.u32 s8, $0xFFFFF086  }
0x1c: {  	p1 =	slt.u32 s9, $0xF7A;
	s5 =	simm.s32 @!p2 $0x0  }
0x1d: {  	s5 =	simm.s32 @p1 $0x1;
	p0 =	seq.s32 s7, s2  }
0x1e: {  	s7 =	smul.u32 @!p0 $0xF7A, s2;
	p2 =	seq.s32 @!p0 s5, $0x0  }
0x1f: {  	s9 =	smul.u32 $0xF7A, s1;
	s8 =	simm.s32 @!p0 $0x1BF5;
	p2 =	por !p2, p0  }
0x20: {  	[sflag:s8] =	ssyncset.s32 @!p0 $0xFFFFF086;
	s6 =	sadd.s32 @!p0 s3, s7;
	s7 =	simm.s32 @!p0 $0x108  }
0x21: {  	s3 =	sadd.s32 s3, s9;
	s6 =	sadd.s32 @!p0 $0x88, s6;
	s7 =	simm.s32 @p2 $0x1082  }
0x22: {  	[simem:s7], [sflag:s8] =	dma.local @!p0 [hbm:s6], $0xF7A  }
0x23: {  	s9 =	sor.u32 $0xD0000000, s2;
	s6 =	simm.s32 $0x108;
	_ =	swait.ge @!p0 [sflag:s8], $0x0  }
0x24: {  	s3 =	sadd.s32 $0x88, s3;
	s6 =	simm.s32 @!p1 $0x1082;
	[sflag:s4] =	ssyncset.s32 $0xFFFFF086  }
0x25: {  	[simem:s6], [sflag:s4] =	dma.local [hbm:s3], $0xF7A  }
0x26: {  	[smem:$0x3F9B] =	sst s1;
	(tag) =	ssettag s2;
	_ =	strace s9  }
0x27: {  	s1 =	sld [smem:$0x3FAB]  }
0x28: {  	s2 =	sld [smem:$0x3FAC]  }
0x29: {  	s4 =	sld [smem:$0x3FAE]  }
0x2a: {  	p0 =	seq.s32 s5, $0x0;
	s5 =	sld [smem:$0x3FAF]  }
0x2b: {  	s6 =	sld [smem:$0x3FB0]  }
0x2c: {  	s7 =	sld [smem:$0x3FB1]  }
0x2d: {  	s3 =	simm.s32 $0x108;
	s8 =	sld [smem:$0x3FB2]  }
0x2e: {  	s3 =	simm.s32 @!p0 $0x1082;
	s9 =	sld [smem:$0x3FB3]  }
0x2f: {  	lr =	sadd.s32 s0, s3;
	s0 =	sld [smem:$0x3FAA]  }
0x30: {  	s3 =	sld [smem:$0x3FAD]  }
0x31: {  	[smem:$0x3FB6] =	sst s10  }
0x32: {  	s10 =	sld [smem:$0x3FB4];
	_ =	sdelay $0x3  }
0x33: {  	p0 =	seq.s32 s10, $0x1;
	s10 =	sld [smem:$0x3FB6];
	_ =	sdelay $0x3  }
0x34: {  	[smem:$0x3FB6] =	sst s10  }
0x35: {  	s10 =	sld [smem:$0x3FB5];
	_ =	sdelay $0x3  }
0x36: {  	p1 =	seq.s32 s10, $0x1;
	s10 =	sld [smem:$0x3FB6];
	_ =	sdelay $0x3  }
0x37: {  	[smem:$0x3FB6] =	sst s10  }
0x38: {  	s10 =	sld [smem:$0x3FB7]  }
0x39: {  	_ = 	snop;
	(pc) =	sbr.ind lr, $3  }
0x3a: {  	_ = 	snop  }
0x3b: {  	_ = 	snop  }
0x3c: {  	p2 =	seq.s32 s10, $0x1;
	s10 =	sld [smem:$0x3FB6]  }
0x3d: {  	_ =	shalt  }
0x3e: {  	_ =	shalt  }
0x3f: {  	_ =	shalt  }
0x40: {  	_ =	shalt  }
0x41: {  	_ =	shalt  }
0x42: {  	_ =	shalt  }
0x43: {  	_ =	shalt  }
0x44: {  	_ =	shalt  }
0x45: {  	_ =	shalt  }
0x46: {  	_ =	shalt  }
0x47: {  	_ =	shalt  }
0x48: {  	_ =	shalt  }
0x49: {  	_ =	shalt  }
0x4a: {  	_ =	shalt  }
0x4b: {  	_ =	shalt  }
0x4c: {  	_ =	shalt  }
0x4d: {  	_ =	shalt  }
0x4e: {  	_ =	shalt  }
0x4f: {  	_ =	shalt  }
0x50: {  	_ =	shalt  }
0x51: {  	_ =	shalt  }
0x52: {  	_ =	shalt  }
0x53: {  	_ =	shalt  }
0x54: {  	_ =	shalt  }
0x55: {  	_ =	shalt  }
0x56: {  	_ =	shalt  }
0x57: {  	_ =	shalt  }
0x58: {  	_ =	shalt  }
0x59: {  	_ =	shalt  }
0x5a: {  	_ =	shalt  }
0x5b: {  	_ =	shalt  }
0x5c: {  	_ =	shalt  }
0x5d: {  	_ =	shalt  }
0x5e: {  	_ =	shalt  }
0x5f: {  	_ =	shalt  }
0x60: {  	_ =	shalt  }
0x61: {  	_ =	shalt  }
0x62: {  	_ =	shalt  }
0x63: {  	_ =	shalt  }
0x64: {  	_ =	shalt  }
0x65: {  	_ =	shalt  }
0x66: {  	_ =	shalt  }
0x67: {  	_ =	shalt  }
0x68: {  	_ =	shalt  }
0x69: {  	_ =	shalt  }
0x6a: {  	_ =	shalt  }
0x6b: {  	_ =	shalt  }
0x6c: {  	_ =	shalt  }
0x6d: {  	_ =	shalt  }
0x6e: {  	_ =	shalt  }
0x6f: {  	_ =	shalt  }
0x70: {  	_ =	shalt  }
0x71: {  	_ =	shalt  }
0x72: {  	_ =	shalt  }
0x73: {  	_ =	shalt  }
0x74: {  	_ =	shalt  }
0x75: {  	_ =	shalt  }
0x76: {  	_ =	shalt  }
0x77: {  	_ =	shalt  }
0x78: {  	_ =	shalt  }
0x79: {  	_ =	shalt  }
0x7a: {  	_ =	shalt  }
0x7b: {  	_ =	shalt  }
0x7c: {  	_ =	shalt  }
0x7d: {  	_ =	shalt  }
0x7e: {  	_ =	shalt  }
0x7f: {  	_ =	shalt  }
0x80: {  	_ =	shalt  }
0x81: {  	_ =	shalt  }
0x82: {  	_ =	shalt  }
0x83: {  	_ =	shalt  }
0x84: {  	_ =	shalt  }
0x85: {  	_ =	shalt  }
0x86: {  	_ =	shalt  }
0x87: {  	_ =	shalt  }
.Lfunc_end0:
.L_simem_size_0:
called_computation_lowered:
.L_overlay_start_0:
0x88: {  	s2 =	sld [smem:$0x3FD9]  }
0x89: {  	s3 =	sld [smem:$0x3FFE];
	_ =	sdelay $0x1  }
0x8a: {  	s1 =	srdreg.scid  }
0x8b: {  	s0 =	sand.u32 $0x1, s1  }
0x8c: {  	s17 =	sshll.u32 s0, $0xA;
	s2 =	sadd.s32 s3, s2  }
0x8d: {  	s2 =	sadd.s32 s2, s17  }
0x8e: {  	[smem:$0x3FC2] =	sst s2  }
0x8f: {  	_ = 	snop  }
0x90: {  	s2 =	sld [smem:$0x3FD0];
	(tm) =	ssettm $0x1  }
0x91: {  	s18 =	sld [smem:$0x3FFB];
	_ =	sdelay $0x3  }
0x92: {  	_ =	strace s18  }
0x93: {  	s3 =	sld [smem:$0x3FFC];
	_ =	sdelay $0x3  }
0x94: {  	_ =	strace s3  }
0x95: {  	s3 =	sld [smem:$0x3FFD];
	_ =	sdelay $0x3  }
0x96: {  	_ =	strace s3  }
0x97: {  	_ =	strace $0x8FFFFFFF  }
0x98: {  	s19 =	sld [smem:$0x3FDB];
	_ =	sdelay $0x1  }
0x99: {  	s4 =	simm.s32 $_scs_section_size  }
0x9a: {  	s5 =	simm.s32 $_size__tile_overlayer_lowered;
	s6 =	simm.s32 $_tile_overlayer_lowered  }
0x9b: {  	s22 =	simm.s32 $0x1BFF;
	s21 =	sshll.u32 s6, $0x1;
	s3 =	sadd.s32 s4, s19  }
0x9c: {  	s7 =	simm.s32 $0x0;
	s20 =	sshll.u32 s5, $0x1;
	s5 =	sadd.s32 s21, s3  }
0x9d: {  	[timem:s7], [sflag:s22] =	dma.local [hbm:s5], s20  }
0x9e: {  	_ =	swait.ge [sflag:s22], s20  }
0x9f: {  	s4 =	ssub.s32 $0x0, s20;
	[sflag:s22] =	ssyncset.done $0x0  }
0xa0: {  	[sflag:s22] =	ssyncadd.s32 s4;
	_ =	sdelay $0x1  }
0xa1: {  	s23 =	simm.s32 $0x1B8B  }
0xa2: {  	_ =	swait.ge [sflag:s23], $0x1  }
0xa3: {  	[sflag:s23] =	ssyncset.done $0x0  }
0xa4: {  	s25 =	simm.s32 $0x1B8E;
	s24 =	sld [smem:$0x3FFE];
	[sflag:s23] =	ssyncadd.s32 $0xFFFFFFFF  }
0xa5: {  	s26 =	simm.s32 $execute0_lowered;
	[smem:$0x3FD2] =	sst s25  }
0xa6: {  	s5 =	sshll.u32 s26, $0x1;
	_ =	strace $0x80000046;
	[dreg:$0x1] =	wrdreg $0xFFFFFFFF  }
0xa7: {  	s28 =	simm.s32 $_size_execute0_lowered;
	s3 =	sadd.s32 s3, s5;
	[dreg:$0x0] =	wrdreg $0x0  }
0xa8: {  	s5 =	sshll.u32 s28, $0x1;
	[dreg:$0x2] =	wrdreg s3  }
0xa9: {  	[dreg:$0x3] =	wrdreg s5  }
0xaa: {  	[dreg:$0x4] =	wrdreg $0xC0  }
0xab: {  	_ =	task [dreg:s7], $0x5FFFF  }
0xac: {  	[dreg:$0x1] =	wrdreg $0xFFFFFFFF  }
0xad: {  	[dreg:$0x0] =	wrdreg $0x60  }
0xae: {  	[dreg:$0x2] =	wrdreg s2  }
0xaf: {  	[dreg:$0x3] =	wrdreg s24  }
0xb0: {  	[dreg:$0x4] =	wrdreg $0x0  }
0xb1: {  	[dreg:$0x5] =	wrdreg $0x9  }
0xb2: {  	_ =	task.clear_ibuf [dreg:s7], $0x6FFFF;
	_ =	strace $0x90000046  }
0xb3: {  	s29 =	simm.s32 $0x9;
	_ =	strace $0x80000048  }
0xb4: {  	_ =	swait.ge [sflag:s29], $0x1  }
0xb5: {  	[sflag:s29] =	ssyncadd.s32 $0xFFFFFFFF  }
0xb6: {  	_ =	strace $0x90000048  }
0xb7: {  	_ =	sfence  }
0xb8: {  	s30 =	sld [smem:$0x0];
	_ =	sdelay $0x2  }
0xb9: {  	s31 =	sshll.u32 s1, $0xD;
	s1 =	sshrl.u32 s1, $0x2  }
0xba: {  	s3 =	sand.u32 $0x4000, s31;
	s1 =	sadd.s32 s1, s30  }
0xbb: {  	s0 =	sor.u32 s3, s0;
	s1 =	sshll.u32 s1, $0x11  }
0xbc: {  	s0 =	sor.u32 s1, s0  }
0xbd: {  	s0 =	sadd.s32 $0x8F2B, s0  }
0xbe: {  	[sflag:s0] =	ssyncadd.remote.s32 $0x1  }
0xbf: {  	_ =	sfence.sel $0xFFFF  }
0xc0: {  	[dreg:$0x0] =	wrdreg $0xFFFFFFFF;
	(pc) =	sbr.abs _section_cstart, $3  }
0xc1: {  	[dreg:$0x1] =	wrdreg $0xFFFFFFFF  }
0xc2: {  	_ =	task.clear_ibuf [dreg:s7], $0x2FFFF;
	_ =	strace $0x9FFFFFFF  }
0xc3: {  	(tm) =	ssettm $0x7FFFFFFF  }
tec
execute0_lowered:
.L_overlay_start_1:
0x0: {  	(tag) =	ssettag $0x1  }
0x1: {  	s6 =	rddreg [dreg:$0x0]  }
0x2: {  	s5 =	rddreg [dreg:$0x1]  }
0x3: {  	s2 =	rddreg [dreg:$0x2]  }
0x4: {  	s0 =	rddreg [dreg:$0x3];
	s4 =	srdreg.scid  }
0x5: {  	s3 =	simm.s32 $0x0;
	s1 =	stileid.u32;
	s12 =	simm.s32 $0x1880  }
0x6: {  	s13 =	simm.s32 $0x64;
	s14 =	simm.s32 $0x1;
	s15 =	simm.s32 $0x9880  }
0x7: {  	s16 =	simm.s32 $0x0;
	s8 =	sand.u32 $0x1, s4;
	[smem:$0x7FF] =	sst s3  }
0x8: {  	s9 =	smul.u32 $0x1880, s1;
	s4 =	sadd.s32 $0x800, s5;
	s5 =	sadd.s32 $0x40800, s5  }
0x9: {  	s30 =	sshll.u32 s1, $0x6;
	s31 =	sshll.u32 s1, $0xE;
	s7 =	ssub.s32 $0x2, s8  }
0xa: {  	_ =	strace $0x80000047;
	s8 =	sshll.u32 s8, $0xD;
	s10 =	sshrl.u32 s7, $0x1  }
0xb: {  	s29 =	sshrl.u32 s9, $0x3;
	s11 =	sadd.s32 s9, s2;
	s8 =	sor.u32 s8, s31  }
0xc: {  	s10 =	ssub.s32 s7, s10;
	s6 =	sadd.s32 s6, s29;
	s7 =	sor.u32 $0x1C02, s30  }
0xd: {  	s9 =	smax.u32 s10, $0x1;
	s10 =	sshrl.u32 s11, $0x3;
	s11 =	simm.s32 $0x2  }
.LBB2_1:
0xe: {  	[spmem:s10], [sflag:s7] =	dma.local [hbm:s6], $0x310  }
0xf: {  	_ =	swait.ge [sflag:s11], $0x310  }
0x10: {  	[sflag:s11] =	ssyncset.done $0x0  }
0x11: {  	[sflag:s11] =	ssyncadd.s32 $0xFFFFFCF0  }
0x12: {  	p1 =	por $0x1, $0x1;
	s17 =	simm.s32 $0x0;
	[bflag:$0x0] =	sbarrier.arrive $0xFFFF  }
.LBB2_2:
0x13: {  	s17 =	sor.u32 s8, s17  }
0x14: {  	s19 =	simm.s32 $0x0;
	s18 =	sadd.s32 s4, s17  }
0x15: {  	[tilespmem:s12], [sflag:$0x2] =	stream.linear.gather [hbm4b:s18+s19], $0x8000, $0x38;
	[tilespmem:$0x11880] =	vst v63  }
0x16: {  	_ =	swait.ge [sflag:s11], $0x8000  }
0x17: {  	[sflag:s11] =	ssyncset.done $0x0  }
0x18: {  	s23 =	simm.s32 $0x9880;
	s24 =	simm.s32 $0x1880;
	[sflag:s11] =	ssyncadd.s32 $0xFFFF8000  }
0x19: {  	[tilespmem:s23], [sflag:$0x1] =	stream.indirect.gather [spmem:s2], $0x1, s24, s13, $0xb8;
	[tilespmem:$0x11880] =	vst v63  }
0x1a: {  	s25 =	simm.s32 $0x9900;
	s26 =	simm.s32 $0x1900  }
0x1b: {  	[tilespmem:s25], [sflag:$0x1] =	stream.indirect.gather [spmem:s2], $0x1, s26, s13, $0xb8;
	[tilespmem:$0x11880] =	vst v63  }
0x1c: {  	s28 =	simm.s32 $0x9980;
	s29 =	simm.s32 $0x1980  }
0x1d: {  	[tilespmem:s28], [sflag:$0x1] =	stream.indirect.gather [spmem:s2], $0x1, s29, s13, $0xb8;
	[tilespmem:$0x11880] =	vst v63  }
0x1e: {  	s30 =	simm.s32 $0x9A00;
	s31 =	simm.s32 $0x1A00  }
0x1f: {  	[tilespmem:s30], [sflag:$0x1] =	stream.indirect.gather [spmem:s2], $0x1, s31, s13, $0xb8;
	[tilespmem:$0x11880] =	vst v63  }
0x20: {  	s20 =	simm.s32 $0x1A80;
	s19 =	simm.s32 $0x9A80  }
0x21: {  	[tilespmem:s19], [sflag:$0x1] =	stream.indirect.gather [spmem:s2], $0x1, s20, s13, $0xb8;
	[tilespmem:$0x11880] =	vst v63  }
0x22: {  	s21 =	simm.s32 $0x9B00;
	s22 =	simm.s32 $0x1B00  }
0x23: {  	[tilespmem:s21], [sflag:$0x1] =	stream.indirect.gather [spmem:s2], $0x1, s22, s13, $0xb8;
	[tilespmem:$0x11880] =	vst v63  }
0x24: {  	s23 =	simm.s32 $0x9B80;
	s24 =	simm.s32 $0x1B80  }
0x25: {  	[tilespmem:s23], [sflag:$0x1] =	stream.indirect.gather [spmem:s2], $0x1, s24, s13, $0xb8;
	[tilespmem:$0x11880] =	vst v63  }
0x26: {  	s25 =	simm.s32 $0x9C00;
	s26 =	simm.s32 $0x1C00  }
0x27: {  	[tilespmem:s25], [sflag:$0x1] =	stream.indirect.gather [spmem:s2], $0x1, s26, s13, $0xb8;
	[tilespmem:$0x11880] =	vst v63  }
0x28: {  	s28 =	simm.s32 $0x9C80;
	s29 =	simm.s32 $0x1C80  }
0x29: {  	[tilespmem:s28], [sflag:$0x1] =	stream.indirect.gather [spmem:s2], $0x1, s29, s13, $0xb8;
	[tilespmem:$0x11880] =	vst v63  }
0x2a: {  	s30 =	simm.s32 $0x9D00;
	s31 =	simm.s32 $0x1D00  }
0x2b: {  	[tilespmem:s30], [sflag:$0x1] =	stream.indirect.gather [spmem:s2], $0x1, s31, s13, $0xb8;
	[tilespmem:$0x11880] =	vst v63  }
0x2c: {  	s19 =	simm.s32 $0x9D80;
	s20 =	simm.s32 $0x1D80  }
0x2d: {  	[tilespmem:s19], [sflag:$0x1] =	stream.indirect.gather [spmem:s2], $0x1, s20, s13, $0xb8;
	[tilespmem:$0x11880] =	vst v63  }
0x2e: {  	s21 =	simm.s32 $0x9E00;
	s22 =	simm.s32 $0x1E00  }
0x2f: {  	[tilespmem:s21], [sflag:$0x1] =	stream.indirect.gather [spmem:s2], $0x1, s22, s13, $0xb8;
	[tilespmem:$0x11880] =	vst v63  }
0x30: {  	s23 =	simm.s32 $0x9E80;
	s24 =	simm.s32 $0x1E80  }
0x31: {  	[tilespmem:s23], [sflag:$0x1] =	stream.indirect.gather [spmem:s2], $0x1, s24, s13, $0xb8;
	[tilespmem:$0x11880] =	vst v63  }
0x32: {  	s25 =	simm.s32 $0x9F00;
	s26 =	simm.s32 $0x1F00  }
0x33: {  	[tilespmem:s25], [sflag:$0x1] =	stream.indirect.gather [spmem:s2], $0x1, s26, s13, $0xb8;
	[tilespmem:$0x11880] =	vst v63  }
0x34: {  	s28 =	simm.s32 $0x9F80;
	s29 =	simm.s32 $0x1F80  }
0x35: {  	[tilespmem:s28], [sflag:$0x1] =	stream.indirect.gather [spmem:s2], $0x1, s29, s13, $0xb8;
	[tilespmem:$0x11880] =	vst v63  }
0x36: {  	s30 =	simm.s32 $0xA000;
	s31 =	simm.s32 $0x2000  }
0x37: {  	[tilespmem:s30], [sflag:$0x1] =	stream.indirect.gather [spmem:s2], $0x1, s31, s13, $0xb8;
	[tilespmem:$0x11880] =	vst v63  }
0x38: {  	s19 =	simm.s32 $0xA080;
	s20 =	simm.s32 $0x2080  }
0x39: {  	[tilespmem:s19], [sflag:$0x1] =	stream.indirect.gather [spmem:s2], $0x1, s20, s13, $0xb8;
	[tilespmem:$0x11880] =	vst v63  }
0x3a: {  	s21 =	simm.s32 $0xA100;
	s22 =	simm.s32 $0x2100  }
0x3b: {  	[tilespmem:s21], [sflag:$0x1] =	stream.indirect.gather [spmem:s2], $0x1, s22, s13, $0xb8;
	[tilespmem:$0x11880] =	vst v63  }
0x3c: {  	s23 =	simm.s32 $0xA180;
	s24 =	simm.s32 $0x2180  }
0x3d: {  	[tilespmem:s23], [sflag:$0x1] =	stream.indirect.gather [spmem:s2], $0x1, s24, s13, $0xb8;
	[tilespmem:$0x11880] =	vst v63  }
0x3e: {  	s25 =	simm.s32 $0xA200;
	s26 =	simm.s32 $0x2200  }
0x3f: {  	[tilespmem:s25], [sflag:$0x1] =	stream.indirect.gather [spmem:s2], $0x1, s26, s13, $0xb8;
	[tilespmem:$0x11880] =	vst v63  }
0x40: {  	s28 =	simm.s32 $0xA280;
	s29 =	simm.s32 $0x2280  }
0x41: {  	[tilespmem:s28], [sflag:$0x1] =	stream.indirect.gather [spmem:s2], $0x1, s29, s13, $0xb8;
	[tilespmem:$0x11880] =	vst v63  }
0x42: {  	s30 =	simm.s32 $0xA300;
	s31 =	simm.s32 $0x2300  }
0x43: {  	[tilespmem:s30], [sflag:$0x1] =	stream.indirect.gather [spmem:s2], $0x1, s31, s13, $0xb8;
	[tilespmem:$0x11880] =	vst v63  }
0x44: {  	s19 =	simm.s32 $0xA380;
	s20 =	simm.s32 $0x2380  }
0x45: {  	[tilespmem:s19], [sflag:$0x1] =	stream.indirect.gather [spmem:s2], $0x1, s20, s13, $0xb8;
	[tilespmem:$0x11880] =	vst v63  }
0x46: {  	s21 =	simm.s32 $0xA400;
	s22 =	simm.s32 $0x2400  }
0x47: {  	[tilespmem:s21], [sflag:$0x1] =	stream.indirect.gather [spmem:s2], $0x1, s22, s13, $0xb8;
	[tilespmem:$0x11880] =	vst v63  }
0x48: {  	s23 =	simm.s32 $0xA480;
	s24 =	simm.s32 $0x2480  }
0x49: {  	[tilespmem:s23], [sflag:$0x1] =	stream.indirect.gather [spmem:s2], $0x1, s24, s13, $0xb8;
	[tilespmem:$0x11880] =	vst v63  }
0x4a: {  	s25 =	simm.s32 $0xA500;
	s26 =	simm.s32 $0x2500  }
0x4b: {  	[tilespmem:s25], [sflag:$0x1] =	stream.indirect.gather [spmem:s2], $0x1, s26, s13, $0xb8;
	[tilespmem:$0x11880] =	vst v63  }
0x4c: {  	s28 =	simm.s32 $0xA580;
	s29 =	simm.s32 $0x2580  }
0x4d: {  	[tilespmem:s28], [sflag:$0x1] =	stream.indirect.gather [spmem:s2], $0x1, s29, s13, $0xb8;
	[tilespmem:$0x11880] =	vst v63  }
0x4e: {  	s30 =	simm.s32 $0xA600;
	s31 =	simm.s32 $0x2600  }
0x4f: {  	[tilespmem:s30], [sflag:$0x1] =	stream.indirect.gather [spmem:s2], $0x1, s31, s13, $0xb8;
	[tilespmem:$0x11880] =	vst v63  }
0x50: {  	s19 =	simm.s32 $0xA680;
	s20 =	simm.s32 $0x2680  }
0x51: {  	[tilespmem:s19], [sflag:$0x1] =	stream.indirect.gather [spmem:s2], $0x1, s20, s13, $0xb8;
	[tilespmem:$0x11880] =	vst v63  }
0x52: {  	s21 =	simm.s32 $0xA700;
	s22 =	simm.s32 $0x2700  }
0x53: {  	[tilespmem:s21], [sflag:$0x1] =	stream.indirect.gather [spmem:s2], $0x1, s22, s13, $0xb8;
	[tilespmem:$0x11880] =	vst v63  }
0x54: {  	s23 =	simm.s32 $0xA780;
	s24 =	simm.s32 $0x2780  }
0x55: {  	[tilespmem:s23], [sflag:$0x1] =	stream.indirect.gather [spmem:s2], $0x1, s24, s13, $0xb8;
	[tilespmem:$0x11880] =	vst v63  }
0x56: {  	s25 =	simm.s32 $0xA800;
	s26 =	simm.s32 $0x2800  }
0x57: {  	[tilespmem:s25], [sflag:$0x1] =	stream.indirect.gather [spmem:s2], $0x1, s26, s13, $0xb8;
	[tilespmem:$0x11880] =	vst v63  }
0x58: {  	s28 =	simm.s32 $0xA880;
	s29 =	simm.s32 $0x2880  }
0x59: {  	[tilespmem:s28], [sflag:$0x1] =	stream.indirect.gather [spmem:s2], $0x1, s29, s13, $0xb8;
	[tilespmem:$0x11880] =	vst v63  }
0x5a: {  	s30 =	simm.s32 $0xA900;
	s31 =	simm.s32 $0x2900  }
0x5b: {  	[tilespmem:s30], [sflag:$0x1] =	stream.indirect.gather [spmem:s2], $0x1, s31, s13, $0xb8;
	[tilespmem:$0x11880] =	vst v63  }
0x5c: {  	s19 =	simm.s32 $0xA980;
	s20 =	simm.s32 $0x2980  }
0x5d: {  	[tilespmem:s19], [sflag:$0x1] =	stream.indirect.gather [spmem:s2], $0x1, s20, s13, $0xb8;
	[tilespmem:$0x11880] =	vst v63  }
0x5e: {  	s21 =	simm.s32 $0xAA00;
	s22 =	simm.s32 $0x2A00  }
0x5f: {  	[tilespmem:s21], [sflag:$0x1] =	stream.indirect.gather [spmem:s2], $0x1, s22, s13, $0xb8;
	[tilespmem:$0x11880] =	vst v63  }
0x60: {  	s23 =	simm.s32 $0xAA80;
	s24 =	simm.s32 $0x2A80  }
0x61: {  	[tilespmem:s23], [sflag:$0x1] =	stream.indirect.gather [spmem:s2], $0x1, s24, s13, $0xb8;
	[tilespmem:$0x11880] =	vst v63  }
0x62: {  	s25 =	simm.s32 $0xAB00;
	s26 =	simm.s32 $0x2B00  }
0x63: {  	[tilespmem:s25], [sflag:$0x1] =	stream.indirect.gather [spmem:s2], $0x1, s26, s13, $0xb8;
	[tilespmem:$0x11880] =	vst v63  }
0x64: {  	s28 =	simm.s32 $0xAB80;
	s29 =	simm.s32 $0x2B80  }
0x65: {  	[tilespmem:s28], [sflag:$0x1] =	stream.indirect.gather [spmem:s2], $0x1, s29, s13, $0xb8;
	[tilespmem:$0x11880] =	vst v63  }
0x66: {  	s30 =	simm.s32 $0xAC00;
	s31 =	simm.s32 $0x2C00  }
0x67: {  	[tilespmem:s30], [sflag:$0x1] =	stream.indirect.gather [spmem:s2], $0x1, s31, s13, $0xb8;
	[tilespmem:$0x11880] =	vst v63  }
0x68: {  	s19 =	simm.s32 $0xAC80;
	s20 =	simm.s32 $0x2C80  }
0x69: {  	[tilespmem:s19], [sflag:$0x1] =	stream.indirect.gather [spmem:s2], $0x1, s20, s13, $0xb8;
	[tilespmem:$0x11880] =	vst v63  }
0x6a: {  	s21 =	simm.s32 $0xAD00;
	s22 =	simm.s32 $0x2D00  }
0x6b: {  	[tilespmem:s21], [sflag:$0x1] =	stream.indirect.gather [spmem:s2], $0x1, s22, s13, $0xb8;
	[tilespmem:$0x11880] =	vst v63  }
0x6c: {  	s23 =	simm.s32 $0xAD80;
	s24 =	simm.s32 $0x2D80  }
0x6d: {  	[tilespmem:s23], [sflag:$0x1] =	stream.indirect.gather [spmem:s2], $0x1, s24, s13, $0xb8;
	[tilespmem:$0x11880] =	vst v63  }
0x6e: {  	s25 =	simm.s32 $0xAE00;
	s26 =	simm.s32 $0x2E00  }
0x6f: {  	[tilespmem:s25], [sflag:$0x1] =	stream.indirect.gather [spmem:s2], $0x1, s26, s13, $0xb8;
	[tilespmem:$0x11880] =	vst v63  }
0x70: {  	s28 =	simm.s32 $0xAE80;
	s29 =	simm.s32 $0x2E80  }
0x71: {  	[tilespmem:s28], [sflag:$0x1] =	stream.indirect.gather [spmem:s2], $0x1, s29, s13, $0xb8;
	[tilespmem:$0x11880] =	vst v63  }
0x72: {  	s30 =	simm.s32 $0xAF00;
	s31 =	simm.s32 $0x2F00  }
0x73: {  	[tilespmem:s30], [sflag:$0x1] =	stream.indirect.gather [spmem:s2], $0x1, s31, s13, $0xb8;
	[tilespmem:$0x11880] =	vst v63  }
0x74: {  	s19 =	simm.s32 $0xAF80;
	s20 =	simm.s32 $0x2F80  }
0x75: {  	[tilespmem:s19], [sflag:$0x1] =	stream.indirect.gather [spmem:s2], $0x1, s20, s13, $0xb8;
	[tilespmem:$0x11880] =	vst v63  }
0x76: {  	s21 =	simm.s32 $0xB000;
	s22 =	simm.s32 $0x3000  }
0x77: {  	[tilespmem:s21], [sflag:$0x1] =	stream.indirect.gather [spmem:s2], $0x1, s22, s13, $0xb8;
	[tilespmem:$0x11880] =	vst v63  }
0x78: {  	s23 =	simm.s32 $0xB080;
	s24 =	simm.s32 $0x3080  }
0x79: {  	[tilespmem:s23], [sflag:$0x1] =	stream.indirect.gather [spmem:s2], $0x1, s24, s13, $0xb8;
	[tilespmem:$0x11880] =	vst v63  }
0x7a: {  	s25 =	simm.s32 $0xB100;
	s26 =	simm.s32 $0x3100  }
0x7b: {  	[tilespmem:s25], [sflag:$0x1] =	stream.indirect.gather [spmem:s2], $0x1, s26, s13, $0xb8;
	[tilespmem:$0x11880] =	vst v63  }
0x7c: {  	s28 =	simm.s32 $0xB180;
	s29 =	simm.s32 $0x3180  }
0x7d: {  	[tilespmem:s28], [sflag:$0x1] =	stream.indirect.gather [spmem:s2], $0x1, s29, s13, $0xb8;
	[tilespmem:$0x11880] =	vst v63  }
0x7e: {  	s30 =	simm.s32 $0xB200;
	s31 =	simm.s32 $0x3200  }
0x7f: {  	[tilespmem:s30], [sflag:$0x1] =	stream.indirect.gather [spmem:s2], $0x1, s31, s13, $0xb8;
	[tilespmem:$0x11880] =	vst v63  }
0x80: {  	s19 =	simm.s32 $0xB280;
	s20 =	simm.s32 $0x3280  }
0x81: {  	[tilespmem:s19], [sflag:$0x1] =	stream.indirect.gather [spmem:s2], $0x1, s20, s13, $0xb8;
	[tilespmem:$0x11880] =	vst v63  }
0x82: {  	s21 =	simm.s32 $0xB300;
	s22 =	simm.s32 $0x3300  }
0x83: {  	[tilespmem:s21], [sflag:$0x1] =	stream.indirect.gather [spmem:s2], $0x1, s22, s13, $0xb8;
	[tilespmem:$0x11880] =	vst v63  }
0x84: {  	s23 =	simm.s32 $0xB380;
	s24 =	simm.s32 $0x3380  }
0x85: {  	[tilespmem:s23], [sflag:$0x1] =	stream.indirect.gather [spmem:s2], $0x1, s24, s13, $0xb8;
	[tilespmem:$0x11880] =	vst v63  }
0x86: {  	s25 =	simm.s32 $0xB400;
	s26 =	simm.s32 $0x3400  }
0x87: {  	[tilespmem:s25], [sflag:$0x1] =	stream.indirect.gather [spmem:s2], $0x1, s26, s13, $0xb8;
	[tilespmem:$0x11880] =	vst v63  }
0x88: {  	s28 =	simm.s32 $0xB480;
	s29 =	simm.s32 $0x3480  }
0x89: {  	[tilespmem:s28], [sflag:$0x1] =	stream.indirect.gather [spmem:s2], $0x1, s29, s13, $0xb8;
	[tilespmem:$0x11880] =	vst v63  }
0x8a: {  	s30 =	simm.s32 $0xB500;
	s31 =	simm.s32 $0x3500  }
0x8b: {  	[tilespmem:s30], [sflag:$0x1] =	stream.indirect.gather [spmem:s2], $0x1, s31, s13, $0xb8;
	[tilespmem:$0x11880] =	vst v63  }
0x8c: {  	s19 =	simm.s32 $0xB580;
	s20 =	simm.s32 $0x3580  }
0x8d: {  	[tilespmem:s19], [sflag:$0x1] =	stream.indirect.gather [spmem:s2], $0x1, s20, s13, $0xb8;
	[tilespmem:$0x11880] =	vst v63  }
0x8e: {  	s21 =	simm.s32 $0xB600;
	s22 =	simm.s32 $0x3600  }
0x8f: {  	[tilespmem:s21], [sflag:$0x1] =	stream.indirect.gather [spmem:s2], $0x1, s22, s13, $0xb8;
	[tilespmem:$0x11880] =	vst v63  }
0x90: {  	s23 =	simm.s32 $0xB680;
	s24 =	simm.s32 $0x3680  }
0x91: {  	[tilespmem:s23], [sflag:$0x1] =	stream.indirect.gather [spmem:s2], $0x1, s24, s13, $0xb8;
	[tilespmem:$0x11880] =	vst v63  }
0x92: {  	s25 =	simm.s32 $0xB700;
	s26 =	simm.s32 $0x3700  }
0x93: {  	[tilespmem:s25], [sflag:$0x1] =	stream.indirect.gather [spmem:s2], $0x1, s26, s13, $0xb8;
	[tilespmem:$0x11880] =	vst v63  }
0x94: {  	s28 =	simm.s32 $0xB780;
	s29 =	simm.s32 $0x3780  }
0x95: {  	[tilespmem:s28], [sflag:$0x1] =	stream.indirect.gather [spmem:s2], $0x1, s29, s13, $0xb8;
	[tilespmem:$0x11880] =	vst v63  }
0x96: {  	s30 =	simm.s32 $0xB800;
	s31 =	simm.s32 $0x3800  }
0x97: {  	[tilespmem:s30], [sflag:$0x1] =	stream.indirect.gather [spmem:s2], $0x1, s31, s13, $0xb8;
	[tilespmem:$0x11880] =	vst v63  }
0x98: {  	_ =	swait.ge [sflag:s14], $0x64  }
0x99: {  	[sflag:s14] =	ssyncset.done $0x0  }
0x9a: {  	[sflag:s14] =	ssyncadd.s32 $0xFFFFFF9C  }
0x9b: {  	_ =	swait.ge [sflag:s14], $0x64  }
0x9c: {  	[sflag:s14] =	ssyncset.done $0x0  }
0x9d: {  	[sflag:s14] =	ssyncadd.s32 $0xFFFFFF9C  }
0x9e: {  	_ =	swait.ge [sflag:s14], $0x64  }
0x9f: {  	[sflag:s14] =	ssyncset.done $0x0  }
0xa0: {  	[sflag:s14] =	ssyncadd.s32 $0xFFFFFF9C  }
0xa1: {  	_ =	swait.ge [sflag:s14], $0x64  }
0xa2: {  	[sflag:s14] =	ssyncset.done $0x0  }
0xa3: {  	[sflag:s14] =	ssyncadd.s32 $0xFFFFFF9C  }
0xa4: {  	_ =	swait.ge [sflag:s14], $0x64  }
0xa5: {  	[sflag:s14] =	ssyncset.done $0x0  }
0xa6: {  	[sflag:s14] =	ssyncadd.s32 $0xFFFFFF9C  }
0xa7: {  	_ =	swait.ge [sflag:s14], $0x64  }
0xa8: {  	[sflag:s14] =	ssyncset.done $0x0  }
0xa9: {  	[sflag:s14] =	ssyncadd.s32 $0xFFFFFF9C  }
0xaa: {  	_ =	swait.ge [sflag:s14], $0x64  }
0xab: {  	[sflag:s14] =	ssyncset.done $0x0  }
0xac: {  	[sflag:s14] =	ssyncadd.s32 $0xFFFFFF9C  }
0xad: {  	_ =	swait.ge [sflag:s14], $0x64  }
0xae: {  	[sflag:s14] =	ssyncset.done $0x0  }
0xaf: {  	[sflag:s14] =	ssyncadd.s32 $0xFFFFFF9C  }
0xb0: {  	_ =	swait.ge [sflag:s14], $0x64  }
0xb1: {  	[sflag:s14] =	ssyncset.done $0x0  }
0xb2: {  	[sflag:s14] =	ssyncadd.s32 $0xFFFFFF9C  }
0xb3: {  	_ =	swait.ge [sflag:s14], $0x64  }
0xb4: {  	[sflag:s14] =	ssyncset.done $0x0  }
0xb5: {  	[sflag:s14] =	ssyncadd.s32 $0xFFFFFF9C  }
0xb6: {  	_ =	swait.ge [sflag:s14], $0x64  }
0xb7: {  	[sflag:s14] =	ssyncset.done $0x0  }
0xb8: {  	[sflag:s14] =	ssyncadd.s32 $0xFFFFFF9C  }
0xb9: {  	_ =	swait.ge [sflag:s14], $0x64  }
0xba: {  	[sflag:s14] =	ssyncset.done $0x0  }
0xbb: {  	[sflag:s14] =	ssyncadd.s32 $0xFFFFFF9C  }
0xbc: {  	_ =	swait.ge [sflag:s14], $0x64  }
0xbd: {  	[sflag:s14] =	ssyncset.done $0x0  }
0xbe: {  	[sflag:s14] =	ssyncadd.s32 $0xFFFFFF9C  }
0xbf: {  	_ =	swait.ge [sflag:s14], $0x64  }
0xc0: {  	[sflag:s14] =	ssyncset.done $0x0  }
0xc1: {  	[sflag:s14] =	ssyncadd.s32 $0xFFFFFF9C  }
0xc2: {  	_ =	swait.ge [sflag:s14], $0x64  }
0xc3: {  	[sflag:s14] =	ssyncset.done $0x0  }
0xc4: {  	[sflag:s14] =	ssyncadd.s32 $0xFFFFFF9C  }
0xc5: {  	_ =	swait.ge [sflag:s14], $0x64  }
0xc6: {  	[sflag:s14] =	ssyncset.done $0x0  }
0xc7: {  	[sflag:s14] =	ssyncadd.s32 $0xFFFFFF9C  }
0xc8: {  	_ =	swait.ge [sflag:s14], $0x64  }
0xc9: {  	[sflag:s14] =	ssyncset.done $0x0  }
0xca: {  	[sflag:s14] =	ssyncadd.s32 $0xFFFFFF9C  }
0xcb: {  	_ =	swait.ge [sflag:s14], $0x64  }
0xcc: {  	[sflag:s14] =	ssyncset.done $0x0  }
0xcd: {  	[sflag:s14] =	ssyncadd.s32 $0xFFFFFF9C  }
0xce: {  	_ =	swait.ge [sflag:s14], $0x64  }
0xcf: {  	[sflag:s14] =	ssyncset.done $0x0  }
0xd0: {  	[sflag:s14] =	ssyncadd.s32 $0xFFFFFF9C  }
0xd1: {  	_ =	swait.ge [sflag:s14], $0x64  }
0xd2: {  	[sflag:s14] =	ssyncset.done $0x0  }
0xd3: {  	[sflag:s14] =	ssyncadd.s32 $0xFFFFFF9C  }
0xd4: {  	_ =	swait.ge [sflag:s14], $0x64  }
0xd5: {  	[sflag:s14] =	ssyncset.done $0x0  }
0xd6: {  	[sflag:s14] =	ssyncadd.s32 $0xFFFFFF9C  }
0xd7: {  	_ =	swait.ge [sflag:s14], $0x64  }
0xd8: {  	[sflag:s14] =	ssyncset.done $0x0  }
0xd9: {  	[sflag:s14] =	ssyncadd.s32 $0xFFFFFF9C  }
0xda: {  	_ =	swait.ge [sflag:s14], $0x64  }
0xdb: {  	[sflag:s14] =	ssyncset.done $0x0  }
0xdc: {  	[sflag:s14] =	ssyncadd.s32 $0xFFFFFF9C  }
0xdd: {  	_ =	swait.ge [sflag:s14], $0x64  }
0xde: {  	[sflag:s14] =	ssyncset.done $0x0  }
0xdf: {  	[sflag:s14] =	ssyncadd.s32 $0xFFFFFF9C  }
0xe0: {  	_ =	swait.ge [sflag:s14], $0x64  }
0xe1: {  	[sflag:s14] =	ssyncset.done $0x0  }
0xe2: {  	[sflag:s14] =	ssyncadd.s32 $0xFFFFFF9C  }
0xe3: {  	_ =	swait.ge [sflag:s14], $0x64  }
0xe4: {  	[sflag:s14] =	ssyncset.done $0x0  }
0xe5: {  	[sflag:s14] =	ssyncadd.s32 $0xFFFFFF9C  }
0xe6: {  	_ =	swait.ge [sflag:s14], $0x64  }
0xe7: {  	[sflag:s14] =	ssyncset.done $0x0  }
0xe8: {  	[sflag:s14] =	ssyncadd.s32 $0xFFFFFF9C  }
0xe9: {  	_ =	swait.ge [sflag:s14], $0x64  }
0xea: {  	[sflag:s14] =	ssyncset.done $0x0  }
0xeb: {  	[sflag:s14] =	ssyncadd.s32 $0xFFFFFF9C  }
0xec: {  	_ =	swait.ge [sflag:s14], $0x64  }
0xed: {  	[sflag:s14] =	ssyncset.done $0x0  }
0xee: {  	[sflag:s14] =	ssyncadd.s32 $0xFFFFFF9C  }
0xef: {  	_ =	swait.ge [sflag:s14], $0x64  }
0xf0: {  	[sflag:s14] =	ssyncset.done $0x0  }
0xf1: {  	[sflag:s14] =	ssyncadd.s32 $0xFFFFFF9C  }
0xf2: {  	_ =	swait.ge [sflag:s14], $0x64  }
0xf3: {  	[sflag:s14] =	ssyncset.done $0x0  }
0xf4: {  	[sflag:s14] =	ssyncadd.s32 $0xFFFFFF9C  }
0xf5: {  	_ =	swait.ge [sflag:s14], $0x64  }
0xf6: {  	[sflag:s14] =	ssyncset.done $0x0  }
0xf7: {  	[sflag:s14] =	ssyncadd.s32 $0xFFFFFF9C  }
0xf8: {  	_ =	swait.ge [sflag:s14], $0x64  }
0xf9: {  	[sflag:s14] =	ssyncset.done $0x0  }
0xfa: {  	[sflag:s14] =	ssyncadd.s32 $0xFFFFFF9C  }
0xfb: {  	_ =	swait.ge [sflag:s14], $0x64  }
0xfc: {  	[sflag:s14] =	ssyncset.done $0x0  }
0xfd: {  	[sflag:s14] =	ssyncadd.s32 $0xFFFFFF9C  }
0xfe: {  	_ =	swait.ge [sflag:s14], $0x64  }
0xff: {  	[sflag:s14] =	ssyncset.done $0x0  }
0x100: {  	[sflag:s14] =	ssyncadd.s32 $0xFFFFFF9C  }
0x101: {  	_ =	swait.ge [sflag:s14], $0x64  }
0x102: {  	[sflag:s14] =	ssyncset.done $0x0  }
0x103: {  	[sflag:s14] =	ssyncadd.s32 $0xFFFFFF9C  }
0x104: {  	_ =	swait.ge [sflag:s14], $0x64  }
0x105: {  	[sflag:s14] =	ssyncset.done $0x0  }
0x106: {  	[sflag:s14] =	ssyncadd.s32 $0xFFFFFF9C  }
0x107: {  	_ =	swait.ge [sflag:s14], $0x64  }
0x108: {  	[sflag:s14] =	ssyncset.done $0x0  }
0x109: {  	[sflag:s14] =	ssyncadd.s32 $0xFFFFFF9C  }
0x10a: {  	_ =	swait.ge [sflag:s14], $0x64  }
0x10b: {  	[sflag:s14] =	ssyncset.done $0x0  }
0x10c: {  	[sflag:s14] =	ssyncadd.s32 $0xFFFFFF9C  }
0x10d: {  	_ =	swait.ge [sflag:s14], $0x64  }
0x10e: {  	[sflag:s14] =	ssyncset.done $0x0  }
0x10f: {  	[sflag:s14] =	ssyncadd.s32 $0xFFFFFF9C  }
0x110: {  	_ =	swait.ge [sflag:s14], $0x64  }
0x111: {  	[sflag:s14] =	ssyncset.done $0x0  }
0x112: {  	[sflag:s14] =	ssyncadd.s32 $0xFFFFFF9C  }
0x113: {  	_ =	swait.ge [sflag:s14], $0x64  }
0x114: {  	[sflag:s14] =	ssyncset.done $0x0  }
0x115: {  	[sflag:s14] =	ssyncadd.s32 $0xFFFFFF9C  }
0x116: {  	_ =	swait.ge [sflag:s14], $0x64  }
0x117: {  	[sflag:s14] =	ssyncset.done $0x0  }
0x118: {  	[sflag:s14] =	ssyncadd.s32 $0xFFFFFF9C  }
0x119: {  	_ =	swait.ge [sflag:s14], $0x64  }
0x11a: {  	[sflag:s14] =	ssyncset.done $0x0  }
0x11b: {  	[sflag:s14] =	ssyncadd.s32 $0xFFFFFF9C  }
0x11c: {  	_ =	swait.ge [sflag:s14], $0x64  }
0x11d: {  	[sflag:s14] =	ssyncset.done $0x0  }
0x11e: {  	[sflag:s14] =	ssyncadd.s32 $0xFFFFFF9C  }
0x11f: {  	_ =	swait.ge [sflag:s14], $0x64  }
0x120: {  	[sflag:s14] =	ssyncset.done $0x0  }
0x121: {  	[sflag:s14] =	ssyncadd.s32 $0xFFFFFF9C  }
0x122: {  	_ =	swait.ge [sflag:s14], $0x64  }
0x123: {  	[sflag:s14] =	ssyncset.done $0x0  }
0x124: {  	[sflag:s14] =	ssyncadd.s32 $0xFFFFFF9C  }
0x125: {  	_ =	swait.ge [sflag:s14], $0x64  }
0x126: {  	[sflag:s14] =	ssyncset.done $0x0  }
0x127: {  	[sflag:s14] =	ssyncadd.s32 $0xFFFFFF9C  }
0x128: {  	_ =	swait.ge [sflag:s14], $0x64  }
0x129: {  	[sflag:s14] =	ssyncset.done $0x0  }
0x12a: {  	[sflag:s14] =	ssyncadd.s32 $0xFFFFFF9C  }
0x12b: {  	_ =	swait.ge [sflag:s14], $0x64  }
0x12c: {  	[sflag:s14] =	ssyncset.done $0x0  }
0x12d: {  	[sflag:s14] =	ssyncadd.s32 $0xFFFFFF9C  }
0x12e: {  	_ =	swait.ge [sflag:s14], $0x64  }
0x12f: {  	[sflag:s14] =	ssyncset.done $0x0  }
0x130: {  	[sflag:s14] =	ssyncadd.s32 $0xFFFFFF9C  }
0x131: {  	_ =	swait.ge [sflag:s14], $0x64  }
0x132: {  	[sflag:s14] =	ssyncset.done $0x0  }
0x133: {  	[sflag:s14] =	ssyncadd.s32 $0xFFFFFF9C  }
0x134: {  	_ =	swait.ge [sflag:s14], $0x64  }
0x135: {  	[sflag:s14] =	ssyncset.done $0x0  }
0x136: {  	[sflag:s14] =	ssyncadd.s32 $0xFFFFFF9C  }
0x137: {  	_ =	swait.ge [sflag:s14], $0x64  }
0x138: {  	[sflag:s14] =	ssyncset.done $0x0  }
0x139: {  	[sflag:s14] =	ssyncadd.s32 $0xFFFFFF9C  }
0x13a: {  	_ =	swait.ge [sflag:s14], $0x64  }
0x13b: {  	[sflag:s14] =	ssyncset.done $0x0  }
0x13c: {  	[sflag:s14] =	ssyncadd.s32 $0xFFFFFF9C  }
0x13d: {  	_ =	swait.ge [sflag:s14], $0x64  }
0x13e: {  	[sflag:s14] =	ssyncset.done $0x0  }
0x13f: {  	[sflag:s14] =	ssyncadd.s32 $0xFFFFFF9C  }
0x140: {  	_ =	swait.ge [sflag:s14], $0x64  }
0x141: {  	[sflag:s14] =	ssyncset.done $0x0  }
0x142: {  	[sflag:s14] =	ssyncadd.s32 $0xFFFFFF9C  }
0x143: {  	_ =	swait.ge [sflag:s14], $0x64  }
0x144: {  	[sflag:s14] =	ssyncset.done $0x0  }
0x145: {  	[sflag:s14] =	ssyncadd.s32 $0xFFFFFF9C  }
0x146: {  	_ =	swait.ge [sflag:s14], $0x64  }
0x147: {  	[sflag:s14] =	ssyncset.done $0x0  }
0x148: {  	[sflag:s14] =	ssyncadd.s32 $0xFFFFFF9C  }
0x149: {  	_ =	swait.ge [sflag:s14], $0x64  }
0x14a: {  	[sflag:s14] =	ssyncset.done $0x0  }
0x14b: {  	[sflag:s14] =	ssyncadd.s32 $0xFFFFFF9C  }
0x14c: {  	_ =	swait.ge [sflag:s14], $0x64  }
0x14d: {  	[sflag:s14] =	ssyncset.done $0x0  }
0x14e: {  	[sflag:s14] =	ssyncadd.s32 $0xFFFFFF9C  }
0x14f: {  	_ =	swait.ge [sflag:s14], $0x64  }
0x150: {  	[sflag:s14] =	ssyncset.done $0x0  }
0x151: {  	[sflag:s14] =	ssyncadd.s32 $0xFFFFFF9C  }
0x152: {  	_ =	swait.ge [sflag:s14], $0x64  }
0x153: {  	[sflag:s14] =	ssyncset.done $0x0  }
0x154: {  	[sflag:s14] =	ssyncadd.s32 $0xFFFFFF9C  }
0x155: {  	p0 =	por p1, p1;
	_ =	swait.ge [sflag:s14], $0x64  }
0x156: {  	s20 =	simm.s32 $0x2000;
	s21 =	simm.s32 $0x10000;
	[sflag:s14] =	ssyncset.done $0x0  }
.LBB2_3:
0x157: {  	s19 =	sadd.s32 $0x9880, s20  }
0x158: {  	s22 =	sadd.s32 $0x1880, s20;
	[sflag:s14] =	ssyncadd.s32 $0xFFFFFF9C;
	s18 =	smov.u32 s21  }
0x159: {  	[tilespmem:s19], [sflag:$0x1] =	stream.indirect.gather [spmem:s2], $0x1, s22, s13, $0xb8;
	[tilespmem:$0x11880] =	vst v63  }
0x15a: {  	s23 =	sadd.s32 $0x1900, s20;
	s19 =	sadd.s32 $0x8000, s21;
	s22 =	sadd.s32 $0x9900, s20  }
0x15b: {  	[tilespmem:s22], [sflag:$0x1] =	stream.indirect.gather [spmem:s2], $0x1, s23, s13, $0xb8;
	[tilespmem:$0x11880] =	vst v63  }
0x15c: {  	p1 =	sne.s32 s21, $0x18000;
	s21 =	sadd.s32 $0x9980, s20;
	s22 =	sadd.s32 $0x1980, s20  }
0x15d: {  	[tilespmem:s21], [sflag:$0x1] =	stream.indirect.gather [spmem:s2], $0x1, s22, s13, $0xb8;
	[tilespmem:$0x11880] =	vst v63  }
0x15e: {  	s21 =	sadd.s32 $0x9A00, s20;
	s22 =	sadd.s32 $0x1A00, s20  }
0x15f: {  	[tilespmem:s21], [sflag:$0x1] =	stream.indirect.gather [spmem:s2], $0x1, s22, s13, $0xb8;
	[tilespmem:$0x11880] =	vst v63  }
0x160: {  	s21 =	sadd.s32 $0x9A80, s20;
	s22 =	sadd.s32 $0x1A80, s20  }
0x161: {  	[tilespmem:s21], [sflag:$0x1] =	stream.indirect.gather [spmem:s2], $0x1, s22, s13, $0xb8;
	[tilespmem:$0x11880] =	vst v63  }
0x162: {  	s21 =	sadd.s32 $0x9B00, s20;
	s22 =	sadd.s32 $0x1B00, s20  }
0x163: {  	[tilespmem:s21], [sflag:$0x1] =	stream.indirect.gather [spmem:s2], $0x1, s22, s13, $0xb8;
	[tilespmem:$0x11880] =	vst v63  }
0x164: {  	s21 =	sadd.s32 $0x9B80, s20;
	s22 =	sadd.s32 $0x1B80, s20  }
0x165: {  	[tilespmem:s21], [sflag:$0x1] =	stream.indirect.gather [spmem:s2], $0x1, s22, s13, $0xb8;
	[tilespmem:$0x11880] =	vst v63  }
0x166: {  	s21 =	sadd.s32 $0x9C00, s20;
	s22 =	sadd.s32 $0x1C00, s20  }
0x167: {  	[tilespmem:s21], [sflag:$0x1] =	stream.indirect.gather [spmem:s2], $0x1, s22, s13, $0xb8;
	[tilespmem:$0x11880] =	vst v63  }
0x168: {  	s21 =	sadd.s32 $0x9C80, s20;
	s22 =	sadd.s32 $0x1C80, s20  }
0x169: {  	[tilespmem:s21], [sflag:$0x1] =	stream.indirect.gather [spmem:s2], $0x1, s22, s13, $0xb8;
	[tilespmem:$0x11880] =	vst v63  }
0x16a: {  	s21 =	sadd.s32 $0x9D00, s20;
	s22 =	sadd.s32 $0x1D00, s20  }
0x16b: {  	[tilespmem:s21], [sflag:$0x1] =	stream.indirect.gather [spmem:s2], $0x1, s22, s13, $0xb8;
	[tilespmem:$0x11880] =	vst v63  }
0x16c: {  	s21 =	sadd.s32 $0x9D80, s20;
	s22 =	sadd.s32 $0x1D80, s20  }
0x16d: {  	[tilespmem:s21], [sflag:$0x1] =	stream.indirect.gather [spmem:s2], $0x1, s22, s13, $0xb8;
	[tilespmem:$0x11880] =	vst v63  }
0x16e: {  	s21 =	sadd.s32 $0x9E00, s20;
	s22 =	sadd.s32 $0x1E00, s20  }
0x16f: {  	[tilespmem:s21], [sflag:$0x1] =	stream.indirect.gather [spmem:s2], $0x1, s22, s13, $0xb8;
	[tilespmem:$0x11880] =	vst v63  }
0x170: {  	s21 =	sadd.s32 $0x9E80, s20;
	s22 =	sadd.s32 $0x1E80, s20  }
0x171: {  	[tilespmem:s21], [sflag:$0x1] =	stream.indirect.gather [spmem:s2], $0x1, s22, s13, $0xb8;
	[tilespmem:$0x11880] =	vst v63  }
0x172: {  	s21 =	sadd.s32 $0x9F00, s20;
	s22 =	sadd.s32 $0x1F00, s20  }
0x173: {  	[tilespmem:s21], [sflag:$0x1] =	stream.indirect.gather [spmem:s2], $0x1, s22, s13, $0xb8;
	[tilespmem:$0x11880] =	vst v63  }
0x174: {  	s21 =	sadd.s32 $0x9F80, s20;
	s22 =	sadd.s32 $0x1F80, s20  }
0x175: {  	[tilespmem:s21], [sflag:$0x1] =	stream.indirect.gather [spmem:s2], $0x1, s22, s13, $0xb8;
	[tilespmem:$0x11880] =	vst v63  }
0x176: {  	s21 =	sadd.s32 $0xA000, s20;
	s22 =	sadd.s32 $0x2000, s20  }
0x177: {  	[tilespmem:s21], [sflag:$0x1] =	stream.indirect.gather [spmem:s2], $0x1, s22, s13, $0xb8;
	[tilespmem:$0x11880] =	vst v63  }
0x178: {  	s21 =	sadd.s32 $0xA080, s20;
	s22 =	sadd.s32 $0x2080, s20  }
0x179: {  	[tilespmem:s21], [sflag:$0x1] =	stream.indirect.gather [spmem:s2], $0x1, s22, s13, $0xb8;
	[tilespmem:$0x11880] =	vst v63  }
0x17a: {  	s21 =	sadd.s32 $0xA100, s20;
	s22 =	sadd.s32 $0x2100, s20  }
0x17b: {  	[tilespmem:s21], [sflag:$0x1] =	stream.indirect.gather [spmem:s2], $0x1, s22, s13, $0xb8;
	[tilespmem:$0x11880] =	vst v63  }
0x17c: {  	s21 =	sadd.s32 $0xA180, s20;
	s22 =	sadd.s32 $0x2180, s20  }
0x17d: {  	[tilespmem:s21], [sflag:$0x1] =	stream.indirect.gather [spmem:s2], $0x1, s22, s13, $0xb8;
	[tilespmem:$0x11880] =	vst v63  }
0x17e: {  	s21 =	sadd.s32 $0xA200, s20;
	s22 =	sadd.s32 $0x2200, s20  }
0x17f: {  	[tilespmem:s21], [sflag:$0x1] =	stream.indirect.gather [spmem:s2], $0x1, s22, s13, $0xb8;
	[tilespmem:$0x11880] =	vst v63  }
0x180: {  	s21 =	sadd.s32 $0xA280, s20;
	s22 =	sadd.s32 $0x2280, s20  }
0x181: {  	[tilespmem:s21], [sflag:$0x1] =	stream.indirect.gather [spmem:s2], $0x1, s22, s13, $0xb8;
	[tilespmem:$0x11880] =	vst v63  }
0x182: {  	s21 =	sadd.s32 $0xA300, s20;
	s22 =	sadd.s32 $0x2300, s20  }
0x183: {  	[tilespmem:s21], [sflag:$0x1] =	stream.indirect.gather [spmem:s2], $0x1, s22, s13, $0xb8;
	[tilespmem:$0x11880] =	vst v63  }
0x184: {  	s21 =	sadd.s32 $0xA380, s20;
	s22 =	sadd.s32 $0x2380, s20  }
0x185: {  	[tilespmem:s21], [sflag:$0x1] =	stream.indirect.gather [spmem:s2], $0x1, s22, s13, $0xb8;
	[tilespmem:$0x11880] =	vst v63  }
0x186: {  	s21 =	sadd.s32 $0xA400, s20;
	s22 =	sadd.s32 $0x2400, s20  }
0x187: {  	[tilespmem:s21], [sflag:$0x1] =	stream.indirect.gather [spmem:s2], $0x1, s22, s13, $0xb8;
	[tilespmem:$0x11880] =	vst v63  }
0x188: {  	s21 =	sadd.s32 $0xA480, s20;
	s22 =	sadd.s32 $0x2480, s20  }
0x189: {  	[tilespmem:s21], [sflag:$0x1] =	stream.indirect.gather [spmem:s2], $0x1, s22, s13, $0xb8;
	[tilespmem:$0x11880] =	vst v63  }
0x18a: {  	s21 =	sadd.s32 $0xA500, s20;
	s22 =	sadd.s32 $0x2500, s20  }
0x18b: {  	[tilespmem:s21], [sflag:$0x1] =	stream.indirect.gather [spmem:s2], $0x1, s22, s13, $0xb8;
	[tilespmem:$0x11880] =	vst v63  }
0x18c: {  	s21 =	sadd.s32 $0xA580, s20;
	s22 =	sadd.s32 $0x2580, s20  }
0x18d: {  	[tilespmem:s21], [sflag:$0x1] =	stream.indirect.gather [spmem:s2], $0x1, s22, s13, $0xb8;
	[tilespmem:$0x11880] =	vst v63  }
0x18e: {  	s21 =	sadd.s32 $0xA600, s20;
	s22 =	sadd.s32 $0x2600, s20  }
0x18f: {  	[tilespmem:s21], [sflag:$0x1] =	stream.indirect.gather [spmem:s2], $0x1, s22, s13, $0xb8;
	[tilespmem:$0x11880] =	vst v63  }
0x190: {  	s21 =	sadd.s32 $0xA680, s20;
	s22 =	sadd.s32 $0x2680, s20  }
0x191: {  	[tilespmem:s21], [sflag:$0x1] =	stream.indirect.gather [spmem:s2], $0x1, s22, s13, $0xb8;
	[tilespmem:$0x11880] =	vst v63  }
0x192: {  	s21 =	sadd.s32 $0xA700, s20;
	s22 =	sadd.s32 $0x2700, s20  }
0x193: {  	[tilespmem:s21], [sflag:$0x1] =	stream.indirect.gather [spmem:s2], $0x1, s22, s13, $0xb8;
	[tilespmem:$0x11880] =	vst v63  }
0x194: {  	s21 =	sadd.s32 $0xA780, s20;
	s22 =	sadd.s32 $0x2780, s20  }
0x195: {  	[tilespmem:s21], [sflag:$0x1] =	stream.indirect.gather [spmem:s2], $0x1, s22, s13, $0xb8;
	[tilespmem:$0x11880] =	vst v63  }
0x196: {  	s21 =	sadd.s32 $0xA800, s20;
	s22 =	sadd.s32 $0x2800, s20  }
0x197: {  	[tilespmem:s21], [sflag:$0x1] =	stream.indirect.gather [spmem:s2], $0x1, s22, s13, $0xb8;
	[tilespmem:$0x11880] =	vst v63  }
0x198: {  	s21 =	sadd.s32 $0xA880, s20;
	s22 =	sadd.s32 $0x2880, s20  }
0x199: {  	[tilespmem:s21], [sflag:$0x1] =	stream.indirect.gather [spmem:s2], $0x1, s22, s13, $0xb8;
	[tilespmem:$0x11880] =	vst v63  }
0x19a: {  	s21 =	sadd.s32 $0xA900, s20;
	s22 =	sadd.s32 $0x2900, s20  }
0x19b: {  	[tilespmem:s21], [sflag:$0x1] =	stream.indirect.gather [spmem:s2], $0x1, s22, s13, $0xb8;
	[tilespmem:$0x11880] =	vst v63  }
0x19c: {  	s21 =	sadd.s32 $0xA980, s20;
	s22 =	sadd.s32 $0x2980, s20  }
0x19d: {  	[tilespmem:s21], [sflag:$0x1] =	stream.indirect.gather [spmem:s2], $0x1, s22, s13, $0xb8;
	[tilespmem:$0x11880] =	vst v63  }
0x19e: {  	s21 =	sadd.s32 $0xAA00, s20;
	s22 =	sadd.s32 $0x2A00, s20  }
0x19f: {  	[tilespmem:s21], [sflag:$0x1] =	stream.indirect.gather [spmem:s2], $0x1, s22, s13, $0xb8;
	[tilespmem:$0x11880] =	vst v63  }
0x1a0: {  	s21 =	sadd.s32 $0xAA80, s20;
	s22 =	sadd.s32 $0x2A80, s20  }
0x1a1: {  	[tilespmem:s21], [sflag:$0x1] =	stream.indirect.gather [spmem:s2], $0x1, s22, s13, $0xb8;
	[tilespmem:$0x11880] =	vst v63  }
0x1a2: {  	s21 =	sadd.s32 $0xAB00, s20;
	s22 =	sadd.s32 $0x2B00, s20  }
0x1a3: {  	[tilespmem:s21], [sflag:$0x1] =	stream.indirect.gather [spmem:s2], $0x1, s22, s13, $0xb8;
	[tilespmem:$0x11880] =	vst v63  }
0x1a4: {  	s21 =	sadd.s32 $0xAB80, s20;
	s22 =	sadd.s32 $0x2B80, s20  }
0x1a5: {  	[tilespmem:s21], [sflag:$0x1] =	stream.indirect.gather [spmem:s2], $0x1, s22, s13, $0xb8;
	[tilespmem:$0x11880] =	vst v63  }
0x1a6: {  	s21 =	sadd.s32 $0xAC00, s20;
	s22 =	sadd.s32 $0x2C00, s20  }
0x1a7: {  	[tilespmem:s21], [sflag:$0x1] =	stream.indirect.gather [spmem:s2], $0x1, s22, s13, $0xb8;
	[tilespmem:$0x11880] =	vst v63  }
0x1a8: {  	s21 =	sadd.s32 $0xAC80, s20;
	s22 =	sadd.s32 $0x2C80, s20  }
0x1a9: {  	[tilespmem:s21], [sflag:$0x1] =	stream.indirect.gather [spmem:s2], $0x1, s22, s13, $0xb8;
	[tilespmem:$0x11880] =	vst v63  }
0x1aa: {  	s21 =	sadd.s32 $0xAD00, s20;
	s22 =	sadd.s32 $0x2D00, s20  }
0x1ab: {  	[tilespmem:s21], [sflag:$0x1] =	stream.indirect.gather [spmem:s2], $0x1, s22, s13, $0xb8;
	[tilespmem:$0x11880] =	vst v63  }
0x1ac: {  	s21 =	sadd.s32 $0xAD80, s20;
	s22 =	sadd.s32 $0x2D80, s20  }
0x1ad: {  	[tilespmem:s21], [sflag:$0x1] =	stream.indirect.gather [spmem:s2], $0x1, s22, s13, $0xb8;
	[tilespmem:$0x11880] =	vst v63  }
0x1ae: {  	s21 =	sadd.s32 $0xAE00, s20;
	s22 =	sadd.s32 $0x2E00, s20  }
0x1af: {  	[tilespmem:s21], [sflag:$0x1] =	stream.indirect.gather [spmem:s2], $0x1, s22, s13, $0xb8;
	[tilespmem:$0x11880] =	vst v63  }
0x1b0: {  	s21 =	sadd.s32 $0xAE80, s20;
	s22 =	sadd.s32 $0x2E80, s20  }
0x1b1: {  	[tilespmem:s21], [sflag:$0x1] =	stream.indirect.gather [spmem:s2], $0x1, s22, s13, $0xb8;
	[tilespmem:$0x11880] =	vst v63  }
0x1b2: {  	s21 =	sadd.s32 $0xAF00, s20;
	s22 =	sadd.s32 $0x2F00, s20  }
0x1b3: {  	[tilespmem:s21], [sflag:$0x1] =	stream.indirect.gather [spmem:s2], $0x1, s22, s13, $0xb8;
	[tilespmem:$0x11880] =	vst v63  }
0x1b4: {  	s21 =	sadd.s32 $0xAF80, s20;
	s22 =	sadd.s32 $0x2F80, s20  }
0x1b5: {  	[tilespmem:s21], [sflag:$0x1] =	stream.indirect.gather [spmem:s2], $0x1, s22, s13, $0xb8;
	[tilespmem:$0x11880] =	vst v63  }
0x1b6: {  	s21 =	sadd.s32 $0xB000, s20;
	s22 =	sadd.s32 $0x3000, s20  }
0x1b7: {  	[tilespmem:s21], [sflag:$0x1] =	stream.indirect.gather [spmem:s2], $0x1, s22, s13, $0xb8;
	[tilespmem:$0x11880] =	vst v63  }
0x1b8: {  	s21 =	sadd.s32 $0xB080, s20;
	s22 =	sadd.s32 $0x3080, s20  }
0x1b9: {  	[tilespmem:s21], [sflag:$0x1] =	stream.indirect.gather [spmem:s2], $0x1, s22, s13, $0xb8;
	[tilespmem:$0x11880] =	vst v63  }
0x1ba: {  	s21 =	sadd.s32 $0xB100, s20;
	s22 =	sadd.s32 $0x3100, s20  }
0x1bb: {  	[tilespmem:s21], [sflag:$0x1] =	stream.indirect.gather [spmem:s2], $0x1, s22, s13, $0xb8;
	[tilespmem:$0x11880] =	vst v63  }
0x1bc: {  	s21 =	sadd.s32 $0xB180, s20;
	s22 =	sadd.s32 $0x3180, s20  }
0x1bd: {  	[tilespmem:s21], [sflag:$0x1] =	stream.indirect.gather [spmem:s2], $0x1, s22, s13, $0xb8;
	[tilespmem:$0x11880] =	vst v63  }
0x1be: {  	s21 =	sadd.s32 $0xB200, s20;
	s22 =	sadd.s32 $0x3200, s20  }
0x1bf: {  	[tilespmem:s21], [sflag:$0x1] =	stream.indirect.gather [spmem:s2], $0x1, s22, s13, $0xb8;
	[tilespmem:$0x11880] =	vst v63  }
0x1c0: {  	s21 =	sadd.s32 $0xB280, s20;
	s22 =	sadd.s32 $0x3280, s20  }
0x1c1: {  	[tilespmem:s21], [sflag:$0x1] =	stream.indirect.gather [spmem:s2], $0x1, s22, s13, $0xb8;
	[tilespmem:$0x11880] =	vst v63  }
0x1c2: {  	s21 =	sadd.s32 $0xB300, s20;
	s22 =	sadd.s32 $0x3300, s20  }
0x1c3: {  	[tilespmem:s21], [sflag:$0x1] =	stream.indirect.gather [spmem:s2], $0x1, s22, s13, $0xb8;
	[tilespmem:$0x11880] =	vst v63  }
0x1c4: {  	s21 =	sadd.s32 $0xB380, s20;
	s22 =	sadd.s32 $0x3380, s20  }
0x1c5: {  	[tilespmem:s21], [sflag:$0x1] =	stream.indirect.gather [spmem:s2], $0x1, s22, s13, $0xb8;
	[tilespmem:$0x11880] =	vst v63  }
0x1c6: {  	s21 =	sadd.s32 $0xB400, s20;
	s22 =	sadd.s32 $0x3400, s20  }
0x1c7: {  	[tilespmem:s21], [sflag:$0x1] =	stream.indirect.gather [spmem:s2], $0x1, s22, s13, $0xb8;
	[tilespmem:$0x11880] =	vst v63  }
0x1c8: {  	s21 =	sadd.s32 $0xB480, s20;
	s22 =	sadd.s32 $0x3480, s20  }
0x1c9: {  	[tilespmem:s21], [sflag:$0x1] =	stream.indirect.gather [spmem:s2], $0x1, s22, s13, $0xb8;
	[tilespmem:$0x11880] =	vst v63  }
0x1ca: {  	s21 =	sadd.s32 $0xB500, s20;
	s22 =	sadd.s32 $0x3500, s20  }
0x1cb: {  	[tilespmem:s21], [sflag:$0x1] =	stream.indirect.gather [spmem:s2], $0x1, s22, s13, $0xb8;
	[tilespmem:$0x11880] =	vst v63  }
0x1cc: {  	s21 =	sadd.s32 $0xB580, s20;
	s22 =	sadd.s32 $0x3580, s20  }
0x1cd: {  	[tilespmem:s21], [sflag:$0x1] =	stream.indirect.gather [spmem:s2], $0x1, s22, s13, $0xb8;
	[tilespmem:$0x11880] =	vst v63  }
0x1ce: {  	s21 =	sadd.s32 $0xB600, s20;
	s22 =	sadd.s32 $0x3600, s20  }
0x1cf: {  	[tilespmem:s21], [sflag:$0x1] =	stream.indirect.gather [spmem:s2], $0x1, s22, s13, $0xb8;
	[tilespmem:$0x11880] =	vst v63  }
0x1d0: {  	s21 =	sadd.s32 $0xB680, s20;
	s22 =	sadd.s32 $0x3680, s20  }
0x1d1: {  	[tilespmem:s21], [sflag:$0x1] =	stream.indirect.gather [spmem:s2], $0x1, s22, s13, $0xb8;
	[tilespmem:$0x11880] =	vst v63  }
0x1d2: {  	s21 =	sadd.s32 $0xB700, s20;
	s22 =	sadd.s32 $0x3700, s20  }
0x1d3: {  	[tilespmem:s21], [sflag:$0x1] =	stream.indirect.gather [spmem:s2], $0x1, s22, s13, $0xb8;
	[tilespmem:$0x11880] =	vst v63  }
0x1d4: {  	s21 =	sadd.s32 $0xB780, s20;
	s22 =	sadd.s32 $0x3780, s20  }
0x1d5: {  	[tilespmem:s21], [sflag:$0x1] =	stream.indirect.gather [spmem:s2], $0x1, s22, s13, $0xb8;
	[tilespmem:$0x11880] =	vst v63  }
0x1d6: {  	s21 =	sadd.s32 $0xB800, s20;
	s20 =	sadd.s32 $0x3800, s20  }
0x1d7: {  	[tilespmem:s21], [sflag:$0x1] =	stream.indirect.gather [spmem:s2], $0x1, s20, s13, $0xb8;
	[tilespmem:$0x11880] =	vst v63  }
0x1d8: {  	_ =	swait.ge [sflag:s14], $0x64  }
0x1d9: {  	[sflag:s14] =	ssyncset.done $0x0  }
0x1da: {  	[sflag:s14] =	ssyncadd.s32 $0xFFFFFF9C  }
0x1db: {  	_ =	swait.ge [sflag:s14], $0x64  }
0x1dc: {  	[sflag:s14] =	ssyncset.done $0x0  }
0x1dd: {  	[sflag:s14] =	ssyncadd.s32 $0xFFFFFF9C  }
0x1de: {  	_ =	swait.ge [sflag:s14], $0x64  }
0x1df: {  	[sflag:s14] =	ssyncset.done $0x0  }
0x1e0: {  	[sflag:s14] =	ssyncadd.s32 $0xFFFFFF9C  }
0x1e1: {  	_ =	swait.ge [sflag:s14], $0x64  }
0x1e2: {  	[sflag:s14] =	ssyncset.done $0x0  }
0x1e3: {  	[sflag:s14] =	ssyncadd.s32 $0xFFFFFF9C  }
0x1e4: {  	_ =	swait.ge [sflag:s14], $0x64  }
0x1e5: {  	[sflag:s14] =	ssyncset.done $0x0  }
0x1e6: {  	[sflag:s14] =	ssyncadd.s32 $0xFFFFFF9C  }
0x1e7: {  	_ =	swait.ge [sflag:s14], $0x64  }
0x1e8: {  	[sflag:s14] =	ssyncset.done $0x0  }
0x1e9: {  	[sflag:s14] =	ssyncadd.s32 $0xFFFFFF9C  }
0x1ea: {  	_ =	swait.ge [sflag:s14], $0x64  }
0x1eb: {  	[sflag:s14] =	ssyncset.done $0x0  }
0x1ec: {  	[sflag:s14] =	ssyncadd.s32 $0xFFFFFF9C  }
0x1ed: {  	_ =	swait.ge [sflag:s14], $0x64  }
0x1ee: {  	[sflag:s14] =	ssyncset.done $0x0  }
0x1ef: {  	[sflag:s14] =	ssyncadd.s32 $0xFFFFFF9C  }
0x1f0: {  	_ =	swait.ge [sflag:s14], $0x64  }
0x1f1: {  	[sflag:s14] =	ssyncset.done $0x0  }
0x1f2: {  	[sflag:s14] =	ssyncadd.s32 $0xFFFFFF9C  }
0x1f3: {  	_ =	swait.ge [sflag:s14], $0x64  }
0x1f4: {  	[sflag:s14] =	ssyncset.done $0x0  }
0x1f5: {  	[sflag:s14] =	ssyncadd.s32 $0xFFFFFF9C  }
0x1f6: {  	_ =	swait.ge [sflag:s14], $0x64  }
0x1f7: {  	[sflag:s14] =	ssyncset.done $0x0  }
0x1f8: {  	[sflag:s14] =	ssyncadd.s32 $0xFFFFFF9C  }
0x1f9: {  	_ =	swait.ge [sflag:s14], $0x64  }
0x1fa: {  	[sflag:s14] =	ssyncset.done $0x0  }
0x1fb: {  	[sflag:s14] =	ssyncadd.s32 $0xFFFFFF9C  }
0x1fc: {  	_ =	swait.ge [sflag:s14], $0x64  }
0x1fd: {  	[sflag:s14] =	ssyncset.done $0x0  }
0x1fe: {  	[sflag:s14] =	ssyncadd.s32 $0xFFFFFF9C  }
0x1ff: {  	_ =	swait.ge [sflag:s14], $0x64  }
0x200: {  	[sflag:s14] =	ssyncset.done $0x0  }
0x201: {  	[sflag:s14] =	ssyncadd.s32 $0xFFFFFF9C  }
0x202: {  	_ =	swait.ge [sflag:s14], $0x64  }
0x203: {  	[sflag:s14] =	ssyncset.done $0x0  }
0x204: {  	[sflag:s14] =	ssyncadd.s32 $0xFFFFFF9C  }
0x205: {  	_ =	swait.ge [sflag:s14], $0x64  }
0x206: {  	[sflag:s14] =	ssyncset.done $0x0  }
0x207: {  	[sflag:s14] =	ssyncadd.s32 $0xFFFFFF9C  }
0x208: {  	_ =	swait.ge [sflag:s14], $0x64  }
0x209: {  	[sflag:s14] =	ssyncset.done $0x0  }
0x20a: {  	[sflag:s14] =	ssyncadd.s32 $0xFFFFFF9C  }
0x20b: {  	_ =	swait.ge [sflag:s14], $0x64  }
0x20c: {  	[sflag:s14] =	ssyncset.done $0x0  }
0x20d: {  	[sflag:s14] =	ssyncadd.s32 $0xFFFFFF9C  }
0x20e: {  	_ =	swait.ge [sflag:s14], $0x64  }
0x20f: {  	[sflag:s14] =	ssyncset.done $0x0  }
0x210: {  	[sflag:s14] =	ssyncadd.s32 $0xFFFFFF9C  }
0x211: {  	_ =	swait.ge [sflag:s14], $0x64  }
0x212: {  	[sflag:s14] =	ssyncset.done $0x0  }
0x213: {  	[sflag:s14] =	ssyncadd.s32 $0xFFFFFF9C  }
0x214: {  	_ =	swait.ge [sflag:s14], $0x64  }
0x215: {  	[sflag:s14] =	ssyncset.done $0x0  }
0x216: {  	[sflag:s14] =	ssyncadd.s32 $0xFFFFFF9C  }
0x217: {  	_ =	swait.ge [sflag:s14], $0x64  }
0x218: {  	[sflag:s14] =	ssyncset.done $0x0  }
0x219: {  	[sflag:s14] =	ssyncadd.s32 $0xFFFFFF9C  }
0x21a: {  	_ =	swait.ge [sflag:s14], $0x64  }
0x21b: {  	[sflag:s14] =	ssyncset.done $0x0  }
0x21c: {  	[sflag:s14] =	ssyncadd.s32 $0xFFFFFF9C  }
0x21d: {  	_ =	swait.ge [sflag:s14], $0x64  }
0x21e: {  	[sflag:s14] =	ssyncset.done $0x0  }
0x21f: {  	[sflag:s14] =	ssyncadd.s32 $0xFFFFFF9C  }
0x220: {  	_ =	swait.ge [sflag:s14], $0x64  }
0x221: {  	[sflag:s14] =	ssyncset.done $0x0  }
0x222: {  	[sflag:s14] =	ssyncadd.s32 $0xFFFFFF9C  }
0x223: {  	_ =	swait.ge [sflag:s14], $0x64  }
0x224: {  	[sflag:s14] =	ssyncset.done $0x0  }
0x225: {  	[sflag:s14] =	ssyncadd.s32 $0xFFFFFF9C  }
0x226: {  	_ =	swait.ge [sflag:s14], $0x64  }
0x227: {  	[sflag:s14] =	ssyncset.done $0x0  }
0x228: {  	[sflag:s14] =	ssyncadd.s32 $0xFFFFFF9C  }
0x229: {  	_ =	swait.ge [sflag:s14], $0x64  }
0x22a: {  	[sflag:s14] =	ssyncset.done $0x0  }
0x22b: {  	[sflag:s14] =	ssyncadd.s32 $0xFFFFFF9C  }
0x22c: {  	_ =	swait.ge [sflag:s14], $0x64  }
0x22d: {  	[sflag:s14] =	ssyncset.done $0x0  }
0x22e: {  	[sflag:s14] =	ssyncadd.s32 $0xFFFFFF9C  }
0x22f: {  	_ =	swait.ge [sflag:s14], $0x64  }
0x230: {  	[sflag:s14] =	ssyncset.done $0x0  }
0x231: {  	[sflag:s14] =	ssyncadd.s32 $0xFFFFFF9C  }
0x232: {  	_ =	swait.ge [sflag:s14], $0x64  }
0x233: {  	[sflag:s14] =	ssyncset.done $0x0  }
0x234: {  	[sflag:s14] =	ssyncadd.s32 $0xFFFFFF9C  }
0x235: {  	_ =	swait.ge [sflag:s14], $0x64  }
0x236: {  	[sflag:s14] =	ssyncset.done $0x0  }
0x237: {  	[sflag:s14] =	ssyncadd.s32 $0xFFFFFF9C  }
0x238: {  	_ =	swait.ge [sflag:s14], $0x64  }
0x239: {  	[sflag:s14] =	ssyncset.done $0x0  }
0x23a: {  	[sflag:s14] =	ssyncadd.s32 $0xFFFFFF9C  }
0x23b: {  	_ =	swait.ge [sflag:s14], $0x64  }
0x23c: {  	[sflag:s14] =	ssyncset.done $0x0  }
0x23d: {  	[sflag:s14] =	ssyncadd.s32 $0xFFFFFF9C  }
0x23e: {  	_ =	swait.ge [sflag:s14], $0x64  }
0x23f: {  	[sflag:s14] =	ssyncset.done $0x0  }
0x240: {  	[sflag:s14] =	ssyncadd.s32 $0xFFFFFF9C  }
0x241: {  	_ =	swait.ge [sflag:s14], $0x64  }
0x242: {  	[sflag:s14] =	ssyncset.done $0x0  }
0x243: {  	[sflag:s14] =	ssyncadd.s32 $0xFFFFFF9C  }
0x244: {  	_ =	swait.ge [sflag:s14], $0x64  }
0x245: {  	[sflag:s14] =	ssyncset.done $0x0  }
0x246: {  	[sflag:s14] =	ssyncadd.s32 $0xFFFFFF9C  }
0x247: {  	_ =	swait.ge [sflag:s14], $0x64  }
0x248: {  	[sflag:s14] =	ssyncset.done $0x0  }
0x249: {  	[sflag:s14] =	ssyncadd.s32 $0xFFFFFF9C  }
0x24a: {  	_ =	swait.ge [sflag:s14], $0x64  }
0x24b: {  	[sflag:s14] =	ssyncset.done $0x0  }
0x24c: {  	[sflag:s14] =	ssyncadd.s32 $0xFFFFFF9C  }
0x24d: {  	_ =	swait.ge [sflag:s14], $0x64  }
0x24e: {  	[sflag:s14] =	ssyncset.done $0x0  }
0x24f: {  	[sflag:s14] =	ssyncadd.s32 $0xFFFFFF9C  }
0x250: {  	_ =	swait.ge [sflag:s14], $0x64  }
0x251: {  	[sflag:s14] =	ssyncset.done $0x0  }
0x252: {  	[sflag:s14] =	ssyncadd.s32 $0xFFFFFF9C  }
0x253: {  	_ =	swait.ge [sflag:s14], $0x64  }
0x254: {  	[sflag:s14] =	ssyncset.done $0x0  }
0x255: {  	[sflag:s14] =	ssyncadd.s32 $0xFFFFFF9C  }
0x256: {  	_ =	swait.ge [sflag:s14], $0x64  }
0x257: {  	[sflag:s14] =	ssyncset.done $0x0  }
0x258: {  	[sflag:s14] =	ssyncadd.s32 $0xFFFFFF9C  }
0x259: {  	_ =	swait.ge [sflag:s14], $0x64  }
0x25a: {  	[sflag:s14] =	ssyncset.done $0x0  }
0x25b: {  	[sflag:s14] =	ssyncadd.s32 $0xFFFFFF9C  }
0x25c: {  	_ =	swait.ge [sflag:s14], $0x64  }
0x25d: {  	[sflag:s14] =	ssyncset.done $0x0  }
0x25e: {  	[sflag:s14] =	ssyncadd.s32 $0xFFFFFF9C  }
0x25f: {  	_ =	swait.ge [sflag:s14], $0x64  }
0x260: {  	[sflag:s14] =	ssyncset.done $0x0  }
0x261: {  	[sflag:s14] =	ssyncadd.s32 $0xFFFFFF9C  }
0x262: {  	_ =	swait.ge [sflag:s14], $0x64  }
0x263: {  	[sflag:s14] =	ssyncset.done $0x0  }
0x264: {  	[sflag:s14] =	ssyncadd.s32 $0xFFFFFF9C  }
0x265: {  	_ =	swait.ge [sflag:s14], $0x64  }
0x266: {  	[sflag:s14] =	ssyncset.done $0x0  }
0x267: {  	[sflag:s14] =	ssyncadd.s32 $0xFFFFFF9C  }
0x268: {  	_ =	swait.ge [sflag:s14], $0x64  }
0x269: {  	[sflag:s14] =	ssyncset.done $0x0  }
0x26a: {  	[sflag:s14] =	ssyncadd.s32 $0xFFFFFF9C  }
0x26b: {  	_ =	swait.ge [sflag:s14], $0x64  }
0x26c: {  	[sflag:s14] =	ssyncset.done $0x0  }
0x26d: {  	[sflag:s14] =	ssyncadd.s32 $0xFFFFFF9C  }
0x26e: {  	_ =	swait.ge [sflag:s14], $0x64  }
0x26f: {  	[sflag:s14] =	ssyncset.done $0x0  }
0x270: {  	[sflag:s14] =	ssyncadd.s32 $0xFFFFFF9C  }
0x271: {  	_ =	swait.ge [sflag:s14], $0x64  }
0x272: {  	[sflag:s14] =	ssyncset.done $0x0  }
0x273: {  	[sflag:s14] =	ssyncadd.s32 $0xFFFFFF9C  }
0x274: {  	_ =	swait.ge [sflag:s14], $0x64  }
0x275: {  	[sflag:s14] =	ssyncset.done $0x0  }
0x276: {  	[sflag:s14] =	ssyncadd.s32 $0xFFFFFF9C  }
0x277: {  	_ =	swait.ge [sflag:s14], $0x64  }
0x278: {  	[sflag:s14] =	ssyncset.done $0x0  }
0x279: {  	[sflag:s14] =	ssyncadd.s32 $0xFFFFFF9C  }
0x27a: {  	_ =	swait.ge [sflag:s14], $0x64  }
0x27b: {  	[sflag:s14] =	ssyncset.done $0x0  }
0x27c: {  	[sflag:s14] =	ssyncadd.s32 $0xFFFFFF9C  }
0x27d: {  	_ =	swait.ge [sflag:s14], $0x64  }
0x27e: {  	[sflag:s14] =	ssyncset.done $0x0  }
0x27f: {  	[sflag:s14] =	ssyncadd.s32 $0xFFFFFF9C  }
0x280: {  	_ =	swait.ge [sflag:s14], $0x64  }
0x281: {  	[sflag:s14] =	ssyncset.done $0x0  }
0x282: {  	[sflag:s14] =	ssyncadd.s32 $0xFFFFFF9C  }
0x283: {  	_ =	swait.ge [sflag:s14], $0x64  }
0x284: {  	[sflag:s14] =	ssyncset.done $0x0  }
0x285: {  	[sflag:s14] =	ssyncadd.s32 $0xFFFFFF9C  }
0x286: {  	_ =	swait.ge [sflag:s14], $0x64  }
0x287: {  	[sflag:s14] =	ssyncset.done $0x0  }
0x288: {  	[sflag:s14] =	ssyncadd.s32 $0xFFFFFF9C  }
0x289: {  	_ =	swait.ge [sflag:s14], $0x64  }
0x28a: {  	[sflag:s14] =	ssyncset.done $0x0  }
0x28b: {  	[sflag:s14] =	ssyncadd.s32 $0xFFFFFF9C  }
0x28c: {  	_ =	swait.ge [sflag:s14], $0x64  }
0x28d: {  	[sflag:s14] =	ssyncset.done $0x0  }
0x28e: {  	[sflag:s14] =	ssyncadd.s32 $0xFFFFFF9C  }
0x28f: {  	_ =	swait.ge [sflag:s14], $0x64  }
0x290: {  	[sflag:s14] =	ssyncset.done $0x0  }
0x291: {  	[sflag:s14] =	ssyncadd.s32 $0xFFFFFF9C  }
.Ltmp0:
0x292: {  	_ =	swait.ge [sflag:s14], $0x64;
	(pc) =	sbr.rel @p1 .LBB2_3-.Ltmp0, $4  }
0x293: {  	[sflag:s14] =	ssyncset.done $0x0  }
0x294: {  	[sflag:s14] =	ssyncadd.s32 $0xFFFFFF9C  }
0x295: {  	_ =	swait.ge [sflag:s14], $0x64  }
0x296: {  	s20 =	sshra.s32 s18, $0x2;
	s21 =	smov.u32 s19;
	[sflag:s14] =	ssyncset.done $0x0  }
0x297: {  	s18 =	sadd.s32 $0x9880, s20;
	s19 =	sadd.s32 $0x1880, s20;
	[sflag:s14] =	ssyncadd.s32 $0xFFFFFF9C  }
0x298: {  	[tilespmem:s18], [sflag:$0x1] =	stream.indirect.gather [spmem:s2], $0x1, s19, s13, $0xb8;
	[tilespmem:$0x11880] =	vst v63  }
0x299: {  	s25 =	sadd.s32 $0x9900, s20;
	s26 =	sadd.s32 $0x1900, s20  }
0x29a: {  	[tilespmem:s25], [sflag:$0x1] =	stream.indirect.gather [spmem:s2], $0x1, s26, s13, $0xb8;
	[tilespmem:$0x11880] =	vst v63  }
0x29b: {  	s28 =	sadd.s32 $0x9980, s20;
	s29 =	sadd.s32 $0x1980, s20  }
0x29c: {  	[tilespmem:s28], [sflag:$0x1] =	stream.indirect.gather [spmem:s2], $0x1, s29, s13, $0xb8;
	[tilespmem:$0x11880] =	vst v63  }
0x29d: {  	s30 =	sadd.s32 $0x9A00, s20;
	s31 =	sadd.s32 $0x1A00, s20  }
0x29e: {  	[tilespmem:s30], [sflag:$0x1] =	stream.indirect.gather [spmem:s2], $0x1, s31, s13, $0xb8;
	[tilespmem:$0x11880] =	vst v63  }
0x29f: {  	s21 =	sadd.s32 $0x9A80, s20;
	s22 =	sadd.s32 $0x1A80, s20  }
0x2a0: {  	[tilespmem:s21], [sflag:$0x1] =	stream.indirect.gather [spmem:s2], $0x1, s22, s13, $0xb8;
	[tilespmem:$0x11880] =	vst v63  }
0x2a1: {  	s23 =	sadd.s32 $0x9B00, s20;
	s24 =	sadd.s32 $0x1B00, s20  }
0x2a2: {  	[tilespmem:s23], [sflag:$0x1] =	stream.indirect.gather [spmem:s2], $0x1, s24, s13, $0xb8;
	[tilespmem:$0x11880] =	vst v63  }
0x2a3: {  	s25 =	sadd.s32 $0x9B80, s20;
	s26 =	sadd.s32 $0x1B80, s20  }
0x2a4: {  	[tilespmem:s25], [sflag:$0x1] =	stream.indirect.gather [spmem:s2], $0x1, s26, s13, $0xb8;
	[tilespmem:$0x11880] =	vst v63  }
0x2a5: {  	s28 =	sadd.s32 $0x9C00, s20;
	s29 =	sadd.s32 $0x1C00, s20  }
0x2a6: {  	[tilespmem:s28], [sflag:$0x1] =	stream.indirect.gather [spmem:s2], $0x1, s29, s13, $0xb8;
	[tilespmem:$0x11880] =	vst v63  }
0x2a7: {  	s30 =	sadd.s32 $0x9C80, s20;
	s31 =	sadd.s32 $0x1C80, s20  }
0x2a8: {  	[tilespmem:s30], [sflag:$0x1] =	stream.indirect.gather [spmem:s2], $0x1, s31, s13, $0xb8;
	[tilespmem:$0x11880] =	vst v63  }
0x2a9: {  	s21 =	sadd.s32 $0x9D00, s20;
	s22 =	sadd.s32 $0x1D00, s20  }
0x2aa: {  	[tilespmem:s21], [sflag:$0x1] =	stream.indirect.gather [spmem:s2], $0x1, s22, s13, $0xb8;
	[tilespmem:$0x11880] =	vst v63  }
0x2ab: {  	s23 =	sadd.s32 $0x9D80, s20;
	s24 =	sadd.s32 $0x1D80, s20  }
0x2ac: {  	[tilespmem:s23], [sflag:$0x1] =	stream.indirect.gather [spmem:s2], $0x1, s24, s13, $0xb8;
	[tilespmem:$0x11880] =	vst v63  }
0x2ad: {  	s25 =	sadd.s32 $0x9E00, s20;
	s26 =	sadd.s32 $0x1E00, s20  }
0x2ae: {  	[tilespmem:s25], [sflag:$0x1] =	stream.indirect.gather [spmem:s2], $0x1, s26, s13, $0xb8;
	[tilespmem:$0x11880] =	vst v63  }
0x2af: {  	s28 =	sadd.s32 $0x9E80, s20;
	s29 =	sadd.s32 $0x1E80, s20  }
0x2b0: {  	[tilespmem:s28], [sflag:$0x1] =	stream.indirect.gather [spmem:s2], $0x1, s29, s13, $0xb8;
	[tilespmem:$0x11880] =	vst v63  }
0x2b1: {  	s30 =	sadd.s32 $0x9F00, s20;
	s31 =	sadd.s32 $0x1F00, s20  }
0x2b2: {  	[tilespmem:s30], [sflag:$0x1] =	stream.indirect.gather [spmem:s2], $0x1, s31, s13, $0xb8;
	[tilespmem:$0x11880] =	vst v63  }
0x2b3: {  	s21 =	sadd.s32 $0x9F80, s20;
	s22 =	sadd.s32 $0x1F80, s20  }
0x2b4: {  	[tilespmem:s21], [sflag:$0x1] =	stream.indirect.gather [spmem:s2], $0x1, s22, s13, $0xb8;
	[tilespmem:$0x11880] =	vst v63  }
0x2b5: {  	s23 =	sadd.s32 $0xA000, s20;
	s24 =	sadd.s32 $0x2000, s20  }
0x2b6: {  	[tilespmem:s23], [sflag:$0x1] =	stream.indirect.gather [spmem:s2], $0x1, s24, s13, $0xb8;
	[tilespmem:$0x11880] =	vst v63  }
0x2b7: {  	s25 =	sadd.s32 $0xA080, s20;
	s26 =	sadd.s32 $0x2080, s20  }
0x2b8: {  	[tilespmem:s25], [sflag:$0x1] =	stream.indirect.gather [spmem:s2], $0x1, s26, s13, $0xb8;
	[tilespmem:$0x11880] =	vst v63  }
0x2b9: {  	s28 =	sadd.s32 $0xA100, s20;
	s29 =	sadd.s32 $0x2100, s20  }
0x2ba: {  	[tilespmem:s28], [sflag:$0x1] =	stream.indirect.gather [spmem:s2], $0x1, s29, s13, $0xb8;
	[tilespmem:$0x11880] =	vst v63  }
0x2bb: {  	s30 =	sadd.s32 $0xA180, s20;
	s31 =	sadd.s32 $0x2180, s20  }
0x2bc: {  	[tilespmem:s30], [sflag:$0x1] =	stream.indirect.gather [spmem:s2], $0x1, s31, s13, $0xb8;
	[tilespmem:$0x11880] =	vst v63  }
0x2bd: {  	s21 =	sadd.s32 $0xA200, s20;
	s22 =	sadd.s32 $0x2200, s20  }
0x2be: {  	[tilespmem:s21], [sflag:$0x1] =	stream.indirect.gather [spmem:s2], $0x1, s22, s13, $0xb8;
	[tilespmem:$0x11880] =	vst v63  }
0x2bf: {  	s23 =	sadd.s32 $0xA280, s20;
	s24 =	sadd.s32 $0x2280, s20  }
0x2c0: {  	[tilespmem:s23], [sflag:$0x1] =	stream.indirect.gather [spmem:s2], $0x1, s24, s13, $0xb8;
	[tilespmem:$0x11880] =	vst v63  }
0x2c1: {  	s25 =	sadd.s32 $0xA300, s20;
	s26 =	sadd.s32 $0x2300, s20  }
0x2c2: {  	[tilespmem:s25], [sflag:$0x1] =	stream.indirect.gather [spmem:s2], $0x1, s26, s13, $0xb8;
	[tilespmem:$0x11880] =	vst v63  }
0x2c3: {  	s28 =	sadd.s32 $0xA380, s20;
	s29 =	sadd.s32 $0x2380, s20  }
0x2c4: {  	[tilespmem:s28], [sflag:$0x1] =	stream.indirect.gather [spmem:s2], $0x1, s29, s13, $0xb8;
	[tilespmem:$0x11880] =	vst v63  }
0x2c5: {  	s30 =	sadd.s32 $0xA400, s20;
	s31 =	sadd.s32 $0x2400, s20  }
0x2c6: {  	[tilespmem:s30], [sflag:$0x1] =	stream.indirect.gather [spmem:s2], $0x1, s31, s13, $0xb8;
	[tilespmem:$0x11880] =	vst v63  }
0x2c7: {  	s21 =	sadd.s32 $0xA480, s20;
	s22 =	sadd.s32 $0x2480, s20  }
0x2c8: {  	[tilespmem:s21], [sflag:$0x1] =	stream.indirect.gather [spmem:s2], $0x1, s22, s13, $0xb8;
	[tilespmem:$0x11880] =	vst v63  }
0x2c9: {  	s23 =	sadd.s32 $0xA500, s20;
	s24 =	sadd.s32 $0x2500, s20  }
0x2ca: {  	[tilespmem:s23], [sflag:$0x1] =	stream.indirect.gather [spmem:s2], $0x1, s24, s13, $0xb8;
	[tilespmem:$0x11880] =	vst v63  }
0x2cb: {  	s25 =	sadd.s32 $0xA580, s20;
	s26 =	sadd.s32 $0x2580, s20  }
0x2cc: {  	[tilespmem:s25], [sflag:$0x1] =	stream.indirect.gather [spmem:s2], $0x1, s26, s13, $0xb8;
	[tilespmem:$0x11880] =	vst v63  }
0x2cd: {  	s28 =	sadd.s32 $0xA600, s20;
	s29 =	sadd.s32 $0x2600, s20  }
0x2ce: {  	[tilespmem:s28], [sflag:$0x1] =	stream.indirect.gather [spmem:s2], $0x1, s29, s13, $0xb8;
	[tilespmem:$0x11880] =	vst v63  }
0x2cf: {  	s30 =	sadd.s32 $0xA680, s20;
	s31 =	sadd.s32 $0x2680, s20  }
0x2d0: {  	[tilespmem:s30], [sflag:$0x1] =	stream.indirect.gather [spmem:s2], $0x1, s31, s13, $0xb8;
	[tilespmem:$0x11880] =	vst v63  }
0x2d1: {  	s21 =	sadd.s32 $0xA700, s20;
	s22 =	sadd.s32 $0x2700, s20  }
0x2d2: {  	[tilespmem:s21], [sflag:$0x1] =	stream.indirect.gather [spmem:s2], $0x1, s22, s13, $0xb8;
	[tilespmem:$0x11880] =	vst v63  }
0x2d3: {  	s23 =	sadd.s32 $0xA780, s20;
	s24 =	sadd.s32 $0x2780, s20  }
0x2d4: {  	[tilespmem:s23], [sflag:$0x1] =	stream.indirect.gather [spmem:s2], $0x1, s24, s13, $0xb8;
	[tilespmem:$0x11880] =	vst v63  }
0x2d5: {  	s25 =	sadd.s32 $0xA800, s20;
	s26 =	sadd.s32 $0x2800, s20  }
0x2d6: {  	[tilespmem:s25], [sflag:$0x1] =	stream.indirect.gather [spmem:s2], $0x1, s26, s13, $0xb8;
	[tilespmem:$0x11880] =	vst v63  }
0x2d7: {  	s28 =	sadd.s32 $0xA880, s20;
	s29 =	sadd.s32 $0x2880, s20  }
0x2d8: {  	[tilespmem:s28], [sflag:$0x1] =	stream.indirect.gather [spmem:s2], $0x1, s29, s13, $0xb8;
	[tilespmem:$0x11880] =	vst v63  }
0x2d9: {  	s30 =	sadd.s32 $0xA900, s20;
	s31 =	sadd.s32 $0x2900, s20  }
0x2da: {  	[tilespmem:s30], [sflag:$0x1] =	stream.indirect.gather [spmem:s2], $0x1, s31, s13, $0xb8;
	[tilespmem:$0x11880] =	vst v63  }
0x2db: {  	s21 =	sadd.s32 $0xA980, s20;
	s22 =	sadd.s32 $0x2980, s20  }
0x2dc: {  	[tilespmem:s21], [sflag:$0x1] =	stream.indirect.gather [spmem:s2], $0x1, s22, s13, $0xb8;
	[tilespmem:$0x11880] =	vst v63  }
0x2dd: {  	s23 =	sadd.s32 $0xAA00, s20;
	s24 =	sadd.s32 $0x2A00, s20  }
0x2de: {  	[tilespmem:s23], [sflag:$0x1] =	stream.indirect.gather [spmem:s2], $0x1, s24, s13, $0xb8;
	[tilespmem:$0x11880] =	vst v63  }
0x2df: {  	s25 =	sadd.s32 $0xAA80, s20;
	s26 =	sadd.s32 $0x2A80, s20  }
0x2e0: {  	[tilespmem:s25], [sflag:$0x1] =	stream.indirect.gather [spmem:s2], $0x1, s26, s13, $0xb8;
	[tilespmem:$0x11880] =	vst v63  }
0x2e1: {  	s28 =	sadd.s32 $0xAB00, s20;
	s29 =	sadd.s32 $0x2B00, s20  }
0x2e2: {  	[tilespmem:s28], [sflag:$0x1] =	stream.indirect.gather [spmem:s2], $0x1, s29, s13, $0xb8;
	[tilespmem:$0x11880] =	vst v63  }
0x2e3: {  	s30 =	sadd.s32 $0xAB80, s20;
	s31 =	sadd.s32 $0x2B80, s20  }
0x2e4: {  	[tilespmem:s30], [sflag:$0x1] =	stream.indirect.gather [spmem:s2], $0x1, s31, s13, $0xb8;
	[tilespmem:$0x11880] =	vst v63  }
0x2e5: {  	s21 =	sadd.s32 $0xAC00, s20;
	s22 =	sadd.s32 $0x2C00, s20  }
0x2e6: {  	[tilespmem:s21], [sflag:$0x1] =	stream.indirect.gather [spmem:s2], $0x1, s22, s13, $0xb8;
	[tilespmem:$0x11880] =	vst v63  }
0x2e7: {  	s23 =	sadd.s32 $0xAC80, s20;
	s24 =	sadd.s32 $0x2C80, s20  }
0x2e8: {  	[tilespmem:s23], [sflag:$0x1] =	stream.indirect.gather [spmem:s2], $0x1, s24, s13, $0xb8;
	[tilespmem:$0x11880] =	vst v63  }
0x2e9: {  	s25 =	sadd.s32 $0xAD00, s20;
	s26 =	sadd.s32 $0x2D00, s20  }
0x2ea: {  	[tilespmem:s25], [sflag:$0x1] =	stream.indirect.gather [spmem:s2], $0x1, s26, s13, $0xb8;
	[tilespmem:$0x11880] =	vst v63  }
0x2eb: {  	s28 =	sadd.s32 $0xAD80, s20;
	s29 =	sadd.s32 $0x2D80, s20  }
0x2ec: {  	[tilespmem:s28], [sflag:$0x1] =	stream.indirect.gather [spmem:s2], $0x1, s29, s13, $0xb8;
	[tilespmem:$0x11880] =	vst v63  }
0x2ed: {  	s30 =	sadd.s32 $0xAE00, s20;
	s31 =	sadd.s32 $0x2E00, s20  }
0x2ee: {  	[tilespmem:s30], [sflag:$0x1] =	stream.indirect.gather [spmem:s2], $0x1, s31, s13, $0xb8;
	[tilespmem:$0x11880] =	vst v63  }
0x2ef: {  	s21 =	sadd.s32 $0xAE80, s20;
	s22 =	sadd.s32 $0x2E80, s20  }
0x2f0: {  	[tilespmem:s21], [sflag:$0x1] =	stream.indirect.gather [spmem:s2], $0x1, s22, s13, $0xb8;
	[tilespmem:$0x11880] =	vst v63  }
0x2f1: {  	s23 =	sadd.s32 $0xAF00, s20;
	s24 =	sadd.s32 $0x2F00, s20  }
0x2f2: {  	[tilespmem:s23], [sflag:$0x1] =	stream.indirect.gather [spmem:s2], $0x1, s24, s13, $0xb8;
	[tilespmem:$0x11880] =	vst v63  }
0x2f3: {  	s25 =	sadd.s32 $0xAF80, s20;
	s26 =	sadd.s32 $0x2F80, s20  }
0x2f4: {  	[tilespmem:s25], [sflag:$0x1] =	stream.indirect.gather [spmem:s2], $0x1, s26, s13, $0xb8;
	[tilespmem:$0x11880] =	vst v63  }
0x2f5: {  	s28 =	sadd.s32 $0xB000, s20;
	s29 =	sadd.s32 $0x3000, s20  }
0x2f6: {  	[tilespmem:s28], [sflag:$0x1] =	stream.indirect.gather [spmem:s2], $0x1, s29, s13, $0xb8;
	[tilespmem:$0x11880] =	vst v63  }
0x2f7: {  	s30 =	sadd.s32 $0xB080, s20;
	s31 =	sadd.s32 $0x3080, s20  }
0x2f8: {  	[tilespmem:s30], [sflag:$0x1] =	stream.indirect.gather [spmem:s2], $0x1, s31, s13, $0xb8;
	[tilespmem:$0x11880] =	vst v63  }
0x2f9: {  	s21 =	sadd.s32 $0xB100, s20;
	s22 =	sadd.s32 $0x3100, s20  }
0x2fa: {  	[tilespmem:s21], [sflag:$0x1] =	stream.indirect.gather [spmem:s2], $0x1, s22, s13, $0xb8;
	[tilespmem:$0x11880] =	vst v63  }
0x2fb: {  	s23 =	sadd.s32 $0xB180, s20;
	s24 =	sadd.s32 $0x3180, s20  }
0x2fc: {  	[tilespmem:s23], [sflag:$0x1] =	stream.indirect.gather [spmem:s2], $0x1, s24, s13, $0xb8;
	[tilespmem:$0x11880] =	vst v63  }
0x2fd: {  	s25 =	sadd.s32 $0xB200, s20;
	s26 =	sadd.s32 $0x3200, s20  }
0x2fe: {  	[tilespmem:s25], [sflag:$0x1] =	stream.indirect.gather [spmem:s2], $0x1, s26, s13, $0xb8;
	[tilespmem:$0x11880] =	vst v63  }
0x2ff: {  	s28 =	sadd.s32 $0xB280, s20;
	s29 =	sadd.s32 $0x3280, s20  }
0x300: {  	[tilespmem:s28], [sflag:$0x1] =	stream.indirect.gather [spmem:s2], $0x1, s29, s13, $0xb8;
	[tilespmem:$0x11880] =	vst v63  }
0x301: {  	s30 =	sadd.s32 $0xB300, s20;
	s31 =	sadd.s32 $0x3300, s20  }
0x302: {  	[tilespmem:s30], [sflag:$0x1] =	stream.indirect.gather [spmem:s2], $0x1, s31, s13, $0xb8;
	[tilespmem:$0x11880] =	vst v63  }
0x303: {  	s21 =	sadd.s32 $0xB380, s20;
	s22 =	sadd.s32 $0x3380, s20  }
0x304: {  	[tilespmem:s21], [sflag:$0x1] =	stream.indirect.gather [spmem:s2], $0x1, s22, s13, $0xb8;
	[tilespmem:$0x11880] =	vst v63  }
0x305: {  	s23 =	sadd.s32 $0xB400, s20;
	s24 =	sadd.s32 $0x3400, s20  }
0x306: {  	[tilespmem:s23], [sflag:$0x1] =	stream.indirect.gather [spmem:s2], $0x1, s24, s13, $0xb8;
	[tilespmem:$0x11880] =	vst v63  }
0x307: {  	s25 =	sadd.s32 $0xB480, s20;
	s26 =	sadd.s32 $0x3480, s20  }
0x308: {  	[tilespmem:s25], [sflag:$0x1] =	stream.indirect.gather [spmem:s2], $0x1, s26, s13, $0xb8;
	[tilespmem:$0x11880] =	vst v63  }
0x309: {  	s28 =	sadd.s32 $0xB500, s20;
	s29 =	sadd.s32 $0x3500, s20  }
0x30a: {  	[tilespmem:s28], [sflag:$0x1] =	stream.indirect.gather [spmem:s2], $0x1, s29, s13, $0xb8;
	[tilespmem:$0x11880] =	vst v63  }
0x30b: {  	s30 =	sadd.s32 $0xB580, s20;
	s31 =	sadd.s32 $0x3580, s20  }
0x30c: {  	[tilespmem:s30], [sflag:$0x1] =	stream.indirect.gather [spmem:s2], $0x1, s31, s13, $0xb8;
	[tilespmem:$0x11880] =	vst v63  }
0x30d: {  	s21 =	sadd.s32 $0xB600, s20;
	s22 =	sadd.s32 $0x3600, s20  }
0x30e: {  	[tilespmem:s21], [sflag:$0x1] =	stream.indirect.gather [spmem:s2], $0x1, s22, s13, $0xb8;
	[tilespmem:$0x11880] =	vst v63  }
0x30f: {  	s23 =	sadd.s32 $0xB680, s20;
	s24 =	sadd.s32 $0x3680, s20  }
0x310: {  	[tilespmem:s23], [sflag:$0x1] =	stream.indirect.gather [spmem:s2], $0x1, s24, s13, $0xb8;
	[tilespmem:$0x11880] =	vst v63  }
0x311: {  	s25 =	sadd.s32 $0xB700, s20;
	s26 =	sadd.s32 $0x3700, s20  }
0x312: {  	[tilespmem:s25], [sflag:$0x1] =	stream.indirect.gather [spmem:s2], $0x1, s26, s13, $0xb8;
	[tilespmem:$0x11880] =	vst v63  }
0x313: {  	s28 =	sadd.s32 $0xB780, s20;
	s29 =	sadd.s32 $0x3780, s20  }
0x314: {  	[tilespmem:s28], [sflag:$0x1] =	stream.indirect.gather [spmem:s2], $0x1, s29, s13, $0xb8;
	[tilespmem:$0x11880] =	vst v63  }
0x315: {  	s30 =	sadd.s32 $0xB800, s20;
	s31 =	sadd.s32 $0x3800, s20  }
0x316: {  	[tilespmem:s30], [sflag:$0x1] =	stream.indirect.gather [spmem:s2], $0x1, s31, s13, $0xb8;
	[tilespmem:$0x11880] =	vst v63  }
0x317: {  	_ =	swait.ge [sflag:s14], $0x64  }
0x318: {  	[sflag:s14] =	ssyncset.done $0x0  }
0x319: {  	[sflag:s14] =	ssyncadd.s32 $0xFFFFFF9C  }
0x31a: {  	_ =	swait.ge [sflag:s14], $0x64  }
0x31b: {  	[sflag:s14] =	ssyncset.done $0x0  }
0x31c: {  	[sflag:s14] =	ssyncadd.s32 $0xFFFFFF9C  }
0x31d: {  	_ =	swait.ge [sflag:s14], $0x64  }
0x31e: {  	[sflag:s14] =	ssyncset.done $0x0  }
0x31f: {  	[sflag:s14] =	ssyncadd.s32 $0xFFFFFF9C  }
0x320: {  	_ =	swait.ge [sflag:s14], $0x64  }
0x321: {  	[sflag:s14] =	ssyncset.done $0x0  }
0x322: {  	[sflag:s14] =	ssyncadd.s32 $0xFFFFFF9C  }
0x323: {  	_ =	swait.ge [sflag:s14], $0x64  }
0x324: {  	[sflag:s14] =	ssyncset.done $0x0  }
0x325: {  	[sflag:s14] =	ssyncadd.s32 $0xFFFFFF9C  }
0x326: {  	_ =	swait.ge [sflag:s14], $0x64  }
0x327: {  	[sflag:s14] =	ssyncset.done $0x0  }
0x328: {  	[sflag:s14] =	ssyncadd.s32 $0xFFFFFF9C  }
0x329: {  	_ =	swait.ge [sflag:s14], $0x64  }
0x32a: {  	[sflag:s14] =	ssyncset.done $0x0  }
0x32b: {  	[sflag:s14] =	ssyncadd.s32 $0xFFFFFF9C  }
0x32c: {  	_ =	swait.ge [sflag:s14], $0x64  }
0x32d: {  	[sflag:s14] =	ssyncset.done $0x0  }
0x32e: {  	[sflag:s14] =	ssyncadd.s32 $0xFFFFFF9C  }
0x32f: {  	_ =	swait.ge [sflag:s14], $0x64  }
0x330: {  	[sflag:s14] =	ssyncset.done $0x0  }
0x331: {  	[sflag:s14] =	ssyncadd.s32 $0xFFFFFF9C  }
0x332: {  	_ =	swait.ge [sflag:s14], $0x64  }
0x333: {  	[sflag:s14] =	ssyncset.done $0x0  }
0x334: {  	[sflag:s14] =	ssyncadd.s32 $0xFFFFFF9C  }
0x335: {  	_ =	swait.ge [sflag:s14], $0x64  }
0x336: {  	[sflag:s14] =	ssyncset.done $0x0  }
0x337: {  	[sflag:s14] =	ssyncadd.s32 $0xFFFFFF9C  }
0x338: {  	_ =	swait.ge [sflag:s14], $0x64  }
0x339: {  	[sflag:s14] =	ssyncset.done $0x0  }
0x33a: {  	[sflag:s14] =	ssyncadd.s32 $0xFFFFFF9C  }
0x33b: {  	_ =	swait.ge [sflag:s14], $0x64  }
0x33c: {  	[sflag:s14] =	ssyncset.done $0x0  }
0x33d: {  	[sflag:s14] =	ssyncadd.s32 $0xFFFFFF9C  }
0x33e: {  	_ =	swait.ge [sflag:s14], $0x64  }
0x33f: {  	[sflag:s14] =	ssyncset.done $0x0  }
0x340: {  	[sflag:s14] =	ssyncadd.s32 $0xFFFFFF9C  }
0x341: {  	_ =	swait.ge [sflag:s14], $0x64  }
0x342: {  	[sflag:s14] =	ssyncset.done $0x0  }
0x343: {  	[sflag:s14] =	ssyncadd.s32 $0xFFFFFF9C  }
0x344: {  	_ =	swait.ge [sflag:s14], $0x64  }
0x345: {  	[sflag:s14] =	ssyncset.done $0x0  }
0x346: {  	[sflag:s14] =	ssyncadd.s32 $0xFFFFFF9C  }
0x347: {  	_ =	swait.ge [sflag:s14], $0x64  }
0x348: {  	[sflag:s14] =	ssyncset.done $0x0  }
0x349: {  	[sflag:s14] =	ssyncadd.s32 $0xFFFFFF9C  }
0x34a: {  	_ =	swait.ge [sflag:s14], $0x64  }
0x34b: {  	[sflag:s14] =	ssyncset.done $0x0  }
0x34c: {  	[sflag:s14] =	ssyncadd.s32 $0xFFFFFF9C  }
0x34d: {  	_ =	swait.ge [sflag:s14], $0x64  }
0x34e: {  	[sflag:s14] =	ssyncset.done $0x0  }
0x34f: {  	[sflag:s14] =	ssyncadd.s32 $0xFFFFFF9C  }
0x350: {  	_ =	swait.ge [sflag:s14], $0x64  }
0x351: {  	[sflag:s14] =	ssyncset.done $0x0  }
0x352: {  	[sflag:s14] =	ssyncadd.s32 $0xFFFFFF9C  }
0x353: {  	_ =	swait.ge [sflag:s14], $0x64  }
0x354: {  	[sflag:s14] =	ssyncset.done $0x0  }
0x355: {  	[sflag:s14] =	ssyncadd.s32 $0xFFFFFF9C  }
0x356: {  	_ =	swait.ge [sflag:s14], $0x64  }
0x357: {  	[sflag:s14] =	ssyncset.done $0x0  }
0x358: {  	[sflag:s14] =	ssyncadd.s32 $0xFFFFFF9C  }
0x359: {  	_ =	swait.ge [sflag:s14], $0x64  }
0x35a: {  	[sflag:s14] =	ssyncset.done $0x0  }
0x35b: {  	[sflag:s14] =	ssyncadd.s32 $0xFFFFFF9C  }
0x35c: {  	_ =	swait.ge [sflag:s14], $0x64  }
0x35d: {  	[sflag:s14] =	ssyncset.done $0x0  }
0x35e: {  	[sflag:s14] =	ssyncadd.s32 $0xFFFFFF9C  }
0x35f: {  	_ =	swait.ge [sflag:s14], $0x64  }
0x360: {  	[sflag:s14] =	ssyncset.done $0x0  }
0x361: {  	[sflag:s14] =	ssyncadd.s32 $0xFFFFFF9C  }
0x362: {  	_ =	swait.ge [sflag:s14], $0x64  }
0x363: {  	[sflag:s14] =	ssyncset.done $0x0  }
0x364: {  	[sflag:s14] =	ssyncadd.s32 $0xFFFFFF9C  }
0x365: {  	_ =	swait.ge [sflag:s14], $0x64  }
0x366: {  	[sflag:s14] =	ssyncset.done $0x0  }
0x367: {  	[sflag:s14] =	ssyncadd.s32 $0xFFFFFF9C  }
0x368: {  	_ =	swait.ge [sflag:s14], $0x64  }
0x369: {  	[sflag:s14] =	ssyncset.done $0x0  }
0x36a: {  	[sflag:s14] =	ssyncadd.s32 $0xFFFFFF9C  }
0x36b: {  	_ =	swait.ge [sflag:s14], $0x64  }
0x36c: {  	[sflag:s14] =	ssyncset.done $0x0  }
0x36d: {  	[sflag:s14] =	ssyncadd.s32 $0xFFFFFF9C  }
0x36e: {  	_ =	swait.ge [sflag:s14], $0x64  }
0x36f: {  	[sflag:s14] =	ssyncset.done $0x0  }
0x370: {  	[sflag:s14] =	ssyncadd.s32 $0xFFFFFF9C  }
0x371: {  	_ =	swait.ge [sflag:s14], $0x64  }
0x372: {  	[sflag:s14] =	ssyncset.done $0x0  }
0x373: {  	[sflag:s14] =	ssyncadd.s32 $0xFFFFFF9C  }
0x374: {  	_ =	swait.ge [sflag:s14], $0x64  }
0x375: {  	[sflag:s14] =	ssyncset.done $0x0  }
0x376: {  	[sflag:s14] =	ssyncadd.s32 $0xFFFFFF9C  }
0x377: {  	_ =	swait.ge [sflag:s14], $0x64  }
0x378: {  	[sflag:s14] =	ssyncset.done $0x0  }
0x379: {  	[sflag:s14] =	ssyncadd.s32 $0xFFFFFF9C  }
0x37a: {  	_ =	swait.ge [sflag:s14], $0x64  }
0x37b: {  	[sflag:s14] =	ssyncset.done $0x0  }
0x37c: {  	[sflag:s14] =	ssyncadd.s32 $0xFFFFFF9C  }
0x37d: {  	_ =	swait.ge [sflag:s14], $0x64  }
0x37e: {  	[sflag:s14] =	ssyncset.done $0x0  }
0x37f: {  	[sflag:s14] =	ssyncadd.s32 $0xFFFFFF9C  }
0x380: {  	_ =	swait.ge [sflag:s14], $0x64  }
0x381: {  	[sflag:s14] =	ssyncset.done $0x0  }
0x382: {  	[sflag:s14] =	ssyncadd.s32 $0xFFFFFF9C  }
0x383: {  	_ =	swait.ge [sflag:s14], $0x64  }
0x384: {  	[sflag:s14] =	ssyncset.done $0x0  }
0x385: {  	[sflag:s14] =	ssyncadd.s32 $0xFFFFFF9C  }
0x386: {  	_ =	swait.ge [sflag:s14], $0x64  }
0x387: {  	[sflag:s14] =	ssyncset.done $0x0  }
0x388: {  	[sflag:s14] =	ssyncadd.s32 $0xFFFFFF9C  }
0x389: {  	_ =	swait.ge [sflag:s14], $0x64  }
0x38a: {  	[sflag:s14] =	ssyncset.done $0x0  }
0x38b: {  	[sflag:s14] =	ssyncadd.s32 $0xFFFFFF9C  }
0x38c: {  	_ =	swait.ge [sflag:s14], $0x64  }
0x38d: {  	[sflag:s14] =	ssyncset.done $0x0  }
0x38e: {  	[sflag:s14] =	ssyncadd.s32 $0xFFFFFF9C  }
0x38f: {  	_ =	swait.ge [sflag:s14], $0x64  }
0x390: {  	[sflag:s14] =	ssyncset.done $0x0  }
0x391: {  	[sflag:s14] =	ssyncadd.s32 $0xFFFFFF9C  }
0x392: {  	_ =	swait.ge [sflag:s14], $0x64  }
0x393: {  	[sflag:s14] =	ssyncset.done $0x0  }
0x394: {  	[sflag:s14] =	ssyncadd.s32 $0xFFFFFF9C  }
0x395: {  	_ =	swait.ge [sflag:s14], $0x64  }
0x396: {  	[sflag:s14] =	ssyncset.done $0x0  }
0x397: {  	[sflag:s14] =	ssyncadd.s32 $0xFFFFFF9C  }
0x398: {  	_ =	swait.ge [sflag:s14], $0x64  }
0x399: {  	[sflag:s14] =	ssyncset.done $0x0  }
0x39a: {  	[sflag:s14] =	ssyncadd.s32 $0xFFFFFF9C  }
0x39b: {  	_ =	swait.ge [sflag:s14], $0x64  }
0x39c: {  	[sflag:s14] =	ssyncset.done $0x0  }
0x39d: {  	[sflag:s14] =	ssyncadd.s32 $0xFFFFFF9C  }
0x39e: {  	_ =	swait.ge [sflag:s14], $0x64  }
0x39f: {  	[sflag:s14] =	ssyncset.done $0x0  }
0x3a0: {  	[sflag:s14] =	ssyncadd.s32 $0xFFFFFF9C  }
0x3a1: {  	_ =	swait.ge [sflag:s14], $0x64  }
0x3a2: {  	[sflag:s14] =	ssyncset.done $0x0  }
0x3a3: {  	[sflag:s14] =	ssyncadd.s32 $0xFFFFFF9C  }
0x3a4: {  	_ =	swait.ge [sflag:s14], $0x64  }
0x3a5: {  	[sflag:s14] =	ssyncset.done $0x0  }
0x3a6: {  	[sflag:s14] =	ssyncadd.s32 $0xFFFFFF9C  }
0x3a7: {  	_ =	swait.ge [sflag:s14], $0x64  }
0x3a8: {  	[sflag:s14] =	ssyncset.done $0x0  }
0x3a9: {  	[sflag:s14] =	ssyncadd.s32 $0xFFFFFF9C  }
0x3aa: {  	_ =	swait.ge [sflag:s14], $0x64  }
0x3ab: {  	[sflag:s14] =	ssyncset.done $0x0  }
0x3ac: {  	[sflag:s14] =	ssyncadd.s32 $0xFFFFFF9C  }
0x3ad: {  	_ =	swait.ge [sflag:s14], $0x64  }
0x3ae: {  	[sflag:s14] =	ssyncset.done $0x0  }
0x3af: {  	[sflag:s14] =	ssyncadd.s32 $0xFFFFFF9C  }
0x3b0: {  	_ =	swait.ge [sflag:s14], $0x64  }
0x3b1: {  	[sflag:s14] =	ssyncset.done $0x0  }
0x3b2: {  	[sflag:s14] =	ssyncadd.s32 $0xFFFFFF9C  }
0x3b3: {  	_ =	swait.ge [sflag:s14], $0x64  }
0x3b4: {  	[sflag:s14] =	ssyncset.done $0x0  }
0x3b5: {  	[sflag:s14] =	ssyncadd.s32 $0xFFFFFF9C  }
0x3b6: {  	_ =	swait.ge [sflag:s14], $0x64  }
0x3b7: {  	[sflag:s14] =	ssyncset.done $0x0  }
0x3b8: {  	[sflag:s14] =	ssyncadd.s32 $0xFFFFFF9C  }
0x3b9: {  	_ =	swait.ge [sflag:s14], $0x64  }
0x3ba: {  	[sflag:s14] =	ssyncset.done $0x0  }
0x3bb: {  	[sflag:s14] =	ssyncadd.s32 $0xFFFFFF9C  }
0x3bc: {  	_ =	swait.ge [sflag:s14], $0x64  }
0x3bd: {  	[sflag:s14] =	ssyncset.done $0x0  }
0x3be: {  	[sflag:s14] =	ssyncadd.s32 $0xFFFFFF9C  }
0x3bf: {  	_ =	swait.ge [sflag:s14], $0x64  }
0x3c0: {  	[sflag:s14] =	ssyncset.done $0x0  }
0x3c1: {  	[sflag:s14] =	ssyncadd.s32 $0xFFFFFF9C  }
0x3c2: {  	_ =	swait.ge [sflag:s14], $0x64  }
0x3c3: {  	[sflag:s14] =	ssyncset.done $0x0  }
0x3c4: {  	[sflag:s14] =	ssyncadd.s32 $0xFFFFFF9C  }
0x3c5: {  	_ =	swait.ge [sflag:s14], $0x64  }
0x3c6: {  	[sflag:s14] =	ssyncset.done $0x0  }
0x3c7: {  	[sflag:s14] =	ssyncadd.s32 $0xFFFFFF9C  }
0x3c8: {  	_ =	swait.ge [sflag:s14], $0x64  }
0x3c9: {  	[sflag:s14] =	ssyncset.done $0x0  }
0x3ca: {  	[sflag:s14] =	ssyncadd.s32 $0xFFFFFF9C  }
0x3cb: {  	_ =	swait.ge [sflag:s14], $0x64  }
0x3cc: {  	[sflag:s14] =	ssyncset.done $0x0  }
0x3cd: {  	[sflag:s14] =	ssyncadd.s32 $0xFFFFFF9C  }
0x3ce: {  	_ =	swait.ge [sflag:s14], $0x64  }
0x3cf: {  	[sflag:s14] =	ssyncset.done $0x0  }
0x3d0: {  	[sflag:s14] =	ssyncadd.s32 $0xFFFFFF9C  }
0x3d1: {  	_ =	swait.ge [sflag:s14], $0x64  }
0x3d2: {  	[sflag:s14] =	ssyncset.done $0x0  }
0x3d3: {  	[sflag:s14] =	ssyncadd.s32 $0xFFFFFF9C  }
0x3d4: {  	_ =	swait.ge [sflag:s14], $0x64  }
0x3d5: {  	[sflag:s14] =	ssyncset.done $0x0  }
.Ltmp1:
0x3d6: {  	s17 =	sadd.s32 s5, s17;
	[sflag:s14] =	ssyncadd.s32 $0xFFFFFF9C;
	(pc) =	sbr.rel @p0 .LBB2_2-.Ltmp1, $4  }
0x3d7: {  	[hbm4b:s17+s3] =	stream.linear.scatter [tilespmem:s15], [sflag:$0x2], $0x8000, $0x38;
	[tilespmem:$0x11880] =	vst v63  }
0x3d8: {  	_ =	swait.ge [sflag:s11], $0x8000  }
0x3d9: {  	[sflag:s11] =	ssyncset.done $0x0  }
0x3da: {  	p1 =	por $0x0, $0x0;
	s17 =	simm.s32 $0x1000;
	[sflag:s11] =	ssyncadd.s32 $0xFFFF8000  }
0x3db: {  	s16 =	sadd.s32 $0x1, s16  }
0x3dc: {  	p0 =	sne.s32 s16, s9  }
.Ltmp2:
0x3dd: {  	_ = 	snop;
	(pc) =	sbr.rel @p0 .LBB2_1-.Ltmp2, $1  }
0x3de: {  	_ =	sdelay $0x3  }
0x3df: {  	_ =	sfence.sel $0x180000  }
0x3e0: {  	[bflag:$0x0] =	sbarrier.arrive $0xFFFF  }
0x3e1: {  	p0 =	sne.s32 s1, $0x0;
	_ =	strace $0x90000047  }
0x3e2: {  	s0 =	sadd.s32 @!p0 $0x100000, s0;
	[bflag:$0x2] =	sbarrier.arrive $0xFFFF  }
0x3e3: {  	[sflag:s0] =	ssyncadd.tile.s32 @!p0 $0x1;
	_ =	shalt  }
.Lfunc_end2:
_tile_overlayer_lowered:
.L_overlay_start_2:
0x3e4: {  	(tag) =	ssettag $0x2  }
0x3e5: {  	s0 =	rddreg [dreg:$0x0];
	s2 =	stileid.u32  }
0x3e6: {  	s1 =	rddreg [dreg:$0x1];
	p0 =	sne.s32 s2, $0x0  }
0x3e7: {  	s3 =	rddreg [dreg:$0x2];
	[bflag:$0x3] =	sbarrier.arrive $0xFFFF;
	s2 =	simm.s32 @!p0 $0x1C02  }
0x3e8: {  	[timem:s3], [sflag:s2] =	dma.local @!p0 [hbm:s0], s1  }
0x3e9: {  	s0 =	simm.s32 @!p0 $0x2  }
0x3ea: {  	_ =	swait.ge @!p0 [sflag:s0], s1  }
0x3eb: {  	s1 =	ssub.s32 @!p0 $0x0, s1;
	[sflag:s0] =	ssyncset.done @!p0 $0x0  }
0x3ec: {  	[sflag:s0] =	ssyncadd.s32 @!p0 s1  }
0x3ed: {  	[bflag:$0x3] =	sbarrier.arrive $0xFFFF  }
0x3ee: {  	_ =	shalt  }

</sc_bundles>
